<compile_context>
chip_gen: v7x
topology: tpu7x:2x2x1
jax: 0.10.2.dev20260603
libtpu: 0.0.44.dev20260713+nightly
codegen_flags: <defaults>
</compile_context>

<pallas_src>
import functools

import jax
import jax.numpy as jnp
from jax import lax
from jax.experimental import pallas as pl
from jax.experimental.pallas import tpu as pltpu
from jax.experimental.pallas import tpu_sc as plsc

N = 10000
E = 320000
H = 128

NC = 2
NT = 16
K = 64
NB = 320
EP = NT * NB * K
NQ = 10
NBC = NB // NQ
NBUF = 4
G = 3
WBC = 40
NP = 10240
RPT = NP // NT

ROW_BLK = 2000


def _pre_body(h_ref, c_ref, wt_ref, b_ref, p_ref):
    g = jax.nn.sigmoid(
        jnp.dot(h_ref[...], wt_ref[...], preferred_element_type=jnp.float32)
        + b_ref[...])
    p_ref[...] = g * c_ref[...]


_pre = pl.pallas_call(
    _pre_body,
    grid=(N // ROW_BLK,),
    in_specs=[
        pl.BlockSpec((ROW_BLK, H), lambda i: (i, 0)),
        pl.BlockSpec((ROW_BLK, H), lambda i: (i, 0)),
        pl.BlockSpec((H, H), lambda i: (0, 0)),
        pl.BlockSpec((1, H), lambda i: (0, 0)),
    ],
    out_specs=pl.BlockSpec((ROW_BLK, H), lambda i: (i, 0)),
    out_shape=jax.ShapeDtypeStruct((N, H), jnp.float32),
)


def _post_body(agg_ref, wt_ref, b_ref, h_ref, c_ref):
    ht = agg_ref[0]
    ca = agg_ref[1]
    iou = (jnp.dot(ht, wt_ref[...], preferred_element_type=jnp.float32)
           + b_ref[...])
    i = jax.nn.sigmoid(iou[:, :H])
    o = jax.nn.sigmoid(iou[:, H:2 * H])
    u = jnp.tanh(iou[:, 2 * H:])
    c_new = i * u + ca
    h_ref[...] = o * jnp.tanh(c_new)
    c_ref[...] = c_new


_post = pl.pallas_call(
    _post_body,
    grid=(N // ROW_BLK,),
    in_specs=[
        pl.BlockSpec((NC, ROW_BLK, H), lambda i: (0, i, 0)),
        pl.BlockSpec((H, 3 * H), lambda i: (0, 0)),
        pl.BlockSpec((1, 3 * H), lambda i: (0, 0)),
    ],
    out_specs=[
        pl.BlockSpec((ROW_BLK, H), lambda i: (i, 0)),
        pl.BlockSpec((ROW_BLK, H), lambda i: (i, 0)),
    ],
    out_shape=[
        jax.ShapeDtypeStruct((N, H), jnp.float32),
        jax.ShapeDtypeStruct((N, H), jnp.float32),
    ],
)


def _edge_body(tab, src3, dst3, out, src_v, dst_v, r0, r1, r2, r3, acc,
               g0, g1, g2, g3, s0, s1, s2, s3):
    c = lax.axis_index("c")
    s = lax.axis_index("s")
    rows = (r0, r1, r2, r3)
    gsem = (g0, g1, g2, g3)
    ssem = (s0, s1, s2, s3)
    rows_v = r0

    zero16 = jnp.zeros((16,), jnp.float32)

    def _zrow(i, carry):
        for j in range(H // 16):
            rows_v[i, 16 * j:16 * (j + 1)] = zero16
        return carry

    lax.fori_loop(0, WBC, _zrow, 0)
    base = s * RPT
    for t in range(RPT // WBC):
        pltpu.sync_copy(rows_v.at[pl.ds(0, WBC)],
                        acc.at[pl.ds(base + WBC * t, WBC)])
    plsc.subcore_barrier()

    def _gath(j, b):
        return pltpu.make_async_copy(tab.at[src_v.at[j]], rows[b], gsem[b])

    def _chunk(q, carry):
        pltpu.sync_copy(src3.at[c, s, q], src_v)
        pltpu.sync_copy(dst3.at[s, q], dst_v)
        for b in range(G):
            _gath(b, b).start()

        def _quad(i, carry2):
            for b in range(NBUF):
                j = NBUF * i + b
                _gath(j, b).wait()
                pltpu.async_copy(rows[b], acc.at[dst_v.at[j]], ssem[b],
                                 add=True)
                jn = j + G
                bn = (b + G) % NBUF

                @pl.when(jn < NBC)
                def _issue():
                    @pl.when(jn >= NBUF)
                    def _drain():
                        pltpu.make_async_copy(rows[bn],
                                              acc.at[dst_v.at[jn - NBUF]],
                                              ssem[bn]).wait()
                    _gath(jn, bn).start()
            return carry2

        lax.fori_loop(0, NBC // NBUF, _quad, 0)
        for b in range(NBUF):
            pltpu.make_async_copy(rows[b], acc.at[dst_v.at[NBC - NBUF + b]],
                                  ssem[b]).wait()
        return carry

    lax.fori_loop(0, NQ, _chunk, 0)
    plsc.subcore_barrier()

    for t in range(RPT // WBC):
        pltpu.sync_copy(acc.at[pl.ds(base + WBC * t, WBC)],
                        rows_v.at[pl.ds(0, WBC)])
        pltpu.sync_copy(rows_v.at[pl.ds(0, WBC)],
                        out.at[c, pl.ds(base + WBC * t, WBC)])


@functools.lru_cache(maxsize=1)
def _edge_kernel():
    return pl.kernel(
        _edge_body,
        out_type=pltpu.HBM((NC, NP, H), jnp.float32),
        mesh=plsc.VectorSubcoreMesh(core_axis_name="c", subcore_axis_name="s"),
        scratch_types=[
            pltpu.VMEM((NBC, K), jnp.int32),
            pltpu.VMEM((NBC, K), jnp.int32),
            pltpu.VMEM((K, H), jnp.float32),
            pltpu.VMEM((K, H), jnp.float32),
            pltpu.VMEM((K, H), jnp.float32),
            pltpu.VMEM((K, H), jnp.float32),
            pltpu.VMEM_SHARED((NP, H), jnp.float32),
            pltpu.SemaphoreType.DMA,
            pltpu.SemaphoreType.DMA,
            pltpu.SemaphoreType.DMA,
            pltpu.SemaphoreType.DMA,
            pltpu.SemaphoreType.DMA,
            pltpu.SemaphoreType.DMA,
            pltpu.SemaphoreType.DMA,
            pltpu.SemaphoreType.DMA,
        ],
    )


@jax.jit
def kernel(h, c, edge_index, U_iou_w, U_f_w, U_f_b, b_iou):
    src = edge_index[0].astype(jnp.int32)
    dst = edge_index[1].astype(jnp.int32)

    p = _pre(h, c, U_f_w.T, U_f_b.reshape(1, H))

    tab = jnp.concatenate([h, p], axis=0)
    pad = EP - E
    pr = jnp.arange(pad, dtype=jnp.int32)
    src_p = jnp.concatenate([src, pr % N])
    dst_p = jnp.concatenate([dst, N + pr % (NP - N)])
    src3 = jnp.stack([src_p, src_p + N]).reshape(NC, NT, NQ, NBC, K)
    dst3 = dst_p.reshape(NT, NQ, NBC, K)

    agg = _edge_kernel()(tab, src3, dst3)
    h_new, c_new = _post(agg, U_iou_w.T, b_iou)
    return h_new, c_new

# --- scband reference (transcript-rebuilt; emitter-appended) ---
"""Pipeline reference for scband-child-sum-tree-lstmcell-5884105196311 (READ-ONLY COPY).

The authoritative reference and input builder live on the scoring server;
editing this copy changes nothing except your own understanding.
"""

import jax, jax.numpy as jnp
import numpy as np

N_NODES = 10000
N_EDGES = 320000
H = 128

def setup_inputs(seed: int = 0) -> dict:
    key = jax.random.key(seed)
    k1, k2, k3, k4, k5, k6, k7 = jax.random.split(key, 7)
    h = jax.random.normal(k1, (N_NODES, H), dtype=jnp.float32)
    c = jax.random.normal(k2, (N_NODES, H), dtype=jnp.float32)
    edge_index = jax.random.randint(k3, (2, N_EDGES), 0, N_NODES, dtype=jnp.int64)
    # learned parameters (nn.Linear weight layout: [out_features, in_features])
    U_iou_w = jax.random.normal(k4, (3 * H, H), dtype=jnp.float32) * (1.0 / np.sqrt(H))
    U_f_w = jax.random.normal(k5, (H, H), dtype=jnp.float32) * (1.0 / np.sqrt(H))
    U_f_b = jax.random.normal(k6, (H,), dtype=jnp.float32) * 0.01
    b_iou = jnp.zeros((1, 3 * H), dtype=jnp.float32)
    return {"h": h, "c": c, "edge_index": edge_index, "U_iou_w": U_iou_w, "U_f_w": U_f_w, "U_f_b": U_f_b, "b_iou": b_iou}


def reference(h, c, edge_index, U_iou_w, U_f_w, U_f_b, b_iou):
    # message_func: gather h, c from source nodes along edges
    src = edge_index[0]
    dst = edge_index[1]
    h_src = jnp.take(h, src, axis=0)  # [E, H]
    c_src = jnp.take(c, src, axis=0)  # [E, H]
    n = h.shape[0]
    # reduce_func: h_tild = sum of child h; f = sigmoid(U_f(h_child)); c = sum(f * c_child)
    h_tild = jax.ops.segment_sum(h_src, dst, num_segments=n)  # [N, H]
    f = jax.nn.sigmoid(h_src @ U_f_w.T + U_f_b)  # [E, H]
    c_agg = jax.ops.segment_sum(f * c_src, dst, num_segments=n)  # [N, H]
    iou = h_tild @ U_iou_w.T  # [N, 3H]
    # apply_node_func
    iou = iou + b_iou
    i, o, u = jnp.split(iou, 3, axis=1)
    i = jax.nn.sigmoid(i)
    o = jax.nn.sigmoid(o)
    u = jnp.tanh(u)
    c_new = i * u + c_agg
    h_new = o * jnp.tanh(c_new)
    return h_new, c_new

if __name__ == "__main__":
    import jax
    _d = setup_inputs()
    print(jax.jit(kernel)(*tuple(_d.values())))

</pallas_src>

<mosaic_0001>
#map = affine_map<(d0, d1) -> (0, 0)>
#map1 = affine_map<(d0, d1) -> (0, 0, 0, 0, 0)>
#map2 = affine_map<(d0, d1) -> (0, 0, 0, 0)>
#map3 = affine_map<(d0, d1) -> (0, 0, 0)>
module attributes {stable_mosaic.version = 14 : i64} {
  func.func @_edge_body(%arg0: i32, %arg1: i32, %arg2: memref<20000x128xf32, #tpu.memory_space<hbm>>, %arg3: memref<2x16x10x32x64xi32, #tpu.memory_space<hbm>>, %arg4: memref<16x10x32x64xi32, #tpu.memory_space<hbm>>, %arg5: memref<2x10240x128xf32, #tpu.memory_space<hbm>>, %arg6: memref<32x64xi32, #tpu.memory_space<vmem>>, %arg7: memref<32x64xi32, #tpu.memory_space<vmem>>, %arg8: memref<64x128xf32, #tpu.memory_space<vmem>>, %arg9: memref<64x128xf32, #tpu.memory_space<vmem>>, %arg10: memref<64x128xf32, #tpu.memory_space<vmem>>, %arg11: memref<64x128xf32, #tpu.memory_space<vmem>>, %arg12: memref<10240x128xf32, #tpu.memory_space<vmem_shared>>, %arg13: memref<!tpu.dma_semaphore, #tpu.memory_space<semaphore_mem>>, %arg14: memref<!tpu.dma_semaphore, #tpu.memory_space<semaphore_mem>>, %arg15: memref<!tpu.dma_semaphore, #tpu.memory_space<semaphore_mem>>, %arg16: memref<!tpu.dma_semaphore, #tpu.memory_space<semaphore_mem>>, %arg17: memref<!tpu.dma_semaphore, #tpu.memory_space<semaphore_mem>>, %arg18: memref<!tpu.dma_semaphore, #tpu.memory_space<semaphore_mem>>, %arg19: memref<!tpu.dma_semaphore, #tpu.memory_space<semaphore_mem>>, %arg20: memref<!tpu.dma_semaphore, #tpu.memory_space<semaphore_mem>>) attributes {dimension_semantics = [#tpu.dimension_semantics<core_parallel>, #tpu.dimension_semantics<subcore_parallel>], iteration_bounds = array<i64: 2, 16>, scalar_prefetch = 0 : i64, scratch_operands = 15 : i64, tpu.core_type = #tpu.core_type<sc_vector_subcore>, window_params = [{transform_indices = #map}, {transform_indices = #map1}, {transform_indices = #map2}, {transform_indices = #map3}]} {
    %broadcast_in_dim3A = arith.constant 0.000000e+00 : f32
    %broadcast_in_dim3A_0 = vector.broadcast %broadcast_in_dim3A : f32 to vector<16xf32>
    %scan3A = arith.constant 0 : i32
    %scan3A_1 = arith.constant 0 : i32
    %scan3A_2 = arith.constant 40 : i32
    %scan3A_3 = arith.addi %scan3A_1, %scan3A_2 : i32
    %scan3A_4 = arith.constant 1 : i32
    scf.for %scan3A_109 = %scan3A_1 to %scan3A_3 step %scan3A_4  : i32 {
      %swap3A = arith.index_cast %scan3A_109 : i32 to index
      %swap3A_110 = arith.constant 0 : index
      %swap3A_111 = tpu.vector_load %arg8[%swap3A, %swap3A_110] {strides = array<i32>} : memref<64x128xf32, #tpu.memory_space<vmem>>, vector<1x16xf32>,
      %swap3A_112 = vector.shape_cast %swap3A_111 : vector<1x16xf32> to vector<16xf32>
      %swap3A_113 = vector.shape_cast %broadcast_in_dim3A_0 : vector<16xf32> to vector<1x16xf32>
      tpu.vector_store %arg8[%swap3A, %swap3A_110], %swap3A_113 {strides = array<i32>} : memref<64x128xf32, #tpu.memory_space<vmem>>, vector<1x16xf32>,
      %swap3A_114 = arith.index_cast %scan3A_109 : i32 to index
      %swap3A_115 = arith.constant 16 : index
      %swap3A_116 = tpu.vector_load %arg8[%swap3A_114, %swap3A_115] {strides = array<i32>} : memref<64x128xf32, #tpu.memory_space<vmem>>, vector<1x16xf32>,
      %swap3A_117 = vector.shape_cast %swap3A_116 : vector<1x16xf32> to vector<16xf32>
      %swap3A_118 = vector.shape_cast %broadcast_in_dim3A_0 : vector<16xf32> to vector<1x16xf32>
      tpu.vector_store %arg8[%swap3A_114, %swap3A_115], %swap3A_118 {strides = array<i32>} : memref<64x128xf32, #tpu.memory_space<vmem>>, vector<1x16xf32>,
      %swap3A_119 = arith.index_cast %scan3A_109 : i32 to index
      %swap3A_120 = arith.constant 32 : index
      %swap3A_121 = tpu.vector_load %arg8[%swap3A_119, %swap3A_120] {strides = array<i32>} : memref<64x128xf32, #tpu.memory_space<vmem>>, vector<1x16xf32>,
      %swap3A_122 = vector.shape_cast %swap3A_121 : vector<1x16xf32> to vector<16xf32>
      %swap3A_123 = vector.shape_cast %broadcast_in_dim3A_0 : vector<16xf32> to vector<1x16xf32>
      tpu.vector_store %arg8[%swap3A_119, %swap3A_120], %swap3A_123 {strides = array<i32>} : memref<64x128xf32, #tpu.memory_space<vmem>>, vector<1x16xf32>,
      %swap3A_124 = arith.index_cast %scan3A_109 : i32 to index
      %swap3A_125 = arith.constant 48 : index
      %swap3A_126 = tpu.vector_load %arg8[%swap3A_124, %swap3A_125] {strides = array<i32>} : memref<64x128xf32, #tpu.memory_space<vmem>>, vector<1x16xf32>,
      %swap3A_127 = vector.shape_cast %swap3A_126 : vector<1x16xf32> to vector<16xf32>
      %swap3A_128 = vector.shape_cast %broadcast_in_dim3A_0 : vector<16xf32> to vector<1x16xf32>
      tpu.vector_store %arg8[%swap3A_124, %swap3A_125], %swap3A_128 {strides = array<i32>} : memref<64x128xf32, #tpu.memory_space<vmem>>, vector<1x16xf32>,
      %swap3A_129 = arith.index_cast %scan3A_109 : i32 to index
      %swap3A_130 = arith.constant 64 : index
      %swap3A_131 = tpu.vector_load %arg8[%swap3A_129, %swap3A_130] {strides = array<i32>} : memref<64x128xf32, #tpu.memory_space<vmem>>, vector<1x16xf32>,
      %swap3A_132 = vector.shape_cast %swap3A_131 : vector<1x16xf32> to vector<16xf32>
      %swap3A_133 = vector.shape_cast %broadcast_in_dim3A_0 : vector<16xf32> to vector<1x16xf32>
      tpu.vector_store %arg8[%swap3A_129, %swap3A_130], %swap3A_133 {strides = array<i32>} : memref<64x128xf32, #tpu.memory_space<vmem>>, vector<1x16xf32>,
      %swap3A_134 = arith.index_cast %scan3A_109 : i32 to index
      %swap3A_135 = arith.constant 80 : index
      %swap3A_136 = tpu.vector_load %arg8[%swap3A_134, %swap3A_135] {strides = array<i32>} : memref<64x128xf32, #tpu.memory_space<vmem>>, vector<1x16xf32>,
      %swap3A_137 = vector.shape_cast %swap3A_136 : vector<1x16xf32> to vector<16xf32>
      %swap3A_138 = vector.shape_cast %broadcast_in_dim3A_0 : vector<16xf32> to vector<1x16xf32>
      tpu.vector_store %arg8[%swap3A_134, %swap3A_135], %swap3A_138 {strides = array<i32>} : memref<64x128xf32, #tpu.memory_space<vmem>>, vector<1x16xf32>,
      %swap3A_139 = arith.index_cast %scan3A_109 : i32 to index
      %swap3A_140 = arith.constant 96 : index
      %swap3A_141 = tpu.vector_load %arg8[%swap3A_139, %swap3A_140] {strides = array<i32>} : memref<64x128xf32, #tpu.memory_space<vmem>>, vector<1x16xf32>,
      %swap3A_142 = vector.shape_cast %swap3A_141 : vector<1x16xf32> to vector<16xf32>
      %swap3A_143 = vector.shape_cast %broadcast_in_dim3A_0 : vector<16xf32> to vector<1x16xf32>
      tpu.vector_store %arg8[%swap3A_139, %swap3A_140], %swap3A_143 {strides = array<i32>} : memref<64x128xf32, #tpu.memory_space<vmem>>, vector<1x16xf32>,
      %swap3A_144 = arith.index_cast %scan3A_109 : i32 to index
      %swap3A_145 = arith.constant 112 : index
      %swap3A_146 = tpu.vector_load %arg8[%swap3A_144, %swap3A_145] {strides = array<i32>} : memref<64x128xf32, #tpu.memory_space<vmem>>, vector<1x16xf32>,
      %swap3A_147 = vector.shape_cast %swap3A_146 : vector<1x16xf32> to vector<16xf32>
      %swap3A_148 = vector.shape_cast %broadcast_in_dim3A_0 : vector<16xf32> to vector<1x16xf32>
      tpu.vector_store %arg8[%swap3A_144, %swap3A_145], %swap3A_148 {strides = array<i32>} : memref<64x128xf32, #tpu.memory_space<vmem>>, vector<1x16xf32>,
    }
    %scan3A_5 = arith.constant 40 : i32
    %mul3A = arith.constant 640 : i32
    %mul3A_6 = arith.muli %arg1, %mul3A : i32
    %add3A = arith.constant 0 : i32
    %add3A_7 = arith.addi %mul3A_6, %add3A : i32
    "tpu.region"() ({
      %run_scoped3A = tpu.sem_alloc : memref<!tpu.dma_semaphore, #tpu.memory_space<semaphore_mem>>
      %dma_start3A = arith.constant 0 : i32
      %dma_start3A_109 = arith.constant 0 : i32
      %dma_start3A_110 = tpu.memref_slice %arg8[%dma_start3A, %dma_start3A_109] : memref<64x128xf32, #tpu.memory_space<vmem>> -> memref<40x128xf32, #tpu.memory_space<vmem>>
      %dma_start3A_111 = arith.constant 0 : i32
      %dma_start3A_112 = tpu.memref_slice %arg12[%add3A_7, %dma_start3A_111] : memref<10240x128xf32, #tpu.memory_space<vmem_shared>> -> memref<40x128xf32, #tpu.memory_space<vmem_shared>>
      %dma_start3A_113 = arith.constant 0 : i32
      %dma_start3A_114 = tpu.memref_slice %arg12[%add3A_7, %dma_start3A_113] : memref<10240x128xf32, #tpu.memory_space<vmem_shared>> -> memref<40x128xf32, #tpu.memory_space<vmem_shared>>
      %dma_start3A_115 = arith.constant 0 : i32
      %dma_start3A_116 = arith.constant 0 : i32
      %dma_start3A_117 = tpu.memref_slice %arg8[%dma_start3A_115, %dma_start3A_116] : memref<64x128xf32, #tpu.memory_space<vmem>> -> memref<40x128xf32, #tpu.memory_space<vmem>>
      tpu.enqueue_dma source(%dma_start3A_117 : memref<40x128xf32, #tpu.memory_space<vmem>>) target(%dma_start3A_114 : memref<40x128xf32, #tpu.memory_space<vmem_shared>>) target_semaphore(%run_scoped3A : memref<!tpu.dma_semaphore, #tpu.memory_space<semaphore_mem>>)
      %dma_wait3A = arith.constant 0 : i32
      %dma_wait3A_118 = arith.constant 0 : i32
      %dma_wait3A_119 = tpu.memref_slice %arg8[%dma_wait3A, %dma_wait3A_118] : memref<64x128xf32, #tpu.memory_space<vmem>> -> memref<40x128xf32, #tpu.memory_space<vmem>>
      %dma_wait3A_120 = arith.constant 0 : i32
      %dma_wait3A_121 = tpu.memref_slice %arg12[%add3A_7, %dma_wait3A_120] : memref<10240x128xf32, #tpu.memory_space<vmem_shared>> -> memref<40x128xf32, #tpu.memory_space<vmem_shared>>
      %dma_wait3A_122 = arith.constant 0 : i32
      %dma_wait3A_123 = tpu.memref_slice %arg12[%add3A_7, %dma_wait3A_122] : memref<10240x128xf32, #tpu.memory_space<vmem_shared>> -> memref<40x128xf32, #tpu.memory_space<vmem_shared>>
      %dma_wait3A_124 = arith.constant 0 : i32
      %dma_wait3A_125 = arith.constant 0 : i32
      %dma_wait3A_126 = tpu.memref_slice %arg8[%dma_wait3A_124, %dma_wait3A_125] : memref<64x128xf32, #tpu.memory_space<vmem>> -> memref<40x128xf32, #tpu.memory_space<vmem>>
      tpu.wait_dma2 semaphore(%run_scoped3A : memref<!tpu.dma_semaphore, #tpu.memory_space<semaphore_mem>>) src(%dma_wait3A_126 : memref<40x128xf32, #tpu.memory_space<vmem>>) dst(%dma_wait3A_123 : memref<40x128xf32, #tpu.memory_space<vmem_shared>>)
      tpu.yield
    }) : () -> ()
    %add3A_8 = arith.constant 40 : i32
    %add3A_9 = arith.addi %mul3A_6, %add3A_8 : i32
    "tpu.region"() ({
      %run_scoped3A = tpu.sem_alloc : memref<!tpu.dma_semaphore, #tpu.memory_space<semaphore_mem>>
      %dma_start3A = arith.constant 0 : i32
      %dma_start3A_109 = arith.constant 0 : i32
      %dma_start3A_110 = tpu.memref_slice %arg8[%dma_start3A, %dma_start3A_109] : memref<64x128xf32, #tpu.memory_space<vmem>> -> memref<40x128xf32, #tpu.memory_space<vmem>>
      %dma_start3A_111 = arith.constant 0 : i32
      %dma_start3A_112 = tpu.memref_slice %arg12[%add3A_9, %dma_start3A_111] : memref<10240x128xf32, #tpu.memory_space<vmem_shared>> -> memref<40x128xf32, #tpu.memory_space<vmem_shared>>
      %dma_start3A_113 = arith.constant 0 : i32
      %dma_start3A_114 = tpu.memref_slice %arg12[%add3A_9, %dma_start3A_113] : memref<10240x128xf32, #tpu.memory_space<vmem_shared>> -> memref<40x128xf32, #tpu.memory_space<vmem_shared>>
      %dma_start3A_115 = arith.constant 0 : i32
      %dma_start3A_116 = arith.constant 0 : i32
      %dma_start3A_117 = tpu.memref_slice %arg8[%dma_start3A_115, %dma_start3A_116] : memref<64x128xf32, #tpu.memory_space<vmem>> -> memref<40x128xf32, #tpu.memory_space<vmem>>
      tpu.enqueue_dma source(%dma_start3A_117 : memref<40x128xf32, #tpu.memory_space<vmem>>) target(%dma_start3A_114 : memref<40x128xf32, #tpu.memory_space<vmem_shared>>) target_semaphore(%run_scoped3A : memref<!tpu.dma_semaphore, #tpu.memory_space<semaphore_mem>>)
      %dma_wait3A = arith.constant 0 : i32
      %dma_wait3A_118 = arith.constant 0 : i32
      %dma_wait3A_119 = tpu.memref_slice %arg8[%dma_wait3A, %dma_wait3A_118] : memref<64x128xf32, #tpu.memory_space<vmem>> -> memref<40x128xf32, #tpu.memory_space<vmem>>
      %dma_wait3A_120 = arith.constant 0 : i32
      %dma_wait3A_121 = tpu.memref_slice %arg12[%add3A_9, %dma_wait3A_120] : memref<10240x128xf32, #tpu.memory_space<vmem_shared>> -> memref<40x128xf32, #tpu.memory_space<vmem_shared>>
      %dma_wait3A_122 = arith.constant 0 : i32
      %dma_wait3A_123 = tpu.memref_slice %arg12[%add3A_9, %dma_wait3A_122] : memref<10240x128xf32, #tpu.memory_space<vmem_shared>> -> memref<40x128xf32, #tpu.memory_space<vmem_shared>>
      %dma_wait3A_124 = arith.constant 0 : i32
      %dma_wait3A_125 = arith.constant 0 : i32
      %dma_wait3A_126 = tpu.memref_slice %arg8[%dma_wait3A_124, %dma_wait3A_125] : memref<64x128xf32, #tpu.memory_space<vmem>> -> memref<40x128xf32, #tpu.memory_space<vmem>>
      tpu.wait_dma2 semaphore(%run_scoped3A : memref<!tpu.dma_semaphore, #tpu.memory_space<semaphore_mem>>) src(%dma_wait3A_126 : memref<40x128xf32, #tpu.memory_space<vmem>>) dst(%dma_wait3A_123 : memref<40x128xf32, #tpu.memory_space<vmem_shared>>)
      tpu.yield
    }) : () -> ()
    %add3A_10 = arith.constant 80 : i32
    %add3A_11 = arith.addi %mul3A_6, %add3A_10 : i32
    "tpu.region"() ({
      %run_scoped3A = tpu.sem_alloc : memref<!tpu.dma_semaphore, #tpu.memory_space<semaphore_mem>>
      %dma_start3A = arith.constant 0 : i32
      %dma_start3A_109 = arith.constant 0 : i32
      %dma_start3A_110 = tpu.memref_slice %arg8[%dma_start3A, %dma_start3A_109] : memref<64x128xf32, #tpu.memory_space<vmem>> -> memref<40x128xf32, #tpu.memory_space<vmem>>
      %dma_start3A_111 = arith.constant 0 : i32
      %dma_start3A_112 = tpu.memref_slice %arg12[%add3A_11, %dma_start3A_111] : memref<10240x128xf32, #tpu.memory_space<vmem_shared>> -> memref<40x128xf32, #tpu.memory_space<vmem_shared>>
      %dma_start3A_113 = arith.constant 0 : i32
      %dma_start3A_114 = tpu.memref_slice %arg12[%add3A_11, %dma_start3A_113] : memref<10240x128xf32, #tpu.memory_space<vmem_shared>> -> memref<40x128xf32, #tpu.memory_space<vmem_shared>>
      %dma_start3A_115 = arith.constant 0 : i32
      %dma_start3A_116 = arith.constant 0 : i32
      %dma_start3A_117 = tpu.memref_slice %arg8[%dma_start3A_115, %dma_start3A_116] : memref<64x128xf32, #tpu.memory_space<vmem>> -> memref<40x128xf32, #tpu.memory_space<vmem>>
      tpu.enqueue_dma source(%dma_start3A_117 : memref<40x128xf32, #tpu.memory_space<vmem>>) target(%dma_start3A_114 : memref<40x128xf32, #tpu.memory_space<vmem_shared>>) target_semaphore(%run_scoped3A : memref<!tpu.dma_semaphore, #tpu.memory_space<semaphore_mem>>)
      %dma_wait3A = arith.constant 0 : i32
      %dma_wait3A_118 = arith.constant 0 : i32
      %dma_wait3A_119 = tpu.memref_slice %arg8[%dma_wait3A, %dma_wait3A_118] : memref<64x128xf32, #tpu.memory_space<vmem>> -> memref<40x128xf32, #tpu.memory_space<vmem>>
      %dma_wait3A_120 = arith.constant 0 : i32
      %dma_wait3A_121 = tpu.memref_slice %arg12[%add3A_11, %dma_wait3A_120] : memref<10240x128xf32, #tpu.memory_space<vmem_shared>> -> memref<40x128xf32, #tpu.memory_space<vmem_shared>>
      %dma_wait3A_122 = arith.constant 0 : i32
      %dma_wait3A_123 = tpu.memref_slice %arg12[%add3A_11, %dma_wait3A_122] : memref<10240x128xf32, #tpu.memory_space<vmem_shared>> -> memref<40x128xf32, #tpu.memory_space<vmem_shared>>
      %dma_wait3A_124 = arith.constant 0 : i32
      %dma_wait3A_125 = arith.constant 0 : i32
      %dma_wait3A_126 = tpu.memref_slice %arg8[%dma_wait3A_124, %dma_wait3A_125] : memref<64x128xf32, #tpu.memory_space<vmem>> -> memref<40x128xf32, #tpu.memory_space<vmem>>
      tpu.wait_dma2 semaphore(%run_scoped3A : memref<!tpu.dma_semaphore, #tpu.memory_space<semaphore_mem>>) src(%dma_wait3A_126 : memref<40x128xf32, #tpu.memory_space<vmem>>) dst(%dma_wait3A_123 : memref<40x128xf32, #tpu.memory_space<vmem_shared>>)
      tpu.yield
    }) : () -> ()
    %add3A_12 = arith.constant 120 : i32
    %add3A_13 = arith.addi %mul3A_6, %add3A_12 : i32
    "tpu.region"() ({
      %run_scoped3A = tpu.sem_alloc : memref<!tpu.dma_semaphore, #tpu.memory_space<semaphore_mem>>
      %dma_start3A = arith.constant 0 : i32
      %dma_start3A_109 = arith.constant 0 : i32
      %dma_start3A_110 = tpu.memref_slice %arg8[%dma_start3A, %dma_start3A_109] : memref<64x128xf32, #tpu.memory_space<vmem>> -> memref<40x128xf32, #tpu.memory_space<vmem>>
      %dma_start3A_111 = arith.constant 0 : i32
      %dma_start3A_112 = tpu.memref_slice %arg12[%add3A_13, %dma_start3A_111] : memref<10240x128xf32, #tpu.memory_space<vmem_shared>> -> memref<40x128xf32, #tpu.memory_space<vmem_shared>>
      %dma_start3A_113 = arith.constant 0 : i32
      %dma_start3A_114 = tpu.memref_slice %arg12[%add3A_13, %dma_start3A_113] : memref<10240x128xf32, #tpu.memory_space<vmem_shared>> -> memref<40x128xf32, #tpu.memory_space<vmem_shared>>
      %dma_start3A_115 = arith.constant 0 : i32
      %dma_start3A_116 = arith.constant 0 : i32
      %dma_start3A_117 = tpu.memref_slice %arg8[%dma_start3A_115, %dma_start3A_116] : memref<64x128xf32, #tpu.memory_space<vmem>> -> memref<40x128xf32, #tpu.memory_space<vmem>>
      tpu.enqueue_dma source(%dma_start3A_117 : memref<40x128xf32, #tpu.memory_space<vmem>>) target(%dma_start3A_114 : memref<40x128xf32, #tpu.memory_space<vmem_shared>>) target_semaphore(%run_scoped3A : memref<!tpu.dma_semaphore, #tpu.memory_space<semaphore_mem>>)
      %dma_wait3A = arith.constant 0 : i32
      %dma_wait3A_118 = arith.constant 0 : i32
      %dma_wait3A_119 = tpu.memref_slice %arg8[%dma_wait3A, %dma_wait3A_118] : memref<64x128xf32, #tpu.memory_space<vmem>> -> memref<40x128xf32, #tpu.memory_space<vmem>>
      %dma_wait3A_120 = arith.constant 0 : i32
      %dma_wait3A_121 = tpu.memref_slice %arg12[%add3A_13, %dma_wait3A_120] : memref<10240x128xf32, #tpu.memory_space<vmem_shared>> -> memref<40x128xf32, #tpu.memory_space<vmem_shared>>
      %dma_wait3A_122 = arith.constant 0 : i32
      %dma_wait3A_123 = tpu.memref_slice %arg12[%add3A_13, %dma_wait3A_122] : memref<10240x128xf32, #tpu.memory_space<vmem_shared>> -> memref<40x128xf32, #tpu.memory_space<vmem_shared>>
      %dma_wait3A_124 = arith.constant 0 : i32
      %dma_wait3A_125 = arith.constant 0 : i32
      %dma_wait3A_126 = tpu.memref_slice %arg8[%dma_wait3A_124, %dma_wait3A_125] : memref<64x128xf32, #tpu.memory_space<vmem>> -> memref<40x128xf32, #tpu.memory_space<vmem>>
      tpu.wait_dma2 semaphore(%run_scoped3A : memref<!tpu.dma_semaphore, #tpu.memory_space<semaphore_mem>>) src(%dma_wait3A_126 : memref<40x128xf32, #tpu.memory_space<vmem>>) dst(%dma_wait3A_123 : memref<40x128xf32, #tpu.memory_space<vmem_shared>>)
      tpu.yield
    }) : () -> ()
    %add3A_14 = arith.constant 160 : i32
    %add3A_15 = arith.addi %mul3A_6, %add3A_14 : i32
    "tpu.region"() ({
      %run_scoped3A = tpu.sem_alloc : memref<!tpu.dma_semaphore, #tpu.memory_space<semaphore_mem>>
      %dma_start3A = arith.constant 0 : i32
      %dma_start3A_109 = arith.constant 0 : i32
      %dma_start3A_110 = tpu.memref_slice %arg8[%dma_start3A, %dma_start3A_109] : memref<64x128xf32, #tpu.memory_space<vmem>> -> memref<40x128xf32, #tpu.memory_space<vmem>>
      %dma_start3A_111 = arith.constant 0 : i32
      %dma_start3A_112 = tpu.memref_slice %arg12[%add3A_15, %dma_start3A_111] : memref<10240x128xf32, #tpu.memory_space<vmem_shared>> -> memref<40x128xf32, #tpu.memory_space<vmem_shared>>
      %dma_start3A_113 = arith.constant 0 : i32
      %dma_start3A_114 = tpu.memref_slice %arg12[%add3A_15, %dma_start3A_113] : memref<10240x128xf32, #tpu.memory_space<vmem_shared>> -> memref<40x128xf32, #tpu.memory_space<vmem_shared>>
      %dma_start3A_115 = arith.constant 0 : i32
      %dma_start3A_116 = arith.constant 0 : i32
      %dma_start3A_117 = tpu.memref_slice %arg8[%dma_start3A_115, %dma_start3A_116] : memref<64x128xf32, #tpu.memory_space<vmem>> -> memref<40x128xf32, #tpu.memory_space<vmem>>
      tpu.enqueue_dma source(%dma_start3A_117 : memref<40x128xf32, #tpu.memory_space<vmem>>) target(%dma_start3A_114 : memref<40x128xf32, #tpu.memory_space<vmem_shared>>) target_semaphore(%run_scoped3A : memref<!tpu.dma_semaphore, #tpu.memory_space<semaphore_mem>>)
      %dma_wait3A = arith.constant 0 : i32
      %dma_wait3A_118 = arith.constant 0 : i32
      %dma_wait3A_119 = tpu.memref_slice %arg8[%dma_wait3A, %dma_wait3A_118] : memref<64x128xf32, #tpu.memory_space<vmem>> -> memref<40x128xf32, #tpu.memory_space<vmem>>
      %dma_wait3A_120 = arith.constant 0 : i32
      %dma_wait3A_121 = tpu.memref_slice %arg12[%add3A_15, %dma_wait3A_120] : memref<10240x128xf32, #tpu.memory_space<vmem_shared>> -> memref<40x128xf32, #tpu.memory_space<vmem_shared>>
      %dma_wait3A_122 = arith.constant 0 : i32
      %dma_wait3A_123 = tpu.memref_slice %arg12[%add3A_15, %dma_wait3A_122] : memref<10240x128xf32, #tpu.memory_space<vmem_shared>> -> memref<40x128xf32, #tpu.memory_space<vmem_shared>>
      %dma_wait3A_124 = arith.constant 0 : i32
      %dma_wait3A_125 = arith.constant 0 : i32
      %dma_wait3A_126 = tpu.memref_slice %arg8[%dma_wait3A_124, %dma_wait3A_125] : memref<64x128xf32, #tpu.memory_space<vmem>> -> memref<40x128xf32, #tpu.memory_space<vmem>>
      tpu.wait_dma2 semaphore(%run_scoped3A : memref<!tpu.dma_semaphore, #tpu.memory_space<semaphore_mem>>) src(%dma_wait3A_126 : memref<40x128xf32, #tpu.memory_space<vmem>>) dst(%dma_wait3A_123 : memref<40x128xf32, #tpu.memory_space<vmem_shared>>)
      tpu.yield
    }) : () -> ()
    %add3A_16 = arith.constant 200 : i32
    %add3A_17 = arith.addi %mul3A_6, %add3A_16 : i32
    "tpu.region"() ({
      %run_scoped3A = tpu.sem_alloc : memref<!tpu.dma_semaphore, #tpu.memory_space<semaphore_mem>>
      %dma_start3A = arith.constant 0 : i32
      %dma_start3A_109 = arith.constant 0 : i32
      %dma_start3A_110 = tpu.memref_slice %arg8[%dma_start3A, %dma_start3A_109] : memref<64x128xf32, #tpu.memory_space<vmem>> -> memref<40x128xf32, #tpu.memory_space<vmem>>
      %dma_start3A_111 = arith.constant 0 : i32
      %dma_start3A_112 = tpu.memref_slice %arg12[%add3A_17, %dma_start3A_111] : memref<10240x128xf32, #tpu.memory_space<vmem_shared>> -> memref<40x128xf32, #tpu.memory_space<vmem_shared>>
      %dma_start3A_113 = arith.constant 0 : i32
      %dma_start3A_114 = tpu.memref_slice %arg12[%add3A_17, %dma_start3A_113] : memref<10240x128xf32, #tpu.memory_space<vmem_shared>> -> memref<40x128xf32, #tpu.memory_space<vmem_shared>>
      %dma_start3A_115 = arith.constant 0 : i32
      %dma_start3A_116 = arith.constant 0 : i32
      %dma_start3A_117 = tpu.memref_slice %arg8[%dma_start3A_115, %dma_start3A_116] : memref<64x128xf32, #tpu.memory_space<vmem>> -> memref<40x128xf32, #tpu.memory_space<vmem>>
      tpu.enqueue_dma source(%dma_start3A_117 : memref<40x128xf32, #tpu.memory_space<vmem>>) target(%dma_start3A_114 : memref<40x128xf32, #tpu.memory_space<vmem_shared>>) target_semaphore(%run_scoped3A : memref<!tpu.dma_semaphore, #tpu.memory_space<semaphore_mem>>)
      %dma_wait3A = arith.constant 0 : i32
      %dma_wait3A_118 = arith.constant 0 : i32
      %dma_wait3A_119 = tpu.memref_slice %arg8[%dma_wait3A, %dma_wait3A_118] : memref<64x128xf32, #tpu.memory_space<vmem>> -> memref<40x128xf32, #tpu.memory_space<vmem>>
      %dma_wait3A_120 = arith.constant 0 : i32
      %dma_wait3A_121 = tpu.memref_slice %arg12[%add3A_17, %dma_wait3A_120] : memref<10240x128xf32, #tpu.memory_space<vmem_shared>> -> memref<40x128xf32, #tpu.memory_space<vmem_shared>>
      %dma_wait3A_122 = arith.constant 0 : i32
      %dma_wait3A_123 = tpu.memref_slice %arg12[%add3A_17, %dma_wait3A_122] : memref<10240x128xf32, #tpu.memory_space<vmem_shared>> -> memref<40x128xf32, #tpu.memory_space<vmem_shared>>
      %dma_wait3A_124 = arith.constant 0 : i32
      %dma_wait3A_125 = arith.constant 0 : i32
      %dma_wait3A_126 = tpu.memref_slice %arg8[%dma_wait3A_124, %dma_wait3A_125] : memref<64x128xf32, #tpu.memory_space<vmem>> -> memref<40x128xf32, #tpu.memory_space<vmem>>
      tpu.wait_dma2 semaphore(%run_scoped3A : memref<!tpu.dma_semaphore, #tpu.memory_space<semaphore_mem>>) src(%dma_wait3A_126 : memref<40x128xf32, #tpu.memory_space<vmem>>) dst(%dma_wait3A_123 : memref<40x128xf32, #tpu.memory_space<vmem_shared>>)
      tpu.yield
    }) : () -> ()
    %add3A_18 = arith.constant 240 : i32
    %add3A_19 = arith.addi %mul3A_6, %add3A_18 : i32
    "tpu.region"() ({
      %run_scoped3A = tpu.sem_alloc : memref<!tpu.dma_semaphore, #tpu.memory_space<semaphore_mem>>
      %dma_start3A = arith.constant 0 : i32
      %dma_start3A_109 = arith.constant 0 : i32
      %dma_start3A_110 = tpu.memref_slice %arg8[%dma_start3A, %dma_start3A_109] : memref<64x128xf32, #tpu.memory_space<vmem>> -> memref<40x128xf32, #tpu.memory_space<vmem>>
      %dma_start3A_111 = arith.constant 0 : i32
      %dma_start3A_112 = tpu.memref_slice %arg12[%add3A_19, %dma_start3A_111] : memref<10240x128xf32, #tpu.memory_space<vmem_shared>> -> memref<40x128xf32, #tpu.memory_space<vmem_shared>>
      %dma_start3A_113 = arith.constant 0 : i32
      %dma_start3A_114 = tpu.memref_slice %arg12[%add3A_19, %dma_start3A_113] : memref<10240x128xf32, #tpu.memory_space<vmem_shared>> -> memref<40x128xf32, #tpu.memory_space<vmem_shared>>
      %dma_start3A_115 = arith.constant 0 : i32
      %dma_start3A_116 = arith.constant 0 : i32
      %dma_start3A_117 = tpu.memref_slice %arg8[%dma_start3A_115, %dma_start3A_116] : memref<64x128xf32, #tpu.memory_space<vmem>> -> memref<40x128xf32, #tpu.memory_space<vmem>>
      tpu.enqueue_dma source(%dma_start3A_117 : memref<40x128xf32, #tpu.memory_space<vmem>>) target(%dma_start3A_114 : memref<40x128xf32, #tpu.memory_space<vmem_shared>>) target_semaphore(%run_scoped3A : memref<!tpu.dma_semaphore, #tpu.memory_space<semaphore_mem>>)
      %dma_wait3A = arith.constant 0 : i32
      %dma_wait3A_118 = arith.constant 0 : i32
      %dma_wait3A_119 = tpu.memref_slice %arg8[%dma_wait3A, %dma_wait3A_118] : memref<64x128xf32, #tpu.memory_space<vmem>> -> memref<40x128xf32, #tpu.memory_space<vmem>>
      %dma_wait3A_120 = arith.constant 0 : i32
      %dma_wait3A_121 = tpu.memref_slice %arg12[%add3A_19, %dma_wait3A_120] : memref<10240x128xf32, #tpu.memory_space<vmem_shared>> -> memref<40x128xf32, #tpu.memory_space<vmem_shared>>
      %dma_wait3A_122 = arith.constant 0 : i32
      %dma_wait3A_123 = tpu.memref_slice %arg12[%add3A_19, %dma_wait3A_122] : memref<10240x128xf32, #tpu.memory_space<vmem_shared>> -> memref<40x128xf32, #tpu.memory_space<vmem_shared>>
      %dma_wait3A_124 = arith.constant 0 : i32
      %dma_wait3A_125 = arith.constant 0 : i32
      %dma_wait3A_126 = tpu.memref_slice %arg8[%dma_wait3A_124, %dma_wait3A_125] : memref<64x128xf32, #tpu.memory_space<vmem>> -> memref<40x128xf32, #tpu.memory_space<vmem>>
      tpu.wait_dma2 semaphore(%run_scoped3A : memref<!tpu.dma_semaphore, #tpu.memory_space<semaphore_mem>>) src(%dma_wait3A_126 : memref<40x128xf32, #tpu.memory_space<vmem>>) dst(%dma_wait3A_123 : memref<40x128xf32, #tpu.memory_space<vmem_shared>>)
      tpu.yield
    }) : () -> ()
    %add3A_20 = arith.constant 280 : i32
    %add3A_21 = arith.addi %mul3A_6, %add3A_20 : i32
    "tpu.region"() ({
      %run_scoped3A = tpu.sem_alloc : memref<!tpu.dma_semaphore, #tpu.memory_space<semaphore_mem>>
      %dma_start3A = arith.constant 0 : i32
      %dma_start3A_109 = arith.constant 0 : i32
      %dma_start3A_110 = tpu.memref_slice %arg8[%dma_start3A, %dma_start3A_109] : memref<64x128xf32, #tpu.memory_space<vmem>> -> memref<40x128xf32, #tpu.memory_space<vmem>>
      %dma_start3A_111 = arith.constant 0 : i32
      %dma_start3A_112 = tpu.memref_slice %arg12[%add3A_21, %dma_start3A_111] : memref<10240x128xf32, #tpu.memory_space<vmem_shared>> -> memref<40x128xf32, #tpu.memory_space<vmem_shared>>
      %dma_start3A_113 = arith.constant 0 : i32
      %dma_start3A_114 = tpu.memref_slice %arg12[%add3A_21, %dma_start3A_113] : memref<10240x128xf32, #tpu.memory_space<vmem_shared>> -> memref<40x128xf32, #tpu.memory_space<vmem_shared>>
      %dma_start3A_115 = arith.constant 0 : i32
      %dma_start3A_116 = arith.constant 0 : i32
      %dma_start3A_117 = tpu.memref_slice %arg8[%dma_start3A_115, %dma_start3A_116] : memref<64x128xf32, #tpu.memory_space<vmem>> -> memref<40x128xf32, #tpu.memory_space<vmem>>
      tpu.enqueue_dma source(%dma_start3A_117 : memref<40x128xf32, #tpu.memory_space<vmem>>) target(%dma_start3A_114 : memref<40x128xf32, #tpu.memory_space<vmem_shared>>) target_semaphore(%run_scoped3A : memref<!tpu.dma_semaphore, #tpu.memory_space<semaphore_mem>>)
      %dma_wait3A = arith.constant 0 : i32
      %dma_wait3A_118 = arith.constant 0 : i32
      %dma_wait3A_119 = tpu.memref_slice %arg8[%dma_wait3A, %dma_wait3A_118] : memref<64x128xf32, #tpu.memory_space<vmem>> -> memref<40x128xf32, #tpu.memory_space<vmem>>
      %dma_wait3A_120 = arith.constant 0 : i32
      %dma_wait3A_121 = tpu.memref_slice %arg12[%add3A_21, %dma_wait3A_120] : memref<10240x128xf32, #tpu.memory_space<vmem_shared>> -> memref<40x128xf32, #tpu.memory_space<vmem_shared>>
      %dma_wait3A_122 = arith.constant 0 : i32
      %dma_wait3A_123 = tpu.memref_slice %arg12[%add3A_21, %dma_wait3A_122] : memref<10240x128xf32, #tpu.memory_space<vmem_shared>> -> memref<40x128xf32, #tpu.memory_space<vmem_shared>>
      %dma_wait3A_124 = arith.constant 0 : i32
      %dma_wait3A_125 = arith.constant 0 : i32
      %dma_wait3A_126 = tpu.memref_slice %arg8[%dma_wait3A_124, %dma_wait3A_125] : memref<64x128xf32, #tpu.memory_space<vmem>> -> memref<40x128xf32, #tpu.memory_space<vmem>>
      tpu.wait_dma2 semaphore(%run_scoped3A : memref<!tpu.dma_semaphore, #tpu.memory_space<semaphore_mem>>) src(%dma_wait3A_126 : memref<40x128xf32, #tpu.memory_space<vmem>>) dst(%dma_wait3A_123 : memref<40x128xf32, #tpu.memory_space<vmem_shared>>)
      tpu.yield
    }) : () -> ()
    %add3A_22 = arith.constant 320 : i32
    %add3A_23 = arith.addi %mul3A_6, %add3A_22 : i32
    "tpu.region"() ({
      %run_scoped3A = tpu.sem_alloc : memref<!tpu.dma_semaphore, #tpu.memory_space<semaphore_mem>>
      %dma_start3A = arith.constant 0 : i32
      %dma_start3A_109 = arith.constant 0 : i32
      %dma_start3A_110 = tpu.memref_slice %arg8[%dma_start3A, %dma_start3A_109] : memref<64x128xf32, #tpu.memory_space<vmem>> -> memref<40x128xf32, #tpu.memory_space<vmem>>
      %dma_start3A_111 = arith.constant 0 : i32
      %dma_start3A_112 = tpu.memref_slice %arg12[%add3A_23, %dma_start3A_111] : memref<10240x128xf32, #tpu.memory_space<vmem_shared>> -> memref<40x128xf32, #tpu.memory_space<vmem_shared>>
      %dma_start3A_113 = arith.constant 0 : i32
      %dma_start3A_114 = tpu.memref_slice %arg12[%add3A_23, %dma_start3A_113] : memref<10240x128xf32, #tpu.memory_space<vmem_shared>> -> memref<40x128xf32, #tpu.memory_space<vmem_shared>>
      %dma_start3A_115 = arith.constant 0 : i32
      %dma_start3A_116 = arith.constant 0 : i32
      %dma_start3A_117 = tpu.memref_slice %arg8[%dma_start3A_115, %dma_start3A_116] : memref<64x128xf32, #tpu.memory_space<vmem>> -> memref<40x128xf32, #tpu.memory_space<vmem>>
      tpu.enqueue_dma source(%dma_start3A_117 : memref<40x128xf32, #tpu.memory_space<vmem>>) target(%dma_start3A_114 : memref<40x128xf32, #tpu.memory_space<vmem_shared>>) target_semaphore(%run_scoped3A : memref<!tpu.dma_semaphore, #tpu.memory_space<semaphore_mem>>)
      %dma_wait3A = arith.constant 0 : i32
      %dma_wait3A_118 = arith.constant 0 : i32
      %dma_wait3A_119 = tpu.memref_slice %arg8[%dma_wait3A, %dma_wait3A_118] : memref<64x128xf32, #tpu.memory_space<vmem>> -> memref<40x128xf32, #tpu.memory_space<vmem>>
      %dma_wait3A_120 = arith.constant 0 : i32
      %dma_wait3A_121 = tpu.memref_slice %arg12[%add3A_23, %dma_wait3A_120] : memref<10240x128xf32, #tpu.memory_space<vmem_shared>> -> memref<40x128xf32, #tpu.memory_space<vmem_shared>>
      %dma_wait3A_122 = arith.constant 0 : i32
      %dma_wait3A_123 = tpu.memref_slice %arg12[%add3A_23, %dma_wait3A_122] : memref<10240x128xf32, #tpu.memory_space<vmem_shared>> -> memref<40x128xf32, #tpu.memory_space<vmem_shared>>
      %dma_wait3A_124 = arith.constant 0 : i32
      %dma_wait3A_125 = arith.constant 0 : i32
      %dma_wait3A_126 = tpu.memref_slice %arg8[%dma_wait3A_124, %dma_wait3A_125] : memref<64x128xf32, #tpu.memory_space<vmem>> -> memref<40x128xf32, #tpu.memory_space<vmem>>
      tpu.wait_dma2 semaphore(%run_scoped3A : memref<!tpu.dma_semaphore, #tpu.memory_space<semaphore_mem>>) src(%dma_wait3A_126 : memref<40x128xf32, #tpu.memory_space<vmem>>) dst(%dma_wait3A_123 : memref<40x128xf32, #tpu.memory_space<vmem_shared>>)
      tpu.yield
    }) : () -> ()
    %add3A_24 = arith.constant 360 : i32
    %add3A_25 = arith.addi %mul3A_6, %add3A_24 : i32
    "tpu.region"() ({
      %run_scoped3A = tpu.sem_alloc : memref<!tpu.dma_semaphore, #tpu.memory_space<semaphore_mem>>
      %dma_start3A = arith.constant 0 : i32
      %dma_start3A_109 = arith.constant 0 : i32
      %dma_start3A_110 = tpu.memref_slice %arg8[%dma_start3A, %dma_start3A_109] : memref<64x128xf32, #tpu.memory_space<vmem>> -> memref<40x128xf32, #tpu.memory_space<vmem>>
      %dma_start3A_111 = arith.constant 0 : i32
      %dma_start3A_112 = tpu.memref_slice %arg12[%add3A_25, %dma_start3A_111] : memref<10240x128xf32, #tpu.memory_space<vmem_shared>> -> memref<40x128xf32, #tpu.memory_space<vmem_shared>>
      %dma_start3A_113 = arith.constant 0 : i32
      %dma_start3A_114 = tpu.memref_slice %arg12[%add3A_25, %dma_start3A_113] : memref<10240x128xf32, #tpu.memory_space<vmem_shared>> -> memref<40x128xf32, #tpu.memory_space<vmem_shared>>
      %dma_start3A_115 = arith.constant 0 : i32
      %dma_start3A_116 = arith.constant 0 : i32
      %dma_start3A_117 = tpu.memref_slice %arg8[%dma_start3A_115, %dma_start3A_116] : memref<64x128xf32, #tpu.memory_space<vmem>> -> memref<40x128xf32, #tpu.memory_space<vmem>>
      tpu.enqueue_dma source(%dma_start3A_117 : memref<40x128xf32, #tpu.memory_space<vmem>>) target(%dma_start3A_114 : memref<40x128xf32, #tpu.memory_space<vmem_shared>>) target_semaphore(%run_scoped3A : memref<!tpu.dma_semaphore, #tpu.memory_space<semaphore_mem>>)
      %dma_wait3A = arith.constant 0 : i32
      %dma_wait3A_118 = arith.constant 0 : i32
      %dma_wait3A_119 = tpu.memref_slice %arg8[%dma_wait3A, %dma_wait3A_118] : memref<64x128xf32, #tpu.memory_space<vmem>> -> memref<40x128xf32, #tpu.memory_space<vmem>>
      %dma_wait3A_120 = arith.constant 0 : i32
      %dma_wait3A_121 = tpu.memref_slice %arg12[%add3A_25, %dma_wait3A_120] : memref<10240x128xf32, #tpu.memory_space<vmem_shared>> -> memref<40x128xf32, #tpu.memory_space<vmem_shared>>
      %dma_wait3A_122 = arith.constant 0 : i32
      %dma_wait3A_123 = tpu.memref_slice %arg12[%add3A_25, %dma_wait3A_122] : memref<10240x128xf32, #tpu.memory_space<vmem_shared>> -> memref<40x128xf32, #tpu.memory_space<vmem_shared>>
      %dma_wait3A_124 = arith.constant 0 : i32
      %dma_wait3A_125 = arith.constant 0 : i32
      %dma_wait3A_126 = tpu.memref_slice %arg8[%dma_wait3A_124, %dma_wait3A_125] : memref<64x128xf32, #tpu.memory_space<vmem>> -> memref<40x128xf32, #tpu.memory_space<vmem>>
      tpu.wait_dma2 semaphore(%run_scoped3A : memref<!tpu.dma_semaphore, #tpu.memory_space<semaphore_mem>>) src(%dma_wait3A_126 : memref<40x128xf32, #tpu.memory_space<vmem>>) dst(%dma_wait3A_123 : memref<40x128xf32, #tpu.memory_space<vmem_shared>>)
      tpu.yield
    }) : () -> ()
    %add3A_26 = arith.constant 400 : i32
    %add3A_27 = arith.addi %mul3A_6, %add3A_26 : i32
    "tpu.region"() ({
      %run_scoped3A = tpu.sem_alloc : memref<!tpu.dma_semaphore, #tpu.memory_space<semaphore_mem>>
      %dma_start3A = arith.constant 0 : i32
      %dma_start3A_109 = arith.constant 0 : i32
      %dma_start3A_110 = tpu.memref_slice %arg8[%dma_start3A, %dma_start3A_109] : memref<64x128xf32, #tpu.memory_space<vmem>> -> memref<40x128xf32, #tpu.memory_space<vmem>>
      %dma_start3A_111 = arith.constant 0 : i32
      %dma_start3A_112 = tpu.memref_slice %arg12[%add3A_27, %dma_start3A_111] : memref<10240x128xf32, #tpu.memory_space<vmem_shared>> -> memref<40x128xf32, #tpu.memory_space<vmem_shared>>
      %dma_start3A_113 = arith.constant 0 : i32
      %dma_start3A_114 = tpu.memref_slice %arg12[%add3A_27, %dma_start3A_113] : memref<10240x128xf32, #tpu.memory_space<vmem_shared>> -> memref<40x128xf32, #tpu.memory_space<vmem_shared>>
      %dma_start3A_115 = arith.constant 0 : i32
      %dma_start3A_116 = arith.constant 0 : i32
      %dma_start3A_117 = tpu.memref_slice %arg8[%dma_start3A_115, %dma_start3A_116] : memref<64x128xf32, #tpu.memory_space<vmem>> -> memref<40x128xf32, #tpu.memory_space<vmem>>
      tpu.enqueue_dma source(%dma_start3A_117 : memref<40x128xf32, #tpu.memory_space<vmem>>) target(%dma_start3A_114 : memref<40x128xf32, #tpu.memory_space<vmem_shared>>) target_semaphore(%run_scoped3A : memref<!tpu.dma_semaphore, #tpu.memory_space<semaphore_mem>>)
      %dma_wait3A = arith.constant 0 : i32
      %dma_wait3A_118 = arith.constant 0 : i32
      %dma_wait3A_119 = tpu.memref_slice %arg8[%dma_wait3A, %dma_wait3A_118] : memref<64x128xf32, #tpu.memory_space<vmem>> -> memref<40x128xf32, #tpu.memory_space<vmem>>
      %dma_wait3A_120 = arith.constant 0 : i32
      %dma_wait3A_121 = tpu.memref_slice %arg12[%add3A_27, %dma_wait3A_120] : memref<10240x128xf32, #tpu.memory_space<vmem_shared>> -> memref<40x128xf32, #tpu.memory_space<vmem_shared>>
      %dma_wait3A_122 = arith.constant 0 : i32
      %dma_wait3A_123 = tpu.memref_slice %arg12[%add3A_27, %dma_wait3A_122] : memref<10240x128xf32, #tpu.memory_space<vmem_shared>> -> memref<40x128xf32, #tpu.memory_space<vmem_shared>>
      %dma_wait3A_124 = arith.constant 0 : i32
      %dma_wait3A_125 = arith.constant 0 : i32
      %dma_wait3A_126 = tpu.memref_slice %arg8[%dma_wait3A_124, %dma_wait3A_125] : memref<64x128xf32, #tpu.memory_space<vmem>> -> memref<40x128xf32, #tpu.memory_space<vmem>>
      tpu.wait_dma2 semaphore(%run_scoped3A : memref<!tpu.dma_semaphore, #tpu.memory_space<semaphore_mem>>) src(%dma_wait3A_126 : memref<40x128xf32, #tpu.memory_space<vmem>>) dst(%dma_wait3A_123 : memref<40x128xf32, #tpu.memory_space<vmem_shared>>)
      tpu.yield
    }) : () -> ()
    %add3A_28 = arith.constant 440 : i32
    %add3A_29 = arith.addi %mul3A_6, %add3A_28 : i32
    "tpu.region"() ({
      %run_scoped3A = tpu.sem_alloc : memref<!tpu.dma_semaphore, #tpu.memory_space<semaphore_mem>>
      %dma_start3A = arith.constant 0 : i32
      %dma_start3A_109 = arith.constant 0 : i32
      %dma_start3A_110 = tpu.memref_slice %arg8[%dma_start3A, %dma_start3A_109] : memref<64x128xf32, #tpu.memory_space<vmem>> -> memref<40x128xf32, #tpu.memory_space<vmem>>
      %dma_start3A_111 = arith.constant 0 : i32
      %dma_start3A_112 = tpu.memref_slice %arg12[%add3A_29, %dma_start3A_111] : memref<10240x128xf32, #tpu.memory_space<vmem_shared>> -> memref<40x128xf32, #tpu.memory_space<vmem_shared>>
      %dma_start3A_113 = arith.constant 0 : i32
      %dma_start3A_114 = tpu.memref_slice %arg12[%add3A_29, %dma_start3A_113] : memref<10240x128xf32, #tpu.memory_space<vmem_shared>> -> memref<40x128xf32, #tpu.memory_space<vmem_shared>>
      %dma_start3A_115 = arith.constant 0 : i32
      %dma_start3A_116 = arith.constant 0 : i32
      %dma_start3A_117 = tpu.memref_slice %arg8[%dma_start3A_115, %dma_start3A_116] : memref<64x128xf32, #tpu.memory_space<vmem>> -> memref<40x128xf32, #tpu.memory_space<vmem>>
      tpu.enqueue_dma source(%dma_start3A_117 : memref<40x128xf32, #tpu.memory_space<vmem>>) target(%dma_start3A_114 : memref<40x128xf32, #tpu.memory_space<vmem_shared>>) target_semaphore(%run_scoped3A : memref<!tpu.dma_semaphore, #tpu.memory_space<semaphore_mem>>)
      %dma_wait3A = arith.constant 0 : i32
      %dma_wait3A_118 = arith.constant 0 : i32
      %dma_wait3A_119 = tpu.memref_slice %arg8[%dma_wait3A, %dma_wait3A_118] : memref<64x128xf32, #tpu.memory_space<vmem>> -> memref<40x128xf32, #tpu.memory_space<vmem>>
      %dma_wait3A_120 = arith.constant 0 : i32
      %dma_wait3A_121 = tpu.memref_slice %arg12[%add3A_29, %dma_wait3A_120] : memref<10240x128xf32, #tpu.memory_space<vmem_shared>> -> memref<40x128xf32, #tpu.memory_space<vmem_shared>>
      %dma_wait3A_122 = arith.constant 0 : i32
      %dma_wait3A_123 = tpu.memref_slice %arg12[%add3A_29, %dma_wait3A_122] : memref<10240x128xf32, #tpu.memory_space<vmem_shared>> -> memref<40x128xf32, #tpu.memory_space<vmem_shared>>
      %dma_wait3A_124 = arith.constant 0 : i32
      %dma_wait3A_125 = arith.constant 0 : i32
      %dma_wait3A_126 = tpu.memref_slice %arg8[%dma_wait3A_124, %dma_wait3A_125] : memref<64x128xf32, #tpu.memory_space<vmem>> -> memref<40x128xf32, #tpu.memory_space<vmem>>
      tpu.wait_dma2 semaphore(%run_scoped3A : memref<!tpu.dma_semaphore, #tpu.memory_space<semaphore_mem>>) src(%dma_wait3A_126 : memref<40x128xf32, #tpu.memory_space<vmem>>) dst(%dma_wait3A_123 : memref<40x128xf32, #tpu.memory_space<vmem_shared>>)
      tpu.yield
    }) : () -> ()
    %add3A_30 = arith.constant 480 : i32
    %add3A_31 = arith.addi %mul3A_6, %add3A_30 : i32
    "tpu.region"() ({
      %run_scoped3A = tpu.sem_alloc : memref<!tpu.dma_semaphore, #tpu.memory_space<semaphore_mem>>
      %dma_start3A = arith.constant 0 : i32
      %dma_start3A_109 = arith.constant 0 : i32
      %dma_start3A_110 = tpu.memref_slice %arg8[%dma_start3A, %dma_start3A_109] : memref<64x128xf32, #tpu.memory_space<vmem>> -> memref<40x128xf32, #tpu.memory_space<vmem>>
      %dma_start3A_111 = arith.constant 0 : i32
      %dma_start3A_112 = tpu.memref_slice %arg12[%add3A_31, %dma_start3A_111] : memref<10240x128xf32, #tpu.memory_space<vmem_shared>> -> memref<40x128xf32, #tpu.memory_space<vmem_shared>>
      %dma_start3A_113 = arith.constant 0 : i32
      %dma_start3A_114 = tpu.memref_slice %arg12[%add3A_31, %dma_start3A_113] : memref<10240x128xf32, #tpu.memory_space<vmem_shared>> -> memref<40x128xf32, #tpu.memory_space<vmem_shared>>
      %dma_start3A_115 = arith.constant 0 : i32
      %dma_start3A_116 = arith.constant 0 : i32
      %dma_start3A_117 = tpu.memref_slice %arg8[%dma_start3A_115, %dma_start3A_116] : memref<64x128xf32, #tpu.memory_space<vmem>> -> memref<40x128xf32, #tpu.memory_space<vmem>>
      tpu.enqueue_dma source(%dma_start3A_117 : memref<40x128xf32, #tpu.memory_space<vmem>>) target(%dma_start3A_114 : memref<40x128xf32, #tpu.memory_space<vmem_shared>>) target_semaphore(%run_scoped3A : memref<!tpu.dma_semaphore, #tpu.memory_space<semaphore_mem>>)
      %dma_wait3A = arith.constant 0 : i32
      %dma_wait3A_118 = arith.constant 0 : i32
      %dma_wait3A_119 = tpu.memref_slice %arg8[%dma_wait3A, %dma_wait3A_118] : memref<64x128xf32, #tpu.memory_space<vmem>> -> memref<40x128xf32, #tpu.memory_space<vmem>>
      %dma_wait3A_120 = arith.constant 0 : i32
      %dma_wait3A_121 = tpu.memref_slice %arg12[%add3A_31, %dma_wait3A_120] : memref<10240x128xf32, #tpu.memory_space<vmem_shared>> -> memref<40x128xf32, #tpu.memory_space<vmem_shared>>
      %dma_wait3A_122 = arith.constant 0 : i32
      %dma_wait3A_123 = tpu.memref_slice %arg12[%add3A_31, %dma_wait3A_122] : memref<10240x128xf32, #tpu.memory_space<vmem_shared>> -> memref<40x128xf32, #tpu.memory_space<vmem_shared>>
      %dma_wait3A_124 = arith.constant 0 : i32
      %dma_wait3A_125 = arith.constant 0 : i32
      %dma_wait3A_126 = tpu.memref_slice %arg8[%dma_wait3A_124, %dma_wait3A_125] : memref<64x128xf32, #tpu.memory_space<vmem>> -> memref<40x128xf32, #tpu.memory_space<vmem>>
      tpu.wait_dma2 semaphore(%run_scoped3A : memref<!tpu.dma_semaphore, #tpu.memory_space<semaphore_mem>>) src(%dma_wait3A_126 : memref<40x128xf32, #tpu.memory_space<vmem>>) dst(%dma_wait3A_123 : memref<40x128xf32, #tpu.memory_space<vmem_shared>>)
      tpu.yield
    }) : () -> ()
    %add3A_32 = arith.constant 520 : i32
    %add3A_33 = arith.addi %mul3A_6, %add3A_32 : i32
    "tpu.region"() ({
      %run_scoped3A = tpu.sem_alloc : memref<!tpu.dma_semaphore, #tpu.memory_space<semaphore_mem>>
      %dma_start3A = arith.constant 0 : i32
      %dma_start3A_109 = arith.constant 0 : i32
      %dma_start3A_110 = tpu.memref_slice %arg8[%dma_start3A, %dma_start3A_109] : memref<64x128xf32, #tpu.memory_space<vmem>> -> memref<40x128xf32, #tpu.memory_space<vmem>>
      %dma_start3A_111 = arith.constant 0 : i32
      %dma_start3A_112 = tpu.memref_slice %arg12[%add3A_33, %dma_start3A_111] : memref<10240x128xf32, #tpu.memory_space<vmem_shared>> -> memref<40x128xf32, #tpu.memory_space<vmem_shared>>
      %dma_start3A_113 = arith.constant 0 : i32
      %dma_start3A_114 = tpu.memref_slice %arg12[%add3A_33, %dma_start3A_113] : memref<10240x128xf32, #tpu.memory_space<vmem_shared>> -> memref<40x128xf32, #tpu.memory_space<vmem_shared>>
      %dma_start3A_115 = arith.constant 0 : i32
      %dma_start3A_116 = arith.constant 0 : i32
      %dma_start3A_117 = tpu.memref_slice %arg8[%dma_start3A_115, %dma_start3A_116] : memref<64x128xf32, #tpu.memory_space<vmem>> -> memref<40x128xf32, #tpu.memory_space<vmem>>
      tpu.enqueue_dma source(%dma_start3A_117 : memref<40x128xf32, #tpu.memory_space<vmem>>) target(%dma_start3A_114 : memref<40x128xf32, #tpu.memory_space<vmem_shared>>) target_semaphore(%run_scoped3A : memref<!tpu.dma_semaphore, #tpu.memory_space<semaphore_mem>>)
      %dma_wait3A = arith.constant 0 : i32
      %dma_wait3A_118 = arith.constant 0 : i32
      %dma_wait3A_119 = tpu.memref_slice %arg8[%dma_wait3A, %dma_wait3A_118] : memref<64x128xf32, #tpu.memory_space<vmem>> -> memref<40x128xf32, #tpu.memory_space<vmem>>
      %dma_wait3A_120 = arith.constant 0 : i32
      %dma_wait3A_121 = tpu.memref_slice %arg12[%add3A_33, %dma_wait3A_120] : memref<10240x128xf32, #tpu.memory_space<vmem_shared>> -> memref<40x128xf32, #tpu.memory_space<vmem_shared>>
      %dma_wait3A_122 = arith.constant 0 : i32
      %dma_wait3A_123 = tpu.memref_slice %arg12[%add3A_33, %dma_wait3A_122] : memref<10240x128xf32, #tpu.memory_space<vmem_shared>> -> memref<40x128xf32, #tpu.memory_space<vmem_shared>>
      %dma_wait3A_124 = arith.constant 0 : i32
      %dma_wait3A_125 = arith.constant 0 : i32
      %dma_wait3A_126 = tpu.memref_slice %arg8[%dma_wait3A_124, %dma_wait3A_125] : memref<64x128xf32, #tpu.memory_space<vmem>> -> memref<40x128xf32, #tpu.memory_space<vmem>>
      tpu.wait_dma2 semaphore(%run_scoped3A : memref<!tpu.dma_semaphore, #tpu.memory_space<semaphore_mem>>) src(%dma_wait3A_126 : memref<40x128xf32, #tpu.memory_space<vmem>>) dst(%dma_wait3A_123 : memref<40x128xf32, #tpu.memory_space<vmem_shared>>)
      tpu.yield
    }) : () -> ()
    %add3A_34 = arith.constant 560 : i32
    %add3A_35 = arith.addi %mul3A_6, %add3A_34 : i32
    "tpu.region"() ({
      %run_scoped3A = tpu.sem_alloc : memref<!tpu.dma_semaphore, #tpu.memory_space<semaphore_mem>>
      %dma_start3A = arith.constant 0 : i32
      %dma_start3A_109 = arith.constant 0 : i32
      %dma_start3A_110 = tpu.memref_slice %arg8[%dma_start3A, %dma_start3A_109] : memref<64x128xf32, #tpu.memory_space<vmem>> -> memref<40x128xf32, #tpu.memory_space<vmem>>
      %dma_start3A_111 = arith.constant 0 : i32
      %dma_start3A_112 = tpu.memref_slice %arg12[%add3A_35, %dma_start3A_111] : memref<10240x128xf32, #tpu.memory_space<vmem_shared>> -> memref<40x128xf32, #tpu.memory_space<vmem_shared>>
      %dma_start3A_113 = arith.constant 0 : i32
      %dma_start3A_114 = tpu.memref_slice %arg12[%add3A_35, %dma_start3A_113] : memref<10240x128xf32, #tpu.memory_space<vmem_shared>> -> memref<40x128xf32, #tpu.memory_space<vmem_shared>>
      %dma_start3A_115 = arith.constant 0 : i32
      %dma_start3A_116 = arith.constant 0 : i32
      %dma_start3A_117 = tpu.memref_slice %arg8[%dma_start3A_115, %dma_start3A_116] : memref<64x128xf32, #tpu.memory_space<vmem>> -> memref<40x128xf32, #tpu.memory_space<vmem>>
      tpu.enqueue_dma source(%dma_start3A_117 : memref<40x128xf32, #tpu.memory_space<vmem>>) target(%dma_start3A_114 : memref<40x128xf32, #tpu.memory_space<vmem_shared>>) target_semaphore(%run_scoped3A : memref<!tpu.dma_semaphore, #tpu.memory_space<semaphore_mem>>)
      %dma_wait3A = arith.constant 0 : i32
      %dma_wait3A_118 = arith.constant 0 : i32
      %dma_wait3A_119 = tpu.memref_slice %arg8[%dma_wait3A, %dma_wait3A_118] : memref<64x128xf32, #tpu.memory_space<vmem>> -> memref<40x128xf32, #tpu.memory_space<vmem>>
      %dma_wait3A_120 = arith.constant 0 : i32
      %dma_wait3A_121 = tpu.memref_slice %arg12[%add3A_35, %dma_wait3A_120] : memref<10240x128xf32, #tpu.memory_space<vmem_shared>> -> memref<40x128xf32, #tpu.memory_space<vmem_shared>>
      %dma_wait3A_122 = arith.constant 0 : i32
      %dma_wait3A_123 = tpu.memref_slice %arg12[%add3A_35, %dma_wait3A_122] : memref<10240x128xf32, #tpu.memory_space<vmem_shared>> -> memref<40x128xf32, #tpu.memory_space<vmem_shared>>
      %dma_wait3A_124 = arith.constant 0 : i32
      %dma_wait3A_125 = arith.constant 0 : i32
      %dma_wait3A_126 = tpu.memref_slice %arg8[%dma_wait3A_124, %dma_wait3A_125] : memref<64x128xf32, #tpu.memory_space<vmem>> -> memref<40x128xf32, #tpu.memory_space<vmem>>
      tpu.wait_dma2 semaphore(%run_scoped3A : memref<!tpu.dma_semaphore, #tpu.memory_space<semaphore_mem>>) src(%dma_wait3A_126 : memref<40x128xf32, #tpu.memory_space<vmem>>) dst(%dma_wait3A_123 : memref<40x128xf32, #tpu.memory_space<vmem_shared>>)
      tpu.yield
    }) : () -> ()
    %add3A_36 = arith.constant 600 : i32
    %add3A_37 = arith.addi %mul3A_6, %add3A_36 : i32
    "tpu.region"() ({
      %run_scoped3A = tpu.sem_alloc : memref<!tpu.dma_semaphore, #tpu.memory_space<semaphore_mem>>
      %dma_start3A = arith.constant 0 : i32
      %dma_start3A_109 = arith.constant 0 : i32
      %dma_start3A_110 = tpu.memref_slice %arg8[%dma_start3A, %dma_start3A_109] : memref<64x128xf32, #tpu.memory_space<vmem>> -> memref<40x128xf32, #tpu.memory_space<vmem>>
      %dma_start3A_111 = arith.constant 0 : i32
      %dma_start3A_112 = tpu.memref_slice %arg12[%add3A_37, %dma_start3A_111] : memref<10240x128xf32, #tpu.memory_space<vmem_shared>> -> memref<40x128xf32, #tpu.memory_space<vmem_shared>>
      %dma_start3A_113 = arith.constant 0 : i32
      %dma_start3A_114 = tpu.memref_slice %arg12[%add3A_37, %dma_start3A_113] : memref<10240x128xf32, #tpu.memory_space<vmem_shared>> -> memref<40x128xf32, #tpu.memory_space<vmem_shared>>
      %dma_start3A_115 = arith.constant 0 : i32
      %dma_start3A_116 = arith.constant 0 : i32
      %dma_start3A_117 = tpu.memref_slice %arg8[%dma_start3A_115, %dma_start3A_116] : memref<64x128xf32, #tpu.memory_space<vmem>> -> memref<40x128xf32, #tpu.memory_space<vmem>>
      tpu.enqueue_dma source(%dma_start3A_117 : memref<40x128xf32, #tpu.memory_space<vmem>>) target(%dma_start3A_114 : memref<40x128xf32, #tpu.memory_space<vmem_shared>>) target_semaphore(%run_scoped3A : memref<!tpu.dma_semaphore, #tpu.memory_space<semaphore_mem>>)
      %dma_wait3A = arith.constant 0 : i32
      %dma_wait3A_118 = arith.constant 0 : i32
      %dma_wait3A_119 = tpu.memref_slice %arg8[%dma_wait3A, %dma_wait3A_118] : memref<64x128xf32, #tpu.memory_space<vmem>> -> memref<40x128xf32, #tpu.memory_space<vmem>>
      %dma_wait3A_120 = arith.constant 0 : i32
      %dma_wait3A_121 = tpu.memref_slice %arg12[%add3A_37, %dma_wait3A_120] : memref<10240x128xf32, #tpu.memory_space<vmem_shared>> -> memref<40x128xf32, #tpu.memory_space<vmem_shared>>
      %dma_wait3A_122 = arith.constant 0 : i32
      %dma_wait3A_123 = tpu.memref_slice %arg12[%add3A_37, %dma_wait3A_122] : memref<10240x128xf32, #tpu.memory_space<vmem_shared>> -> memref<40x128xf32, #tpu.memory_space<vmem_shared>>
      %dma_wait3A_124 = arith.constant 0 : i32
      %dma_wait3A_125 = arith.constant 0 : i32
      %dma_wait3A_126 = tpu.memref_slice %arg8[%dma_wait3A_124, %dma_wait3A_125] : memref<64x128xf32, #tpu.memory_space<vmem>> -> memref<40x128xf32, #tpu.memory_space<vmem>>
      tpu.wait_dma2 semaphore(%run_scoped3A : memref<!tpu.dma_semaphore, #tpu.memory_space<semaphore_mem>>) src(%dma_wait3A_126 : memref<40x128xf32, #tpu.memory_space<vmem>>) dst(%dma_wait3A_123 : memref<40x128xf32, #tpu.memory_space<vmem_shared>>)
      tpu.yield
    }) : () -> ()
    %barrier3A = arith.constant 0 : index
    tpu.barrier barrier_id(%barrier3A)
    %scan3A_38 = arith.constant 0 : i32
    %scan3A_39 = arith.constant 0 : i32
    %scan3A_40 = arith.constant 10 : i32
    %scan3A_41 = arith.addi %scan3A_39, %scan3A_40 : i32
    %scan3A_42 = arith.constant 1 : i32
    scf.for %scan3A_109 = %scan3A_39 to %scan3A_41 step %scan3A_42  : i32 {
      "tpu.region"() ({
        %run_scoped3A = tpu.sem_alloc : memref<!tpu.dma_semaphore, #tpu.memory_space<semaphore_mem>>
        %dma_start3A_163 = arith.constant 0 : i32
        %dma_start3A_164 = arith.constant 0 : i32
        %dma_start3A_165 = tpu.memref_slice %arg3[%arg0, %arg1, %scan3A_109, %dma_start3A_163, %dma_start3A_164] : memref<2x16x10x32x64xi32, #tpu.memory_space<hbm>> -> memref<1x1x1x32x64xi32, #tpu.memory_space<hbm>>
        %dma_start3A_166 = tpu.memref_squeeze %dma_start3A_165 : memref<1x1x1x32x64xi32, #tpu.memory_space<hbm>> -> memref<32x64xi32, #tpu.memory_space<hbm>>
        %dma_start3A_167 = arith.constant 0 : i32
        %dma_start3A_168 = arith.constant 0 : i32
        %dma_start3A_169 = tpu.memref_slice %arg3[%arg0, %arg1, %scan3A_109, %dma_start3A_167, %dma_start3A_168] : memref<2x16x10x32x64xi32, #tpu.memory_space<hbm>> -> memref<1x1x1x32x64xi32, #tpu.memory_space<hbm>>
        %dma_start3A_170 = tpu.memref_squeeze %dma_start3A_169 : memref<1x1x1x32x64xi32, #tpu.memory_space<hbm>> -> memref<32x64xi32, #tpu.memory_space<hbm>>
        tpu.enqueue_dma source(%dma_start3A_170 : memref<32x64xi32, #tpu.memory_space<hbm>>) target(%arg6 : memref<32x64xi32, #tpu.memory_space<vmem>>) target_semaphore(%run_scoped3A : memref<!tpu.dma_semaphore, #tpu.memory_space<semaphore_mem>>)
        %dma_wait3A_171 = arith.constant 0 : i32
        %dma_wait3A_172 = arith.constant 0 : i32
        %dma_wait3A_173 = tpu.memref_slice %arg3[%arg0, %arg1, %scan3A_109, %dma_wait3A_171, %dma_wait3A_172] : memref<2x16x10x32x64xi32, #tpu.memory_space<hbm>> -> memref<1x1x1x32x64xi32, #tpu.memory_space<hbm>>
        %dma_wait3A_174 = tpu.memref_squeeze %dma_wait3A_173 : memref<1x1x1x32x64xi32, #tpu.memory_space<hbm>> -> memref<32x64xi32, #tpu.memory_space<hbm>>
        %dma_wait3A_175 = arith.constant 0 : i32
        %dma_wait3A_176 = arith.constant 0 : i32
        %dma_wait3A_177 = tpu.memref_slice %arg3[%arg0, %arg1, %scan3A_109, %dma_wait3A_175, %dma_wait3A_176] : memref<2x16x10x32x64xi32, #tpu.memory_space<hbm>> -> memref<1x1x1x32x64xi32, #tpu.memory_space<hbm>>
        %dma_wait3A_178 = tpu.memref_squeeze %dma_wait3A_177 : memref<1x1x1x32x64xi32, #tpu.memory_space<hbm>> -> memref<32x64xi32, #tpu.memory_space<hbm>>
        tpu.wait_dma2 semaphore(%run_scoped3A : memref<!tpu.dma_semaphore, #tpu.memory_space<semaphore_mem>>) src(%dma_wait3A_178 : memref<32x64xi32, #tpu.memory_space<hbm>>) dst(%arg6 : memref<32x64xi32, #tpu.memory_space<vmem>>)
        tpu.yield
      }) : () -> ()
      "tpu.region"() ({
        %run_scoped3A = tpu.sem_alloc : memref<!tpu.dma_semaphore, #tpu.memory_space<semaphore_mem>>
        %dma_start3A_163 = arith.constant 0 : i32
        %dma_start3A_164 = arith.constant 0 : i32
        %dma_start3A_165 = tpu.memref_slice %arg4[%arg1, %scan3A_109, %dma_start3A_163, %dma_start3A_164] : memref<16x10x32x64xi32, #tpu.memory_space<hbm>> -> memref<1x1x32x64xi32, #tpu.memory_space<hbm>>
        %dma_start3A_166 = tpu.memref_squeeze %dma_start3A_165 : memref<1x1x32x64xi32, #tpu.memory_space<hbm>> -> memref<32x64xi32, #tpu.memory_space<hbm>>
        %dma_start3A_167 = arith.constant 0 : i32
        %dma_start3A_168 = arith.constant 0 : i32
        %dma_start3A_169 = tpu.memref_slice %arg4[%arg1, %scan3A_109, %dma_start3A_167, %dma_start3A_168] : memref<16x10x32x64xi32, #tpu.memory_space<hbm>> -> memref<1x1x32x64xi32, #tpu.memory_space<hbm>>
        %dma_start3A_170 = tpu.memref_squeeze %dma_start3A_169 : memref<1x1x32x64xi32, #tpu.memory_space<hbm>> -> memref<32x64xi32, #tpu.memory_space<hbm>>
        tpu.enqueue_dma source(%dma_start3A_170 : memref<32x64xi32, #tpu.memory_space<hbm>>) target(%arg7 : memref<32x64xi32, #tpu.memory_space<vmem>>) target_semaphore(%run_scoped3A : memref<!tpu.dma_semaphore, #tpu.memory_space<semaphore_mem>>)
        %dma_wait3A_171 = arith.constant 0 : i32
        %dma_wait3A_172 = arith.constant 0 : i32
        %dma_wait3A_173 = tpu.memref_slice %arg4[%arg1, %scan3A_109, %dma_wait3A_171, %dma_wait3A_172] : memref<16x10x32x64xi32, #tpu.memory_space<hbm>> -> memref<1x1x32x64xi32, #tpu.memory_space<hbm>>
        %dma_wait3A_174 = tpu.memref_squeeze %dma_wait3A_173 : memref<1x1x32x64xi32, #tpu.memory_space<hbm>> -> memref<32x64xi32, #tpu.memory_space<hbm>>
        %dma_wait3A_175 = arith.constant 0 : i32
        %dma_wait3A_176 = arith.constant 0 : i32
        %dma_wait3A_177 = tpu.memref_slice %arg4[%arg1, %scan3A_109, %dma_wait3A_175, %dma_wait3A_176] : memref<16x10x32x64xi32, #tpu.memory_space<hbm>> -> memref<1x1x32x64xi32, #tpu.memory_space<hbm>>
        %dma_wait3A_178 = tpu.memref_squeeze %dma_wait3A_177 : memref<1x1x32x64xi32, #tpu.memory_space<hbm>> -> memref<32x64xi32, #tpu.memory_space<hbm>>
        tpu.wait_dma2 semaphore(%run_scoped3A : memref<!tpu.dma_semaphore, #tpu.memory_space<semaphore_mem>>) src(%dma_wait3A_178 : memref<32x64xi32, #tpu.memory_space<hbm>>) dst(%arg7 : memref<32x64xi32, #tpu.memory_space<vmem>>)
        tpu.yield
      }) : () -> ()
      %dma_start3A = arith.constant 0 : i32
      %dma_start3A_110 = arith.constant 0 : i32
      %dma_start3A_111 = tpu.memref_slice %arg6[%dma_start3A, %dma_start3A_110] : memref<32x64xi32, #tpu.memory_space<vmem>> -> memref<1x64xi32, #tpu.memory_space<vmem>>
      %dma_start3A_112 = tpu.memref_squeeze %dma_start3A_111 : memref<1x64xi32, #tpu.memory_space<vmem>> -> memref<64xi32, #tpu.memory_space<vmem>>
      %dma_start3A_113 = arith.constant 0 : i32
      %dma_start3A_114 = arith.constant 0 : i32
      %dma_start3A_115 = tpu.memref_slice %arg2[%dma_start3A_113, %dma_start3A_114] : memref<20000x128xf32, #tpu.memory_space<hbm>> -> memref<20000x128xf32, #tpu.memory_space<hbm>>
      tpu.enqueue_indirect_dma source(%dma_start3A_115 : memref<20000x128xf32, #tpu.memory_space<hbm>>) target(%arg8 : memref<64x128xf32, #tpu.memory_space<vmem>>) offsets(%dma_start3A_112 : memref<64xi32, #tpu.memory_space<vmem>>) semaphore(%arg13 : memref<!tpu.dma_semaphore, #tpu.memory_space<semaphore_mem>>)
      %dma_start3A_116 = arith.constant 1 : i32
      %dma_start3A_117 = arith.constant 0 : i32
      %dma_start3A_118 = tpu.memref_slice %arg6[%dma_start3A_116, %dma_start3A_117] : memref<32x64xi32, #tpu.memory_space<vmem>> -> memref<1x64xi32, #tpu.memory_space<vmem>>
      %dma_start3A_119 = tpu.memref_squeeze %dma_start3A_118 : memref<1x64xi32, #tpu.memory_space<vmem>> -> memref<64xi32, #tpu.memory_space<vmem>>
      %dma_start3A_120 = arith.constant 0 : i32
      %dma_start3A_121 = arith.constant 0 : i32
      %dma_start3A_122 = tpu.memref_slice %arg2[%dma_start3A_120, %dma_start3A_121] : memref<20000x128xf32, #tpu.memory_space<hbm>> -> memref<20000x128xf32, #tpu.memory_space<hbm>>
      tpu.enqueue_indirect_dma source(%dma_start3A_122 : memref<20000x128xf32, #tpu.memory_space<hbm>>) target(%arg9 : memref<64x128xf32, #tpu.memory_space<vmem>>) offsets(%dma_start3A_119 : memref<64xi32, #tpu.memory_space<vmem>>) semaphore(%arg14 : memref<!tpu.dma_semaphore, #tpu.memory_space<semaphore_mem>>)
      %dma_start3A_123 = arith.constant 2 : i32
      %dma_start3A_124 = arith.constant 0 : i32
      %dma_start3A_125 = tpu.memref_slice %arg6[%dma_start3A_123, %dma_start3A_124] : memref<32x64xi32, #tpu.memory_space<vmem>> -> memref<1x64xi32, #tpu.memory_space<vmem>>
      %dma_start3A_126 = tpu.memref_squeeze %dma_start3A_125 : memref<1x64xi32, #tpu.memory_space<vmem>> -> memref<64xi32, #tpu.memory_space<vmem>>
      %dma_start3A_127 = arith.constant 0 : i32
      %dma_start3A_128 = arith.constant 0 : i32
      %dma_start3A_129 = tpu.memref_slice %arg2[%dma_start3A_127, %dma_start3A_128] : memref<20000x128xf32, #tpu.memory_space<hbm>> -> memref<20000x128xf32, #tpu.memory_space<hbm>>
      tpu.enqueue_indirect_dma source(%dma_start3A_129 : memref<20000x128xf32, #tpu.memory_space<hbm>>) target(%arg10 : memref<64x128xf32, #tpu.memory_space<vmem>>) offsets(%dma_start3A_126 : memref<64xi32, #tpu.memory_space<vmem>>) semaphore(%arg15 : memref<!tpu.dma_semaphore, #tpu.memory_space<semaphore_mem>>)
      %scan3A_130 = arith.constant 0 : i32
      %scan3A_131 = arith.constant 0 : i32
      %scan3A_132 = arith.constant 8 : i32
      %scan3A_133 = arith.addi %scan3A_131, %scan3A_132 : i32
      %scan3A_134 = arith.constant 1 : i32
      scf.for %scan3A_163 = %scan3A_131 to %scan3A_133 step %scan3A_134  : i32 {
        %mul3A_164 = arith.constant 4 : i32
        %mul3A_165 = arith.muli %mul3A_164, %scan3A_163 : i32
        %add3A_166 = arith.constant 0 : i32
        %add3A_167 = arith.addi %mul3A_165, %add3A_166 : i32
        %dma_wait3A_168 = arith.constant 0 : i32
        %dma_wait3A_169 = tpu.memref_slice %arg6[%add3A_167, %dma_wait3A_168] : memref<32x64xi32, #tpu.memory_space<vmem>> -> memref<1x64xi32, #tpu.memory_space<vmem>>
        %dma_wait3A_170 = tpu.memref_squeeze %dma_wait3A_169 : memref<1x64xi32, #tpu.memory_space<vmem>> -> memref<64xi32, #tpu.memory_space<vmem>>
        %dma_wait3A_171 = arith.constant 0 : i32
        %dma_wait3A_172 = arith.constant 0 : i32
        %dma_wait3A_173 = tpu.memref_slice %arg2[%dma_wait3A_171, %dma_wait3A_172] : memref<20000x128xf32, #tpu.memory_space<hbm>> -> memref<20000x128xf32, #tpu.memory_space<hbm>>
        tpu.wait_indirect_dma semaphore(%arg13 : memref<!tpu.dma_semaphore, #tpu.memory_space<semaphore_mem>>) src(%dma_wait3A_173 : memref<20000x128xf32, #tpu.memory_space<hbm>>) dst(%arg8 : memref<64x128xf32, #tpu.memory_space<vmem>>)
        %dma_start3A_174 = arith.constant 0 : i32
        %dma_start3A_175 = tpu.memref_slice %arg7[%add3A_167, %dma_start3A_174] : memref<32x64xi32, #tpu.memory_space<vmem>> -> memref<1x64xi32, #tpu.memory_space<vmem>>
        %dma_start3A_176 = tpu.memref_squeeze %dma_start3A_175 : memref<1x64xi32, #tpu.memory_space<vmem>> -> memref<64xi32, #tpu.memory_space<vmem>>
        %dma_start3A_177 = arith.constant 0 : i32
        %dma_start3A_178 = arith.constant 0 : i32
        %dma_start3A_179 = tpu.memref_slice %arg12[%dma_start3A_177, %dma_start3A_178] : memref<10240x128xf32, #tpu.memory_space<vmem_shared>> -> memref<10240x128xf32, #tpu.memory_space<vmem_shared>>
        tpu.enqueue_indirect_dma source(%arg8 : memref<64x128xf32, #tpu.memory_space<vmem>>) target(%dma_start3A_179 : memref<10240x128xf32, #tpu.memory_space<vmem_shared>>) offsets(%dma_start3A_176 : memref<64xi32, #tpu.memory_space<vmem>>) semaphore(%arg17 : memref<!tpu.dma_semaphore, #tpu.memory_space<semaphore_mem>>) {add = true}
        %add3A_180 = arith.constant 3 : i32
        %add3A_181 = arith.addi %add3A_167, %add3A_180 : i32
        %lt3A = arith.constant 32 : i32
        %lt3A_182 = arith.cmpi slt, %add3A_181, %lt3A : i32
        %convert_element_type3A = arith.extui %lt3A_182 : i1 to i32
        %cond3A = arith.constant 0 : i32
        %cond3A_183 = arith.cmpi ne, %convert_element_type3A, %cond3A : i32
        scf.if %cond3A_183 {
          %ge3A = arith.constant 4 : i32
          %ge3A_253 = arith.cmpi sge, %add3A_181, %ge3A : i32
          %convert_element_type3A_254 = arith.extui %ge3A_253 : i1 to i32
          %cond3A_255 = arith.constant 0 : i32
          %cond3A_256 = arith.cmpi ne, %convert_element_type3A_254, %cond3A_255 : i32
          scf.if %cond3A_256 {
            %sub3A = arith.constant 4 : i32
            %sub3A_263 = arith.subi %add3A_181, %sub3A : i32
            %dma_wait3A_264 = arith.constant 0 : i32
            %dma_wait3A_265 = tpu.memref_slice %arg7[%sub3A_263, %dma_wait3A_264] : memref<32x64xi32, #tpu.memory_space<vmem>> -> memref<1x64xi32, #tpu.memory_space<vmem>>
            %dma_wait3A_266 = tpu.memref_squeeze %dma_wait3A_265 : memref<1x64xi32, #tpu.memory_space<vmem>> -> memref<64xi32, #tpu.memory_space<vmem>>
            %dma_wait3A_267 = arith.constant 0 : i32
            %dma_wait3A_268 = arith.constant 0 : i32
            %dma_wait3A_269 = tpu.memref_slice %arg12[%dma_wait3A_267, %dma_wait3A_268] : memref<10240x128xf32, #tpu.memory_space<vmem_shared>> -> memref<10240x128xf32, #tpu.memory_space<vmem_shared>>
            tpu.wait_indirect_dma semaphore(%arg20 : memref<!tpu.dma_semaphore, #tpu.memory_space<semaphore_mem>>) src(%arg11 : memref<64x128xf32, #tpu.memory_space<vmem>>) dst(%dma_wait3A_269 : memref<10240x128xf32, #tpu.memory_space<vmem_shared>>)
          } else {
          }
          %dma_start3A_257 = arith.constant 0 : i32
          %dma_start3A_258 = tpu.memref_slice %arg6[%add3A_181, %dma_start3A_257] : memref<32x64xi32, #tpu.memory_space<vmem>> -> memref<1x64xi32, #tpu.memory_space<vmem>>
          %dma_start3A_259 = tpu.memref_squeeze %dma_start3A_258 : memref<1x64xi32, #tpu.memory_space<vmem>> -> memref<64xi32, #tpu.memory_space<vmem>>
          %dma_start3A_260 = arith.constant 0 : i32
          %dma_start3A_261 = arith.constant 0 : i32
          %dma_start3A_262 = tpu.memref_slice %arg2[%dma_start3A_260, %dma_start3A_261] : memref<20000x128xf32, #tpu.memory_space<hbm>> -> memref<20000x128xf32, #tpu.memory_space<hbm>>
          tpu.enqueue_indirect_dma source(%dma_start3A_262 : memref<20000x128xf32, #tpu.memory_space<hbm>>) target(%arg11 : memref<64x128xf32, #tpu.memory_space<vmem>>) offsets(%dma_start3A_259 : memref<64xi32, #tpu.memory_space<vmem>>) semaphore(%arg16 : memref<!tpu.dma_semaphore, #tpu.memory_space<semaphore_mem>>)
        } else {
        }
        %mul3A_184 = arith.constant 4 : i32
        %mul3A_185 = arith.muli %mul3A_184, %scan3A_163 : i32
        %add3A_186 = arith.constant 1 : i32
        %add3A_187 = arith.addi %mul3A_185, %add3A_186 : i32
        %dma_wait3A_188 = arith.constant 0 : i32
        %dma_wait3A_189 = tpu.memref_slice %arg6[%add3A_187, %dma_wait3A_188] : memref<32x64xi32, #tpu.memory_space<vmem>> -> memref<1x64xi32, #tpu.memory_space<vmem>>
        %dma_wait3A_190 = tpu.memref_squeeze %dma_wait3A_189 : memref<1x64xi32, #tpu.memory_space<vmem>> -> memref<64xi32, #tpu.memory_space<vmem>>
        %dma_wait3A_191 = arith.constant 0 : i32
        %dma_wait3A_192 = arith.constant 0 : i32
        %dma_wait3A_193 = tpu.memref_slice %arg2[%dma_wait3A_191, %dma_wait3A_192] : memref<20000x128xf32, #tpu.memory_space<hbm>> -> memref<20000x128xf32, #tpu.memory_space<hbm>>
        tpu.wait_indirect_dma semaphore(%arg14 : memref<!tpu.dma_semaphore, #tpu.memory_space<semaphore_mem>>) src(%dma_wait3A_193 : memref<20000x128xf32, #tpu.memory_space<hbm>>) dst(%arg9 : memref<64x128xf32, #tpu.memory_space<vmem>>)
        %dma_start3A_194 = arith.constant 0 : i32
        %dma_start3A_195 = tpu.memref_slice %arg7[%add3A_187, %dma_start3A_194] : memref<32x64xi32, #tpu.memory_space<vmem>> -> memref<1x64xi32, #tpu.memory_space<vmem>>
        %dma_start3A_196 = tpu.memref_squeeze %dma_start3A_195 : memref<1x64xi32, #tpu.memory_space<vmem>> -> memref<64xi32, #tpu.memory_space<vmem>>
        %dma_start3A_197 = arith.constant 0 : i32
        %dma_start3A_198 = arith.constant 0 : i32
        %dma_start3A_199 = tpu.memref_slice %arg12[%dma_start3A_197, %dma_start3A_198] : memref<10240x128xf32, #tpu.memory_space<vmem_shared>> -> memref<10240x128xf32, #tpu.memory_space<vmem_shared>>
        tpu.enqueue_indirect_dma source(%arg9 : memref<64x128xf32, #tpu.memory_space<vmem>>) target(%dma_start3A_199 : memref<10240x128xf32, #tpu.memory_space<vmem_shared>>) offsets(%dma_start3A_196 : memref<64xi32, #tpu.memory_space<vmem>>) semaphore(%arg18 : memref<!tpu.dma_semaphore, #tpu.memory_space<semaphore_mem>>) {add = true}
        %add3A_200 = arith.constant 3 : i32
        %add3A_201 = arith.addi %add3A_187, %add3A_200 : i32
        %lt3A_202 = arith.constant 32 : i32
        %lt3A_203 = arith.cmpi slt, %add3A_201, %lt3A_202 : i32
        %convert_element_type3A_204 = arith.extui %lt3A_203 : i1 to i32
        %cond3A_205 = arith.constant 0 : i32
        %cond3A_206 = arith.cmpi ne, %convert_element_type3A_204, %cond3A_205 : i32
        scf.if %cond3A_206 {
          %ge3A = arith.constant 4 : i32
          %ge3A_253 = arith.cmpi sge, %add3A_201, %ge3A : i32
          %convert_element_type3A_254 = arith.extui %ge3A_253 : i1 to i32
          %cond3A_255 = arith.constant 0 : i32
          %cond3A_256 = arith.cmpi ne, %convert_element_type3A_254, %cond3A_255 : i32
          scf.if %cond3A_256 {
            %sub3A = arith.constant 4 : i32
            %sub3A_263 = arith.subi %add3A_201, %sub3A : i32
            %dma_wait3A_264 = arith.constant 0 : i32
            %dma_wait3A_265 = tpu.memref_slice %arg7[%sub3A_263, %dma_wait3A_264] : memref<32x64xi32, #tpu.memory_space<vmem>> -> memref<1x64xi32, #tpu.memory_space<vmem>>
            %dma_wait3A_266 = tpu.memref_squeeze %dma_wait3A_265 : memref<1x64xi32, #tpu.memory_space<vmem>> -> memref<64xi32, #tpu.memory_space<vmem>>
            %dma_wait3A_267 = arith.constant 0 : i32
            %dma_wait3A_268 = arith.constant 0 : i32
            %dma_wait3A_269 = tpu.memref_slice %arg12[%dma_wait3A_267, %dma_wait3A_268] : memref<10240x128xf32, #tpu.memory_space<vmem_shared>> -> memref<10240x128xf32, #tpu.memory_space<vmem_shared>>
            tpu.wait_indirect_dma semaphore(%arg17 : memref<!tpu.dma_semaphore, #tpu.memory_space<semaphore_mem>>) src(%arg8 : memref<64x128xf32, #tpu.memory_space<vmem>>) dst(%dma_wait3A_269 : memref<10240x128xf32, #tpu.memory_space<vmem_shared>>)
          } else {
          }
          %dma_start3A_257 = arith.constant 0 : i32
          %dma_start3A_258 = tpu.memref_slice %arg6[%add3A_201, %dma_start3A_257] : memref<32x64xi32, #tpu.memory_space<vmem>> -> memref<1x64xi32, #tpu.memory_space<vmem>>
          %dma_start3A_259 = tpu.memref_squeeze %dma_start3A_258 : memref<1x64xi32, #tpu.memory_space<vmem>> -> memref<64xi32, #tpu.memory_space<vmem>>
          %dma_start3A_260 = arith.constant 0 : i32
          %dma_start3A_261 = arith.constant 0 : i32
          %dma_start3A_262 = tpu.memref_slice %arg2[%dma_start3A_260, %dma_start3A_261] : memref<20000x128xf32, #tpu.memory_space<hbm>> -> memref<20000x128xf32, #tpu.memory_space<hbm>>
          tpu.enqueue_indirect_dma source(%dma_start3A_262 : memref<20000x128xf32, #tpu.memory_space<hbm>>) target(%arg8 : memref<64x128xf32, #tpu.memory_space<vmem>>) offsets(%dma_start3A_259 : memref<64xi32, #tpu.memory_space<vmem>>) semaphore(%arg13 : memref<!tpu.dma_semaphore, #tpu.memory_space<semaphore_mem>>)
        } else {
        }
        %mul3A_207 = arith.constant 4 : i32
        %mul3A_208 = arith.muli %mul3A_207, %scan3A_163 : i32
        %add3A_209 = arith.constant 2 : i32
        %add3A_210 = arith.addi %mul3A_208, %add3A_209 : i32
        %dma_wait3A_211 = arith.constant 0 : i32
        %dma_wait3A_212 = tpu.memref_slice %arg6[%add3A_210, %dma_wait3A_211] : memref<32x64xi32, #tpu.memory_space<vmem>> -> memref<1x64xi32, #tpu.memory_space<vmem>>
        %dma_wait3A_213 = tpu.memref_squeeze %dma_wait3A_212 : memref<1x64xi32, #tpu.memory_space<vmem>> -> memref<64xi32, #tpu.memory_space<vmem>>
        %dma_wait3A_214 = arith.constant 0 : i32
        %dma_wait3A_215 = arith.constant 0 : i32
        %dma_wait3A_216 = tpu.memref_slice %arg2[%dma_wait3A_214, %dma_wait3A_215] : memref<20000x128xf32, #tpu.memory_space<hbm>> -> memref<20000x128xf32, #tpu.memory_space<hbm>>
        tpu.wait_indirect_dma semaphore(%arg15 : memref<!tpu.dma_semaphore, #tpu.memory_space<semaphore_mem>>) src(%dma_wait3A_216 : memref<20000x128xf32, #tpu.memory_space<hbm>>) dst(%arg10 : memref<64x128xf32, #tpu.memory_space<vmem>>)
        %dma_start3A_217 = arith.constant 0 : i32
        %dma_start3A_218 = tpu.memref_slice %arg7[%add3A_210, %dma_start3A_217] : memref<32x64xi32, #tpu.memory_space<vmem>> -> memref<1x64xi32, #tpu.memory_space<vmem>>
        %dma_start3A_219 = tpu.memref_squeeze %dma_start3A_218 : memref<1x64xi32, #tpu.memory_space<vmem>> -> memref<64xi32, #tpu.memory_space<vmem>>
        %dma_start3A_220 = arith.constant 0 : i32
        %dma_start3A_221 = arith.constant 0 : i32
        %dma_start3A_222 = tpu.memref_slice %arg12[%dma_start3A_220, %dma_start3A_221] : memref<10240x128xf32, #tpu.memory_space<vmem_shared>> -> memref<10240x128xf32, #tpu.memory_space<vmem_shared>>
        tpu.enqueue_indirect_dma source(%arg10 : memref<64x128xf32, #tpu.memory_space<vmem>>) target(%dma_start3A_222 : memref<10240x128xf32, #tpu.memory_space<vmem_shared>>) offsets(%dma_start3A_219 : memref<64xi32, #tpu.memory_space<vmem>>) semaphore(%arg19 : memref<!tpu.dma_semaphore, #tpu.memory_space<semaphore_mem>>) {add = true}
        %add3A_223 = arith.constant 3 : i32
        %add3A_224 = arith.addi %add3A_210, %add3A_223 : i32
        %lt3A_225 = arith.constant 32 : i32
        %lt3A_226 = arith.cmpi slt, %add3A_224, %lt3A_225 : i32
        %convert_element_type3A_227 = arith.extui %lt3A_226 : i1 to i32
        %cond3A_228 = arith.constant 0 : i32
        %cond3A_229 = arith.cmpi ne, %convert_element_type3A_227, %cond3A_228 : i32
        scf.if %cond3A_229 {
          %ge3A = arith.constant 4 : i32
          %ge3A_253 = arith.cmpi sge, %add3A_224, %ge3A : i32
          %convert_element_type3A_254 = arith.extui %ge3A_253 : i1 to i32
          %cond3A_255 = arith.constant 0 : i32
          %cond3A_256 = arith.cmpi ne, %convert_element_type3A_254, %cond3A_255 : i32
          scf.if %cond3A_256 {
            %sub3A = arith.constant 4 : i32
            %sub3A_263 = arith.subi %add3A_224, %sub3A : i32
            %dma_wait3A_264 = arith.constant 0 : i32
            %dma_wait3A_265 = tpu.memref_slice %arg7[%sub3A_263, %dma_wait3A_264] : memref<32x64xi32, #tpu.memory_space<vmem>> -> memref<1x64xi32, #tpu.memory_space<vmem>>
            %dma_wait3A_266 = tpu.memref_squeeze %dma_wait3A_265 : memref<1x64xi32, #tpu.memory_space<vmem>> -> memref<64xi32, #tpu.memory_space<vmem>>
            %dma_wait3A_267 = arith.constant 0 : i32
            %dma_wait3A_268 = arith.constant 0 : i32
            %dma_wait3A_269 = tpu.memref_slice %arg12[%dma_wait3A_267, %dma_wait3A_268] : memref<10240x128xf32, #tpu.memory_space<vmem_shared>> -> memref<10240x128xf32, #tpu.memory_space<vmem_shared>>
            tpu.wait_indirect_dma semaphore(%arg18 : memref<!tpu.dma_semaphore, #tpu.memory_space<semaphore_mem>>) src(%arg9 : memref<64x128xf32, #tpu.memory_space<vmem>>) dst(%dma_wait3A_269 : memref<10240x128xf32, #tpu.memory_space<vmem_shared>>)
          } else {
          }
          %dma_start3A_257 = arith.constant 0 : i32
          %dma_start3A_258 = tpu.memref_slice %arg6[%add3A_224, %dma_start3A_257] : memref<32x64xi32, #tpu.memory_space<vmem>> -> memref<1x64xi32, #tpu.memory_space<vmem>>
          %dma_start3A_259 = tpu.memref_squeeze %dma_start3A_258 : memref<1x64xi32, #tpu.memory_space<vmem>> -> memref<64xi32, #tpu.memory_space<vmem>>
          %dma_start3A_260 = arith.constant 0 : i32
          %dma_start3A_261 = arith.constant 0 : i32
          %dma_start3A_262 = tpu.memref_slice %arg2[%dma_start3A_260, %dma_start3A_261] : memref<20000x128xf32, #tpu.memory_space<hbm>> -> memref<20000x128xf32, #tpu.memory_space<hbm>>
          tpu.enqueue_indirect_dma source(%dma_start3A_262 : memref<20000x128xf32, #tpu.memory_space<hbm>>) target(%arg9 : memref<64x128xf32, #tpu.memory_space<vmem>>) offsets(%dma_start3A_259 : memref<64xi32, #tpu.memory_space<vmem>>) semaphore(%arg14 : memref<!tpu.dma_semaphore, #tpu.memory_space<semaphore_mem>>)
        } else {
        }
        %mul3A_230 = arith.constant 4 : i32
        %mul3A_231 = arith.muli %mul3A_230, %scan3A_163 : i32
        %add3A_232 = arith.constant 3 : i32
        %add3A_233 = arith.addi %mul3A_231, %add3A_232 : i32
        %dma_wait3A_234 = arith.constant 0 : i32
        %dma_wait3A_235 = tpu.memref_slice %arg6[%add3A_233, %dma_wait3A_234] : memref<32x64xi32, #tpu.memory_space<vmem>> -> memref<1x64xi32, #tpu.memory_space<vmem>>
        %dma_wait3A_236 = tpu.memref_squeeze %dma_wait3A_235 : memref<1x64xi32, #tpu.memory_space<vmem>> -> memref<64xi32, #tpu.memory_space<vmem>>
        %dma_wait3A_237 = arith.constant 0 : i32
        %dma_wait3A_238 = arith.constant 0 : i32
        %dma_wait3A_239 = tpu.memref_slice %arg2[%dma_wait3A_237, %dma_wait3A_238] : memref<20000x128xf32, #tpu.memory_space<hbm>> -> memref<20000x128xf32, #tpu.memory_space<hbm>>
        tpu.wait_indirect_dma semaphore(%arg16 : memref<!tpu.dma_semaphore, #tpu.memory_space<semaphore_mem>>) src(%dma_wait3A_239 : memref<20000x128xf32, #tpu.memory_space<hbm>>) dst(%arg11 : memref<64x128xf32, #tpu.memory_space<vmem>>)
        %dma_start3A_240 = arith.constant 0 : i32
        %dma_start3A_241 = tpu.memref_slice %arg7[%add3A_233, %dma_start3A_240] : memref<32x64xi32, #tpu.memory_space<vmem>> -> memref<1x64xi32, #tpu.memory_space<vmem>>
        %dma_start3A_242 = tpu.memref_squeeze %dma_start3A_241 : memref<1x64xi32, #tpu.memory_space<vmem>> -> memref<64xi32, #tpu.memory_space<vmem>>
        %dma_start3A_243 = arith.constant 0 : i32
        %dma_start3A_244 = arith.constant 0 : i32
        %dma_start3A_245 = tpu.memref_slice %arg12[%dma_start3A_243, %dma_start3A_244] : memref<10240x128xf32, #tpu.memory_space<vmem_shared>> -> memref<10240x128xf32, #tpu.memory_space<vmem_shared>>
        tpu.enqueue_indirect_dma source(%arg11 : memref<64x128xf32, #tpu.memory_space<vmem>>) target(%dma_start3A_245 : memref<10240x128xf32, #tpu.memory_space<vmem_shared>>) offsets(%dma_start3A_242 : memref<64xi32, #tpu.memory_space<vmem>>) semaphore(%arg20 : memref<!tpu.dma_semaphore, #tpu.memory_space<semaphore_mem>>) {add = true}
        %add3A_246 = arith.constant 3 : i32
        %add3A_247 = arith.addi %add3A_233, %add3A_246 : i32
        %lt3A_248 = arith.constant 32 : i32
        %lt3A_249 = arith.cmpi slt, %add3A_247, %lt3A_248 : i32
        %convert_element_type3A_250 = arith.extui %lt3A_249 : i1 to i32
        %cond3A_251 = arith.constant 0 : i32
        %cond3A_252 = arith.cmpi ne, %convert_element_type3A_250, %cond3A_251 : i32
        scf.if %cond3A_252 {
          %ge3A = arith.constant 4 : i32
          %ge3A_253 = arith.cmpi sge, %add3A_247, %ge3A : i32
          %convert_element_type3A_254 = arith.extui %ge3A_253 : i1 to i32
          %cond3A_255 = arith.constant 0 : i32
          %cond3A_256 = arith.cmpi ne, %convert_element_type3A_254, %cond3A_255 : i32
          scf.if %cond3A_256 {
            %sub3A = arith.constant 4 : i32
            %sub3A_263 = arith.subi %add3A_247, %sub3A : i32
            %dma_wait3A_264 = arith.constant 0 : i32
            %dma_wait3A_265 = tpu.memref_slice %arg7[%sub3A_263, %dma_wait3A_264] : memref<32x64xi32, #tpu.memory_space<vmem>> -> memref<1x64xi32, #tpu.memory_space<vmem>>
            %dma_wait3A_266 = tpu.memref_squeeze %dma_wait3A_265 : memref<1x64xi32, #tpu.memory_space<vmem>> -> memref<64xi32, #tpu.memory_space<vmem>>
            %dma_wait3A_267 = arith.constant 0 : i32
            %dma_wait3A_268 = arith.constant 0 : i32
            %dma_wait3A_269 = tpu.memref_slice %arg12[%dma_wait3A_267, %dma_wait3A_268] : memref<10240x128xf32, #tpu.memory_space<vmem_shared>> -> memref<10240x128xf32, #tpu.memory_space<vmem_shared>>
            tpu.wait_indirect_dma semaphore(%arg19 : memref<!tpu.dma_semaphore, #tpu.memory_space<semaphore_mem>>) src(%arg10 : memref<64x128xf32, #tpu.memory_space<vmem>>) dst(%dma_wait3A_269 : memref<10240x128xf32, #tpu.memory_space<vmem_shared>>)
          } else {
          }
          %dma_start3A_257 = arith.constant 0 : i32
          %dma_start3A_258 = tpu.memref_slice %arg6[%add3A_247, %dma_start3A_257] : memref<32x64xi32, #tpu.memory_space<vmem>> -> memref<1x64xi32, #tpu.memory_space<vmem>>
          %dma_start3A_259 = tpu.memref_squeeze %dma_start3A_258 : memref<1x64xi32, #tpu.memory_space<vmem>> -> memref<64xi32, #tpu.memory_space<vmem>>
          %dma_start3A_260 = arith.constant 0 : i32
          %dma_start3A_261 = arith.constant 0 : i32
          %dma_start3A_262 = tpu.memref_slice %arg2[%dma_start3A_260, %dma_start3A_261] : memref<20000x128xf32, #tpu.memory_space<hbm>> -> memref<20000x128xf32, #tpu.memory_space<hbm>>
          tpu.enqueue_indirect_dma source(%dma_start3A_262 : memref<20000x128xf32, #tpu.memory_space<hbm>>) target(%arg10 : memref<64x128xf32, #tpu.memory_space<vmem>>) offsets(%dma_start3A_259 : memref<64xi32, #tpu.memory_space<vmem>>) semaphore(%arg15 : memref<!tpu.dma_semaphore, #tpu.memory_space<semaphore_mem>>)
        } else {
        }
      }
      %scan3A_135 = arith.constant 8 : i32
      %dma_wait3A = arith.constant 28 : i32
      %dma_wait3A_136 = arith.constant 0 : i32
      %dma_wait3A_137 = tpu.memref_slice %arg7[%dma_wait3A, %dma_wait3A_136] : memref<32x64xi32, #tpu.memory_space<vmem>> -> memref<1x64xi32, #tpu.memory_space<vmem>>
      %dma_wait3A_138 = tpu.memref_squeeze %dma_wait3A_137 : memref<1x64xi32, #tpu.memory_space<vmem>> -> memref<64xi32, #tpu.memory_space<vmem>>
      %dma_wait3A_139 = arith.constant 0 : i32
      %dma_wait3A_140 = arith.constant 0 : i32
      %dma_wait3A_141 = tpu.memref_slice %arg12[%dma_wait3A_139, %dma_wait3A_140] : memref<10240x128xf32, #tpu.memory_space<vmem_shared>> -> memref<10240x128xf32, #tpu.memory_space<vmem_shared>>
      tpu.wait_indirect_dma semaphore(%arg17 : memref<!tpu.dma_semaphore, #tpu.memory_space<semaphore_mem>>) src(%arg8 : memref<64x128xf32, #tpu.memory_space<vmem>>) dst(%dma_wait3A_141 : memref<10240x128xf32, #tpu.memory_space<vmem_shared>>)
      %dma_wait3A_142 = arith.constant 29 : i32
      %dma_wait3A_143 = arith.constant 0 : i32
      %dma_wait3A_144 = tpu.memref_slice %arg7[%dma_wait3A_142, %dma_wait3A_143] : memref<32x64xi32, #tpu.memory_space<vmem>> -> memref<1x64xi32, #tpu.memory_space<vmem>>
      %dma_wait3A_145 = tpu.memref_squeeze %dma_wait3A_144 : memref<1x64xi32, #tpu.memory_space<vmem>> -> memref<64xi32, #tpu.memory_space<vmem>>
      %dma_wait3A_146 = arith.constant 0 : i32
      %dma_wait3A_147 = arith.constant 0 : i32
      %dma_wait3A_148 = tpu.memref_slice %arg12[%dma_wait3A_146, %dma_wait3A_147] : memref<10240x128xf32, #tpu.memory_space<vmem_shared>> -> memref<10240x128xf32, #tpu.memory_space<vmem_shared>>
      tpu.wait_indirect_dma semaphore(%arg18 : memref<!tpu.dma_semaphore, #tpu.memory_space<semaphore_mem>>) src(%arg9 : memref<64x128xf32, #tpu.memory_space<vmem>>) dst(%dma_wait3A_148 : memref<10240x128xf32, #tpu.memory_space<vmem_shared>>)
      %dma_wait3A_149 = arith.constant 30 : i32
      %dma_wait3A_150 = arith.constant 0 : i32
      %dma_wait3A_151 = tpu.memref_slice %arg7[%dma_wait3A_149, %dma_wait3A_150] : memref<32x64xi32, #tpu.memory_space<vmem>> -> memref<1x64xi32, #tpu.memory_space<vmem>>
      %dma_wait3A_152 = tpu.memref_squeeze %dma_wait3A_151 : memref<1x64xi32, #tpu.memory_space<vmem>> -> memref<64xi32, #tpu.memory_space<vmem>>
      %dma_wait3A_153 = arith.constant 0 : i32
      %dma_wait3A_154 = arith.constant 0 : i32
      %dma_wait3A_155 = tpu.memref_slice %arg12[%dma_wait3A_153, %dma_wait3A_154] : memref<10240x128xf32, #tpu.memory_space<vmem_shared>> -> memref<10240x128xf32, #tpu.memory_space<vmem_shared>>
      tpu.wait_indirect_dma semaphore(%arg19 : memref<!tpu.dma_semaphore, #tpu.memory_space<semaphore_mem>>) src(%arg10 : memref<64x128xf32, #tpu.memory_space<vmem>>) dst(%dma_wait3A_155 : memref<10240x128xf32, #tpu.memory_space<vmem_shared>>)
      %dma_wait3A_156 = arith.constant 31 : i32
      %dma_wait3A_157 = arith.constant 0 : i32
      %dma_wait3A_158 = tpu.memref_slice %arg7[%dma_wait3A_156, %dma_wait3A_157] : memref<32x64xi32, #tpu.memory_space<vmem>> -> memref<1x64xi32, #tpu.memory_space<vmem>>
      %dma_wait3A_159 = tpu.memref_squeeze %dma_wait3A_158 : memref<1x64xi32, #tpu.memory_space<vmem>> -> memref<64xi32, #tpu.memory_space<vmem>>
      %dma_wait3A_160 = arith.constant 0 : i32
      %dma_wait3A_161 = arith.constant 0 : i32
      %dma_wait3A_162 = tpu.memref_slice %arg12[%dma_wait3A_160, %dma_wait3A_161] : memref<10240x128xf32, #tpu.memory_space<vmem_shared>> -> memref<10240x128xf32, #tpu.memory_space<vmem_shared>>
      tpu.wait_indirect_dma semaphore(%arg20 : memref<!tpu.dma_semaphore, #tpu.memory_space<semaphore_mem>>) src(%arg11 : memref<64x128xf32, #tpu.memory_space<vmem>>) dst(%dma_wait3A_162 : memref<10240x128xf32, #tpu.memory_space<vmem_shared>>)
    }
    %scan3A_43 = arith.constant 10 : i32
    %barrier3A_44 = arith.constant 0 : index
    tpu.barrier barrier_id(%barrier3A_44)
    %add3A_45 = arith.constant 0 : i32
    %add3A_46 = arith.addi %mul3A_6, %add3A_45 : i32
    "tpu.region"() ({
      %run_scoped3A = tpu.sem_alloc : memref<!tpu.dma_semaphore, #tpu.memory_space<semaphore_mem>>
      %dma_start3A = arith.constant 0 : i32
      %dma_start3A_109 = arith.constant 0 : i32
      %dma_start3A_110 = tpu.memref_slice %arg8[%dma_start3A, %dma_start3A_109] : memref<64x128xf32, #tpu.memory_space<vmem>> -> memref<40x128xf32, #tpu.memory_space<vmem>>
      %dma_start3A_111 = arith.constant 0 : i32
      %dma_start3A_112 = tpu.memref_slice %arg12[%add3A_46, %dma_start3A_111] : memref<10240x128xf32, #tpu.memory_space<vmem_shared>> -> memref<40x128xf32, #tpu.memory_space<vmem_shared>>
      %dma_start3A_113 = arith.constant 0 : i32
      %dma_start3A_114 = arith.constant 0 : i32
      %dma_start3A_115 = tpu.memref_slice %arg8[%dma_start3A_113, %dma_start3A_114] : memref<64x128xf32, #tpu.memory_space<vmem>> -> memref<40x128xf32, #tpu.memory_space<vmem>>
      %dma_start3A_116 = arith.constant 0 : i32
      %dma_start3A_117 = tpu.memref_slice %arg12[%add3A_46, %dma_start3A_116] : memref<10240x128xf32, #tpu.memory_space<vmem_shared>> -> memref<40x128xf32, #tpu.memory_space<vmem_shared>>
      tpu.enqueue_dma source(%dma_start3A_117 : memref<40x128xf32, #tpu.memory_space<vmem_shared>>) target(%dma_start3A_115 : memref<40x128xf32, #tpu.memory_space<vmem>>) target_semaphore(%run_scoped3A : memref<!tpu.dma_semaphore, #tpu.memory_space<semaphore_mem>>)
      %dma_wait3A = arith.constant 0 : i32
      %dma_wait3A_118 = arith.constant 0 : i32
      %dma_wait3A_119 = tpu.memref_slice %arg8[%dma_wait3A, %dma_wait3A_118] : memref<64x128xf32, #tpu.memory_space<vmem>> -> memref<40x128xf32, #tpu.memory_space<vmem>>
      %dma_wait3A_120 = arith.constant 0 : i32
      %dma_wait3A_121 = tpu.memref_slice %arg12[%add3A_46, %dma_wait3A_120] : memref<10240x128xf32, #tpu.memory_space<vmem_shared>> -> memref<40x128xf32, #tpu.memory_space<vmem_shared>>
      %dma_wait3A_122 = arith.constant 0 : i32
      %dma_wait3A_123 = arith.constant 0 : i32
      %dma_wait3A_124 = tpu.memref_slice %arg8[%dma_wait3A_122, %dma_wait3A_123] : memref<64x128xf32, #tpu.memory_space<vmem>> -> memref<40x128xf32, #tpu.memory_space<vmem>>
      %dma_wait3A_125 = arith.constant 0 : i32
      %dma_wait3A_126 = tpu.memref_slice %arg12[%add3A_46, %dma_wait3A_125] : memref<10240x128xf32, #tpu.memory_space<vmem_shared>> -> memref<40x128xf32, #tpu.memory_space<vmem_shared>>
      tpu.wait_dma2 semaphore(%run_scoped3A : memref<!tpu.dma_semaphore, #tpu.memory_space<semaphore_mem>>) src(%dma_wait3A_126 : memref<40x128xf32, #tpu.memory_space<vmem_shared>>) dst(%dma_wait3A_124 : memref<40x128xf32, #tpu.memory_space<vmem>>)
      tpu.yield
    }) : () -> ()
    %add3A_47 = arith.constant 0 : i32
    %add3A_48 = arith.addi %mul3A_6, %add3A_47 : i32
    "tpu.region"() ({
      %run_scoped3A = tpu.sem_alloc : memref<!tpu.dma_semaphore, #tpu.memory_space<semaphore_mem>>
      %dma_start3A = arith.constant 0 : i32
      %dma_start3A_109 = arith.constant 0 : i32
      %dma_start3A_110 = tpu.memref_slice %arg8[%dma_start3A, %dma_start3A_109] : memref<64x128xf32, #tpu.memory_space<vmem>> -> memref<40x128xf32, #tpu.memory_space<vmem>>
      %dma_start3A_111 = arith.constant 0 : i32
      %dma_start3A_112 = tpu.memref_slice %arg5[%arg0, %add3A_48, %dma_start3A_111] : memref<2x10240x128xf32, #tpu.memory_space<hbm>> -> memref<1x40x128xf32, #tpu.memory_space<hbm>>
      %dma_start3A_113 = tpu.memref_squeeze %dma_start3A_112 : memref<1x40x128xf32, #tpu.memory_space<hbm>> -> memref<40x128xf32, #tpu.memory_space<hbm>>
      %dma_start3A_114 = arith.constant 0 : i32
      %dma_start3A_115 = tpu.memref_slice %arg5[%arg0, %add3A_48, %dma_start3A_114] : memref<2x10240x128xf32, #tpu.memory_space<hbm>> -> memref<1x40x128xf32, #tpu.memory_space<hbm>>
      %dma_start3A_116 = tpu.memref_squeeze %dma_start3A_115 : memref<1x40x128xf32, #tpu.memory_space<hbm>> -> memref<40x128xf32, #tpu.memory_space<hbm>>
      %dma_start3A_117 = arith.constant 0 : i32
      %dma_start3A_118 = arith.constant 0 : i32
      %dma_start3A_119 = tpu.memref_slice %arg8[%dma_start3A_117, %dma_start3A_118] : memref<64x128xf32, #tpu.memory_space<vmem>> -> memref<40x128xf32, #tpu.memory_space<vmem>>
      tpu.enqueue_dma source(%dma_start3A_119 : memref<40x128xf32, #tpu.memory_space<vmem>>) target(%dma_start3A_116 : memref<40x128xf32, #tpu.memory_space<hbm>>) target_semaphore(%run_scoped3A : memref<!tpu.dma_semaphore, #tpu.memory_space<semaphore_mem>>)
      %dma_wait3A = arith.constant 0 : i32
      %dma_wait3A_120 = arith.constant 0 : i32
      %dma_wait3A_121 = tpu.memref_slice %arg8[%dma_wait3A, %dma_wait3A_120] : memref<64x128xf32, #tpu.memory_space<vmem>> -> memref<40x128xf32, #tpu.memory_space<vmem>>
      %dma_wait3A_122 = arith.constant 0 : i32
      %dma_wait3A_123 = tpu.memref_slice %arg5[%arg0, %add3A_48, %dma_wait3A_122] : memref<2x10240x128xf32, #tpu.memory_space<hbm>> -> memref<1x40x128xf32, #tpu.memory_space<hbm>>
      %dma_wait3A_124 = tpu.memref_squeeze %dma_wait3A_123 : memref<1x40x128xf32, #tpu.memory_space<hbm>> -> memref<40x128xf32, #tpu.memory_space<hbm>>
      %dma_wait3A_125 = arith.constant 0 : i32
      %dma_wait3A_126 = tpu.memref_slice %arg5[%arg0, %add3A_48, %dma_wait3A_125] : memref<2x10240x128xf32, #tpu.memory_space<hbm>> -> memref<1x40x128xf32, #tpu.memory_space<hbm>>
      %dma_wait3A_127 = tpu.memref_squeeze %dma_wait3A_126 : memref<1x40x128xf32, #tpu.memory_space<hbm>> -> memref<40x128xf32, #tpu.memory_space<hbm>>
      %dma_wait3A_128 = arith.constant 0 : i32
      %dma_wait3A_129 = arith.constant 0 : i32
      %dma_wait3A_130 = tpu.memref_slice %arg8[%dma_wait3A_128, %dma_wait3A_129] : memref<64x128xf32, #tpu.memory_space<vmem>> -> memref<40x128xf32, #tpu.memory_space<vmem>>
      tpu.wait_dma2 semaphore(%run_scoped3A : memref<!tpu.dma_semaphore, #tpu.memory_space<semaphore_mem>>) src(%dma_wait3A_130 : memref<40x128xf32, #tpu.memory_space<vmem>>) dst(%dma_wait3A_127 : memref<40x128xf32, #tpu.memory_space<hbm>>)
      tpu.yield
    }) : () -> ()
    %add3A_49 = arith.constant 40 : i32
    %add3A_50 = arith.addi %mul3A_6, %add3A_49 : i32
    "tpu.region"() ({
      %run_scoped3A = tpu.sem_alloc : memref<!tpu.dma_semaphore, #tpu.memory_space<semaphore_mem>>
      %dma_start3A = arith.constant 0 : i32
      %dma_start3A_109 = arith.constant 0 : i32
      %dma_start3A_110 = tpu.memref_slice %arg8[%dma_start3A, %dma_start3A_109] : memref<64x128xf32, #tpu.memory_space<vmem>> -> memref<40x128xf32, #tpu.memory_space<vmem>>
      %dma_start3A_111 = arith.constant 0 : i32
      %dma_start3A_112 = tpu.memref_slice %arg12[%add3A_50, %dma_start3A_111] : memref<10240x128xf32, #tpu.memory_space<vmem_shared>> -> memref<40x128xf32, #tpu.memory_space<vmem_shared>>
      %dma_start3A_113 = arith.constant 0 : i32
      %dma_start3A_114 = arith.constant 0 : i32
      %dma_start3A_115 = tpu.memref_slice %arg8[%dma_start3A_113, %dma_start3A_114] : memref<64x128xf32, #tpu.memory_space<vmem>> -> memref<40x128xf32, #tpu.memory_space<vmem>>
      %dma_start3A_116 = arith.constant 0 : i32
      %dma_start3A_117 = tpu.memref_slice %arg12[%add3A_50, %dma_start3A_116] : memref<10240x128xf32, #tpu.memory_space<vmem_shared>> -> memref<40x128xf32, #tpu.memory_space<vmem_shared>>
      tpu.enqueue_dma source(%dma_start3A_117 : memref<40x128xf32, #tpu.memory_space<vmem_shared>>) target(%dma_start3A_115 : memref<40x128xf32, #tpu.memory_space<vmem>>) target_semaphore(%run_scoped3A : memref<!tpu.dma_semaphore, #tpu.memory_space<semaphore_mem>>)
      %dma_wait3A = arith.constant 0 : i32
      %dma_wait3A_118 = arith.constant 0 : i32
      %dma_wait3A_119 = tpu.memref_slice %arg8[%dma_wait3A, %dma_wait3A_118] : memref<64x128xf32, #tpu.memory_space<vmem>> -> memref<40x128xf32, #tpu.memory_space<vmem>>
      %dma_wait3A_120 = arith.constant 0 : i32
      %dma_wait3A_121 = tpu.memref_slice %arg12[%add3A_50, %dma_wait3A_120] : memref<10240x128xf32, #tpu.memory_space<vmem_shared>> -> memref<40x128xf32, #tpu.memory_space<vmem_shared>>
      %dma_wait3A_122 = arith.constant 0 : i32
      %dma_wait3A_123 = arith.constant 0 : i32
      %dma_wait3A_124 = tpu.memref_slice %arg8[%dma_wait3A_122, %dma_wait3A_123] : memref<64x128xf32, #tpu.memory_space<vmem>> -> memref<40x128xf32, #tpu.memory_space<vmem>>
      %dma_wait3A_125 = arith.constant 0 : i32
      %dma_wait3A_126 = tpu.memref_slice %arg12[%add3A_50, %dma_wait3A_125] : memref<10240x128xf32, #tpu.memory_space<vmem_shared>> -> memref<40x128xf32, #tpu.memory_space<vmem_shared>>
      tpu.wait_dma2 semaphore(%run_scoped3A : memref<!tpu.dma_semaphore, #tpu.memory_space<semaphore_mem>>) src(%dma_wait3A_126 : memref<40x128xf32, #tpu.memory_space<vmem_shared>>) dst(%dma_wait3A_124 : memref<40x128xf32, #tpu.memory_space<vmem>>)
      tpu.yield
    }) : () -> ()
    %add3A_51 = arith.constant 40 : i32
    %add3A_52 = arith.addi %mul3A_6, %add3A_51 : i32
    "tpu.region"() ({
      %run_scoped3A = tpu.sem_alloc : memref<!tpu.dma_semaphore, #tpu.memory_space<semaphore_mem>>
      %dma_start3A = arith.constant 0 : i32
      %dma_start3A_109 = arith.constant 0 : i32
      %dma_start3A_110 = tpu.memref_slice %arg8[%dma_start3A, %dma_start3A_109] : memref<64x128xf32, #tpu.memory_space<vmem>> -> memref<40x128xf32, #tpu.memory_space<vmem>>
      %dma_start3A_111 = arith.constant 0 : i32
      %dma_start3A_112 = tpu.memref_slice %arg5[%arg0, %add3A_52, %dma_start3A_111] : memref<2x10240x128xf32, #tpu.memory_space<hbm>> -> memref<1x40x128xf32, #tpu.memory_space<hbm>>
      %dma_start3A_113 = tpu.memref_squeeze %dma_start3A_112 : memref<1x40x128xf32, #tpu.memory_space<hbm>> -> memref<40x128xf32, #tpu.memory_space<hbm>>
      %dma_start3A_114 = arith.constant 0 : i32
      %dma_start3A_115 = tpu.memref_slice %arg5[%arg0, %add3A_52, %dma_start3A_114] : memref<2x10240x128xf32, #tpu.memory_space<hbm>> -> memref<1x40x128xf32, #tpu.memory_space<hbm>>
      %dma_start3A_116 = tpu.memref_squeeze %dma_start3A_115 : memref<1x40x128xf32, #tpu.memory_space<hbm>> -> memref<40x128xf32, #tpu.memory_space<hbm>>
      %dma_start3A_117 = arith.constant 0 : i32
      %dma_start3A_118 = arith.constant 0 : i32
      %dma_start3A_119 = tpu.memref_slice %arg8[%dma_start3A_117, %dma_start3A_118] : memref<64x128xf32, #tpu.memory_space<vmem>> -> memref<40x128xf32, #tpu.memory_space<vmem>>
      tpu.enqueue_dma source(%dma_start3A_119 : memref<40x128xf32, #tpu.memory_space<vmem>>) target(%dma_start3A_116 : memref<40x128xf32, #tpu.memory_space<hbm>>) target_semaphore(%run_scoped3A : memref<!tpu.dma_semaphore, #tpu.memory_space<semaphore_mem>>)
      %dma_wait3A = arith.constant 0 : i32
      %dma_wait3A_120 = arith.constant 0 : i32
      %dma_wait3A_121 = tpu.memref_slice %arg8[%dma_wait3A, %dma_wait3A_120] : memref<64x128xf32, #tpu.memory_space<vmem>> -> memref<40x128xf32, #tpu.memory_space<vmem>>
      %dma_wait3A_122 = arith.constant 0 : i32
      %dma_wait3A_123 = tpu.memref_slice %arg5[%arg0, %add3A_52, %dma_wait3A_122] : memref<2x10240x128xf32, #tpu.memory_space<hbm>> -> memref<1x40x128xf32, #tpu.memory_space<hbm>>
      %dma_wait3A_124 = tpu.memref_squeeze %dma_wait3A_123 : memref<1x40x128xf32, #tpu.memory_space<hbm>> -> memref<40x128xf32, #tpu.memory_space<hbm>>
      %dma_wait3A_125 = arith.constant 0 : i32
      %dma_wait3A_126 = tpu.memref_slice %arg5[%arg0, %add3A_52, %dma_wait3A_125] : memref<2x10240x128xf32, #tpu.memory_space<hbm>> -> memref<1x40x128xf32, #tpu.memory_space<hbm>>
      %dma_wait3A_127 = tpu.memref_squeeze %dma_wait3A_126 : memref<1x40x128xf32, #tpu.memory_space<hbm>> -> memref<40x128xf32, #tpu.memory_space<hbm>>
      %dma_wait3A_128 = arith.constant 0 : i32
      %dma_wait3A_129 = arith.constant 0 : i32
      %dma_wait3A_130 = tpu.memref_slice %arg8[%dma_wait3A_128, %dma_wait3A_129] : memref<64x128xf32, #tpu.memory_space<vmem>> -> memref<40x128xf32, #tpu.memory_space<vmem>>
      tpu.wait_dma2 semaphore(%run_scoped3A : memref<!tpu.dma_semaphore, #tpu.memory_space<semaphore_mem>>) src(%dma_wait3A_130 : memref<40x128xf32, #tpu.memory_space<vmem>>) dst(%dma_wait3A_127 : memref<40x128xf32, #tpu.memory_space<hbm>>)
      tpu.yield
    }) : () -> ()
    %add3A_53 = arith.constant 80 : i32
    %add3A_54 = arith.addi %mul3A_6, %add3A_53 : i32
    "tpu.region"() ({
      %run_scoped3A = tpu.sem_alloc : memref<!tpu.dma_semaphore, #tpu.memory_space<semaphore_mem>>
      %dma_start3A = arith.constant 0 : i32
      %dma_start3A_109 = arith.constant 0 : i32
      %dma_start3A_110 = tpu.memref_slice %arg8[%dma_start3A, %dma_start3A_109] : memref<64x128xf32, #tpu.memory_space<vmem>> -> memref<40x128xf32, #tpu.memory_space<vmem>>
      %dma_start3A_111 = arith.constant 0 : i32
      %dma_start3A_112 = tpu.memref_slice %arg12[%add3A_54, %dma_start3A_111] : memref<10240x128xf32, #tpu.memory_space<vmem_shared>> -> memref<40x128xf32, #tpu.memory_space<vmem_shared>>
      %dma_start3A_113 = arith.constant 0 : i32
      %dma_start3A_114 = arith.constant 0 : i32
      %dma_start3A_115 = tpu.memref_slice %arg8[%dma_start3A_113, %dma_start3A_114] : memref<64x128xf32, #tpu.memory_space<vmem>> -> memref<40x128xf32, #tpu.memory_space<vmem>>
      %dma_start3A_116 = arith.constant 0 : i32
      %dma_start3A_117 = tpu.memref_slice %arg12[%add3A_54, %dma_start3A_116] : memref<10240x128xf32, #tpu.memory_space<vmem_shared>> -> memref<40x128xf32, #tpu.memory_space<vmem_shared>>
      tpu.enqueue_dma source(%dma_start3A_117 : memref<40x128xf32, #tpu.memory_space<vmem_shared>>) target(%dma_start3A_115 : memref<40x128xf32, #tpu.memory_space<vmem>>) target_semaphore(%run_scoped3A : memref<!tpu.dma_semaphore, #tpu.memory_space<semaphore_mem>>)
      %dma_wait3A = arith.constant 0 : i32
      %dma_wait3A_118 = arith.constant 0 : i32
      %dma_wait3A_119 = tpu.memref_slice %arg8[%dma_wait3A, %dma_wait3A_118] : memref<64x128xf32, #tpu.memory_space<vmem>> -> memref<40x128xf32, #tpu.memory_space<vmem>>
      %dma_wait3A_120 = arith.constant 0 : i32
      %dma_wait3A_121 = tpu.memref_slice %arg12[%add3A_54, %dma_wait3A_120] : memref<10240x128xf32, #tpu.memory_space<vmem_shared>> -> memref<40x128xf32, #tpu.memory_space<vmem_shared>>
      %dma_wait3A_122 = arith.constant 0 : i32
      %dma_wait3A_123 = arith.constant 0 : i32
      %dma_wait3A_124 = tpu.memref_slice %arg8[%dma_wait3A_122, %dma_wait3A_123] : memref<64x128xf32, #tpu.memory_space<vmem>> -> memref<40x128xf32, #tpu.memory_space<vmem>>
      %dma_wait3A_125 = arith.constant 0 : i32
      %dma_wait3A_126 = tpu.memref_slice %arg12[%add3A_54, %dma_wait3A_125] : memref<10240x128xf32, #tpu.memory_space<vmem_shared>> -> memref<40x128xf32, #tpu.memory_space<vmem_shared>>
      tpu.wait_dma2 semaphore(%run_scoped3A : memref<!tpu.dma_semaphore, #tpu.memory_space<semaphore_mem>>) src(%dma_wait3A_126 : memref<40x128xf32, #tpu.memory_space<vmem_shared>>) dst(%dma_wait3A_124 : memref<40x128xf32, #tpu.memory_space<vmem>>)
      tpu.yield
    }) : () -> ()
    %add3A_55 = arith.constant 80 : i32
    %add3A_56 = arith.addi %mul3A_6, %add3A_55 : i32
    "tpu.region"() ({
      %run_scoped3A = tpu.sem_alloc : memref<!tpu.dma_semaphore, #tpu.memory_space<semaphore_mem>>
      %dma_start3A = arith.constant 0 : i32
      %dma_start3A_109 = arith.constant 0 : i32
      %dma_start3A_110 = tpu.memref_slice %arg8[%dma_start3A, %dma_start3A_109] : memref<64x128xf32, #tpu.memory_space<vmem>> -> memref<40x128xf32, #tpu.memory_space<vmem>>
      %dma_start3A_111 = arith.constant 0 : i32
      %dma_start3A_112 = tpu.memref_slice %arg5[%arg0, %add3A_56, %dma_start3A_111] : memref<2x10240x128xf32, #tpu.memory_space<hbm>> -> memref<1x40x128xf32, #tpu.memory_space<hbm>>
      %dma_start3A_113 = tpu.memref_squeeze %dma_start3A_112 : memref<1x40x128xf32, #tpu.memory_space<hbm>> -> memref<40x128xf32, #tpu.memory_space<hbm>>
      %dma_start3A_114 = arith.constant 0 : i32
      %dma_start3A_115 = tpu.memref_slice %arg5[%arg0, %add3A_56, %dma_start3A_114] : memref<2x10240x128xf32, #tpu.memory_space<hbm>> -> memref<1x40x128xf32, #tpu.memory_space<hbm>>
      %dma_start3A_116 = tpu.memref_squeeze %dma_start3A_115 : memref<1x40x128xf32, #tpu.memory_space<hbm>> -> memref<40x128xf32, #tpu.memory_space<hbm>>
      %dma_start3A_117 = arith.constant 0 : i32
      %dma_start3A_118 = arith.constant 0 : i32
      %dma_start3A_119 = tpu.memref_slice %arg8[%dma_start3A_117, %dma_start3A_118] : memref<64x128xf32, #tpu.memory_space<vmem>> -> memref<40x128xf32, #tpu.memory_space<vmem>>
      tpu.enqueue_dma source(%dma_start3A_119 : memref<40x128xf32, #tpu.memory_space<vmem>>) target(%dma_start3A_116 : memref<40x128xf32, #tpu.memory_space<hbm>>) target_semaphore(%run_scoped3A : memref<!tpu.dma_semaphore, #tpu.memory_space<semaphore_mem>>)
      %dma_wait3A = arith.constant 0 : i32
      %dma_wait3A_120 = arith.constant 0 : i32
      %dma_wait3A_121 = tpu.memref_slice %arg8[%dma_wait3A, %dma_wait3A_120] : memref<64x128xf32, #tpu.memory_space<vmem>> -> memref<40x128xf32, #tpu.memory_space<vmem>>
      %dma_wait3A_122 = arith.constant 0 : i32
      %dma_wait3A_123 = tpu.memref_slice %arg5[%arg0, %add3A_56, %dma_wait3A_122] : memref<2x10240x128xf32, #tpu.memory_space<hbm>> -> memref<1x40x128xf32, #tpu.memory_space<hbm>>
      %dma_wait3A_124 = tpu.memref_squeeze %dma_wait3A_123 : memref<1x40x128xf32, #tpu.memory_space<hbm>> -> memref<40x128xf32, #tpu.memory_space<hbm>>
      %dma_wait3A_125 = arith.constant 0 : i32
      %dma_wait3A_126 = tpu.memref_slice %arg5[%arg0, %add3A_56, %dma_wait3A_125] : memref<2x10240x128xf32, #tpu.memory_space<hbm>> -> memref<1x40x128xf32, #tpu.memory_space<hbm>>
      %dma_wait3A_127 = tpu.memref_squeeze %dma_wait3A_126 : memref<1x40x128xf32, #tpu.memory_space<hbm>> -> memref<40x128xf32, #tpu.memory_space<hbm>>
      %dma_wait3A_128 = arith.constant 0 : i32
      %dma_wait3A_129 = arith.constant 0 : i32
      %dma_wait3A_130 = tpu.memref_slice %arg8[%dma_wait3A_128, %dma_wait3A_129] : memref<64x128xf32, #tpu.memory_space<vmem>> -> memref<40x128xf32, #tpu.memory_space<vmem>>
      tpu.wait_dma2 semaphore(%run_scoped3A : memref<!tpu.dma_semaphore, #tpu.memory_space<semaphore_mem>>) src(%dma_wait3A_130 : memref<40x128xf32, #tpu.memory_space<vmem>>) dst(%dma_wait3A_127 : memref<40x128xf32, #tpu.memory_space<hbm>>)
      tpu.yield
    }) : () -> ()
    %add3A_57 = arith.constant 120 : i32
    %add3A_58 = arith.addi %mul3A_6, %add3A_57 : i32
    "tpu.region"() ({
      %run_scoped3A = tpu.sem_alloc : memref<!tpu.dma_semaphore, #tpu.memory_space<semaphore_mem>>
      %dma_start3A = arith.constant 0 : i32
      %dma_start3A_109 = arith.constant 0 : i32
      %dma_start3A_110 = tpu.memref_slice %arg8[%dma_start3A, %dma_start3A_109] : memref<64x128xf32, #tpu.memory_space<vmem>> -> memref<40x128xf32, #tpu.memory_space<vmem>>
      %dma_start3A_111 = arith.constant 0 : i32
      %dma_start3A_112 = tpu.memref_slice %arg12[%add3A_58, %dma_start3A_111] : memref<10240x128xf32, #tpu.memory_space<vmem_shared>> -> memref<40x128xf32, #tpu.memory_space<vmem_shared>>
      %dma_start3A_113 = arith.constant 0 : i32
      %dma_start3A_114 = arith.constant 0 : i32
      %dma_start3A_115 = tpu.memref_slice %arg8[%dma_start3A_113, %dma_start3A_114] : memref<64x128xf32, #tpu.memory_space<vmem>> -> memref<40x128xf32, #tpu.memory_space<vmem>>
      %dma_start3A_116 = arith.constant 0 : i32
      %dma_start3A_117 = tpu.memref_slice %arg12[%add3A_58, %dma_start3A_116] : memref<10240x128xf32, #tpu.memory_space<vmem_shared>> -> memref<40x128xf32, #tpu.memory_space<vmem_shared>>
      tpu.enqueue_dma source(%dma_start3A_117 : memref<40x128xf32, #tpu.memory_space<vmem_shared>>) target(%dma_start3A_115 : memref<40x128xf32, #tpu.memory_space<vmem>>) target_semaphore(%run_scoped3A : memref<!tpu.dma_semaphore, #tpu.memory_space<semaphore_mem>>)
      %dma_wait3A = arith.constant 0 : i32
      %dma_wait3A_118 = arith.constant 0 : i32
      %dma_wait3A_119 = tpu.memref_slice %arg8[%dma_wait3A, %dma_wait3A_118] : memref<64x128xf32, #tpu.memory_space<vmem>> -> memref<40x128xf32, #tpu.memory_space<vmem>>
      %dma_wait3A_120 = arith.constant 0 : i32
      %dma_wait3A_121 = tpu.memref_slice %arg12[%add3A_58, %dma_wait3A_120] : memref<10240x128xf32, #tpu.memory_space<vmem_shared>> -> memref<40x128xf32, #tpu.memory_space<vmem_shared>>
      %dma_wait3A_122 = arith.constant 0 : i32
      %dma_wait3A_123 = arith.constant 0 : i32
      %dma_wait3A_124 = tpu.memref_slice %arg8[%dma_wait3A_122, %dma_wait3A_123] : memref<64x128xf32, #tpu.memory_space<vmem>> -> memref<40x128xf32, #tpu.memory_space<vmem>>
      %dma_wait3A_125 = arith.constant 0 : i32
      %dma_wait3A_126 = tpu.memref_slice %arg12[%add3A_58, %dma_wait3A_125] : memref<10240x128xf32, #tpu.memory_space<vmem_shared>> -> memref<40x128xf32, #tpu.memory_space<vmem_shared>>
      tpu.wait_dma2 semaphore(%run_scoped3A : memref<!tpu.dma_semaphore, #tpu.memory_space<semaphore_mem>>) src(%dma_wait3A_126 : memref<40x128xf32, #tpu.memory_space<vmem_shared>>) dst(%dma_wait3A_124 : memref<40x128xf32, #tpu.memory_space<vmem>>)
      tpu.yield
    }) : () -> ()
    %add3A_59 = arith.constant 120 : i32
    %add3A_60 = arith.addi %mul3A_6, %add3A_59 : i32
    "tpu.region"() ({
      %run_scoped3A = tpu.sem_alloc : memref<!tpu.dma_semaphore, #tpu.memory_space<semaphore_mem>>
      %dma_start3A = arith.constant 0 : i32
      %dma_start3A_109 = arith.constant 0 : i32
      %dma_start3A_110 = tpu.memref_slice %arg8[%dma_start3A, %dma_start3A_109] : memref<64x128xf32, #tpu.memory_space<vmem>> -> memref<40x128xf32, #tpu.memory_space<vmem>>
      %dma_start3A_111 = arith.constant 0 : i32
      %dma_start3A_112 = tpu.memref_slice %arg5[%arg0, %add3A_60, %dma_start3A_111] : memref<2x10240x128xf32, #tpu.memory_space<hbm>> -> memref<1x40x128xf32, #tpu.memory_space<hbm>>
      %dma_start3A_113 = tpu.memref_squeeze %dma_start3A_112 : memref<1x40x128xf32, #tpu.memory_space<hbm>> -> memref<40x128xf32, #tpu.memory_space<hbm>>
      %dma_start3A_114 = arith.constant 0 : i32
      %dma_start3A_115 = tpu.memref_slice %arg5[%arg0, %add3A_60, %dma_start3A_114] : memref<2x10240x128xf32, #tpu.memory_space<hbm>> -> memref<1x40x128xf32, #tpu.memory_space<hbm>>
      %dma_start3A_116 = tpu.memref_squeeze %dma_start3A_115 : memref<1x40x128xf32, #tpu.memory_space<hbm>> -> memref<40x128xf32, #tpu.memory_space<hbm>>
      %dma_start3A_117 = arith.constant 0 : i32
      %dma_start3A_118 = arith.constant 0 : i32
      %dma_start3A_119 = tpu.memref_slice %arg8[%dma_start3A_117, %dma_start3A_118] : memref<64x128xf32, #tpu.memory_space<vmem>> -> memref<40x128xf32, #tpu.memory_space<vmem>>
      tpu.enqueue_dma source(%dma_start3A_119 : memref<40x128xf32, #tpu.memory_space<vmem>>) target(%dma_start3A_116 : memref<40x128xf32, #tpu.memory_space<hbm>>) target_semaphore(%run_scoped3A : memref<!tpu.dma_semaphore, #tpu.memory_space<semaphore_mem>>)
      %dma_wait3A = arith.constant 0 : i32
      %dma_wait3A_120 = arith.constant 0 : i32
      %dma_wait3A_121 = tpu.memref_slice %arg8[%dma_wait3A, %dma_wait3A_120] : memref<64x128xf32, #tpu.memory_space<vmem>> -> memref<40x128xf32, #tpu.memory_space<vmem>>
      %dma_wait3A_122 = arith.constant 0 : i32
      %dma_wait3A_123 = tpu.memref_slice %arg5[%arg0, %add3A_60, %dma_wait3A_122] : memref<2x10240x128xf32, #tpu.memory_space<hbm>> -> memref<1x40x128xf32, #tpu.memory_space<hbm>>
      %dma_wait3A_124 = tpu.memref_squeeze %dma_wait3A_123 : memref<1x40x128xf32, #tpu.memory_space<hbm>> -> memref<40x128xf32, #tpu.memory_space<hbm>>
      %dma_wait3A_125 = arith.constant 0 : i32
      %dma_wait3A_126 = tpu.memref_slice %arg5[%arg0, %add3A_60, %dma_wait3A_125] : memref<2x10240x128xf32, #tpu.memory_space<hbm>> -> memref<1x40x128xf32, #tpu.memory_space<hbm>>
      %dma_wait3A_127 = tpu.memref_squeeze %dma_wait3A_126 : memref<1x40x128xf32, #tpu.memory_space<hbm>> -> memref<40x128xf32, #tpu.memory_space<hbm>>
      %dma_wait3A_128 = arith.constant 0 : i32
      %dma_wait3A_129 = arith.constant 0 : i32
      %dma_wait3A_130 = tpu.memref_slice %arg8[%dma_wait3A_128, %dma_wait3A_129] : memref<64x128xf32, #tpu.memory_space<vmem>> -> memref<40x128xf32, #tpu.memory_space<vmem>>
      tpu.wait_dma2 semaphore(%run_scoped3A : memref<!tpu.dma_semaphore, #tpu.memory_space<semaphore_mem>>) src(%dma_wait3A_130 : memref<40x128xf32, #tpu.memory_space<vmem>>) dst(%dma_wait3A_127 : memref<40x128xf32, #tpu.memory_space<hbm>>)
      tpu.yield
    }) : () -> ()
    %add3A_61 = arith.constant 160 : i32
    %add3A_62 = arith.addi %mul3A_6, %add3A_61 : i32
    "tpu.region"() ({
      %run_scoped3A = tpu.sem_alloc : memref<!tpu.dma_semaphore, #tpu.memory_space<semaphore_mem>>
      %dma_start3A = arith.constant 0 : i32
      %dma_start3A_109 = arith.constant 0 : i32
      %dma_start3A_110 = tpu.memref_slice %arg8[%dma_start3A, %dma_start3A_109] : memref<64x128xf32, #tpu.memory_space<vmem>> -> memref<40x128xf32, #tpu.memory_space<vmem>>
      %dma_start3A_111 = arith.constant 0 : i32
      %dma_start3A_112 = tpu.memref_slice %arg12[%add3A_62, %dma_start3A_111] : memref<10240x128xf32, #tpu.memory_space<vmem_shared>> -> memref<40x128xf32, #tpu.memory_space<vmem_shared>>
      %dma_start3A_113 = arith.constant 0 : i32
      %dma_start3A_114 = arith.constant 0 : i32
      %dma_start3A_115 = tpu.memref_slice %arg8[%dma_start3A_113, %dma_start3A_114] : memref<64x128xf32, #tpu.memory_space<vmem>> -> memref<40x128xf32, #tpu.memory_space<vmem>>
      %dma_start3A_116 = arith.constant 0 : i32
      %dma_start3A_117 = tpu.memref_slice %arg12[%add3A_62, %dma_start3A_116] : memref<10240x128xf32, #tpu.memory_space<vmem_shared>> -> memref<40x128xf32, #tpu.memory_space<vmem_shared>>
      tpu.enqueue_dma source(%dma_start3A_117 : memref<40x128xf32, #tpu.memory_space<vmem_shared>>) target(%dma_start3A_115 : memref<40x128xf32, #tpu.memory_space<vmem>>) target_semaphore(%run_scoped3A : memref<!tpu.dma_semaphore, #tpu.memory_space<semaphore_mem>>)
      %dma_wait3A = arith.constant 0 : i32
      %dma_wait3A_118 = arith.constant 0 : i32
      %dma_wait3A_119 = tpu.memref_slice %arg8[%dma_wait3A, %dma_wait3A_118] : memref<64x128xf32, #tpu.memory_space<vmem>> -> memref<40x128xf32, #tpu.memory_space<vmem>>
      %dma_wait3A_120 = arith.constant 0 : i32
      %dma_wait3A_121 = tpu.memref_slice %arg12[%add3A_62, %dma_wait3A_120] : memref<10240x128xf32, #tpu.memory_space<vmem_shared>> -> memref<40x128xf32, #tpu.memory_space<vmem_shared>>
      %dma_wait3A_122 = arith.constant 0 : i32
      %dma_wait3A_123 = arith.constant 0 : i32
      %dma_wait3A_124 = tpu.memref_slice %arg8[%dma_wait3A_122, %dma_wait3A_123] : memref<64x128xf32, #tpu.memory_space<vmem>> -> memref<40x128xf32, #tpu.memory_space<vmem>>
      %dma_wait3A_125 = arith.constant 0 : i32
      %dma_wait3A_126 = tpu.memref_slice %arg12[%add3A_62, %dma_wait3A_125] : memref<10240x128xf32, #tpu.memory_space<vmem_shared>> -> memref<40x128xf32, #tpu.memory_space<vmem_shared>>
      tpu.wait_dma2 semaphore(%run_scoped3A : memref<!tpu.dma_semaphore, #tpu.memory_space<semaphore_mem>>) src(%dma_wait3A_126 : memref<40x128xf32, #tpu.memory_space<vmem_shared>>) dst(%dma_wait3A_124 : memref<40x128xf32, #tpu.memory_space<vmem>>)
      tpu.yield
    }) : () -> ()
    %add3A_63 = arith.constant 160 : i32
    %add3A_64 = arith.addi %mul3A_6, %add3A_63 : i32
    "tpu.region"() ({
      %run_scoped3A = tpu.sem_alloc : memref<!tpu.dma_semaphore, #tpu.memory_space<semaphore_mem>>
      %dma_start3A = arith.constant 0 : i32
      %dma_start3A_109 = arith.constant 0 : i32
      %dma_start3A_110 = tpu.memref_slice %arg8[%dma_start3A, %dma_start3A_109] : memref<64x128xf32, #tpu.memory_space<vmem>> -> memref<40x128xf32, #tpu.memory_space<vmem>>
      %dma_start3A_111 = arith.constant 0 : i32
      %dma_start3A_112 = tpu.memref_slice %arg5[%arg0, %add3A_64, %dma_start3A_111] : memref<2x10240x128xf32, #tpu.memory_space<hbm>> -> memref<1x40x128xf32, #tpu.memory_space<hbm>>
      %dma_start3A_113 = tpu.memref_squeeze %dma_start3A_112 : memref<1x40x128xf32, #tpu.memory_space<hbm>> -> memref<40x128xf32, #tpu.memory_space<hbm>>
      %dma_start3A_114 = arith.constant 0 : i32
      %dma_start3A_115 = tpu.memref_slice %arg5[%arg0, %add3A_64, %dma_start3A_114] : memref<2x10240x128xf32, #tpu.memory_space<hbm>> -> memref<1x40x128xf32, #tpu.memory_space<hbm>>
      %dma_start3A_116 = tpu.memref_squeeze %dma_start3A_115 : memref<1x40x128xf32, #tpu.memory_space<hbm>> -> memref<40x128xf32, #tpu.memory_space<hbm>>
      %dma_start3A_117 = arith.constant 0 : i32
      %dma_start3A_118 = arith.constant 0 : i32
      %dma_start3A_119 = tpu.memref_slice %arg8[%dma_start3A_117, %dma_start3A_118] : memref<64x128xf32, #tpu.memory_space<vmem>> -> memref<40x128xf32, #tpu.memory_space<vmem>>
      tpu.enqueue_dma source(%dma_start3A_119 : memref<40x128xf32, #tpu.memory_space<vmem>>) target(%dma_start3A_116 : memref<40x128xf32, #tpu.memory_space<hbm>>) target_semaphore(%run_scoped3A : memref<!tpu.dma_semaphore, #tpu.memory_space<semaphore_mem>>)
      %dma_wait3A = arith.constant 0 : i32
      %dma_wait3A_120 = arith.constant 0 : i32
      %dma_wait3A_121 = tpu.memref_slice %arg8[%dma_wait3A, %dma_wait3A_120] : memref<64x128xf32, #tpu.memory_space<vmem>> -> memref<40x128xf32, #tpu.memory_space<vmem>>
      %dma_wait3A_122 = arith.constant 0 : i32
      %dma_wait3A_123 = tpu.memref_slice %arg5[%arg0, %add3A_64, %dma_wait3A_122] : memref<2x10240x128xf32, #tpu.memory_space<hbm>> -> memref<1x40x128xf32, #tpu.memory_space<hbm>>
      %dma_wait3A_124 = tpu.memref_squeeze %dma_wait3A_123 : memref<1x40x128xf32, #tpu.memory_space<hbm>> -> memref<40x128xf32, #tpu.memory_space<hbm>>
      %dma_wait3A_125 = arith.constant 0 : i32
      %dma_wait3A_126 = tpu.memref_slice %arg5[%arg0, %add3A_64, %dma_wait3A_125] : memref<2x10240x128xf32, #tpu.memory_space<hbm>> -> memref<1x40x128xf32, #tpu.memory_space<hbm>>
      %dma_wait3A_127 = tpu.memref_squeeze %dma_wait3A_126 : memref<1x40x128xf32, #tpu.memory_space<hbm>> -> memref<40x128xf32, #tpu.memory_space<hbm>>
      %dma_wait3A_128 = arith.constant 0 : i32
      %dma_wait3A_129 = arith.constant 0 : i32
      %dma_wait3A_130 = tpu.memref_slice %arg8[%dma_wait3A_128, %dma_wait3A_129] : memref<64x128xf32, #tpu.memory_space<vmem>> -> memref<40x128xf32, #tpu.memory_space<vmem>>
      tpu.wait_dma2 semaphore(%run_scoped3A : memref<!tpu.dma_semaphore, #tpu.memory_space<semaphore_mem>>) src(%dma_wait3A_130 : memref<40x128xf32, #tpu.memory_space<vmem>>) dst(%dma_wait3A_127 : memref<40x128xf32, #tpu.memory_space<hbm>>)
      tpu.yield
    }) : () -> ()
    %add3A_65 = arith.constant 200 : i32
    %add3A_66 = arith.addi %mul3A_6, %add3A_65 : i32
    "tpu.region"() ({
      %run_scoped3A = tpu.sem_alloc : memref<!tpu.dma_semaphore, #tpu.memory_space<semaphore_mem>>
      %dma_start3A = arith.constant 0 : i32
      %dma_start3A_109 = arith.constant 0 : i32
      %dma_start3A_110 = tpu.memref_slice %arg8[%dma_start3A, %dma_start3A_109] : memref<64x128xf32, #tpu.memory_space<vmem>> -> memref<40x128xf32, #tpu.memory_space<vmem>>
      %dma_start3A_111 = arith.constant 0 : i32
      %dma_start3A_112 = tpu.memref_slice %arg12[%add3A_66, %dma_start3A_111] : memref<10240x128xf32, #tpu.memory_space<vmem_shared>> -> memref<40x128xf32, #tpu.memory_space<vmem_shared>>
      %dma_start3A_113 = arith.constant 0 : i32
      %dma_start3A_114 = arith.constant 0 : i32
      %dma_start3A_115 = tpu.memref_slice %arg8[%dma_start3A_113, %dma_start3A_114] : memref<64x128xf32, #tpu.memory_space<vmem>> -> memref<40x128xf32, #tpu.memory_space<vmem>>
      %dma_start3A_116 = arith.constant 0 : i32
      %dma_start3A_117 = tpu.memref_slice %arg12[%add3A_66, %dma_start3A_116] : memref<10240x128xf32, #tpu.memory_space<vmem_shared>> -> memref<40x128xf32, #tpu.memory_space<vmem_shared>>
      tpu.enqueue_dma source(%dma_start3A_117 : memref<40x128xf32, #tpu.memory_space<vmem_shared>>) target(%dma_start3A_115 : memref<40x128xf32, #tpu.memory_space<vmem>>) target_semaphore(%run_scoped3A : memref<!tpu.dma_semaphore, #tpu.memory_space<semaphore_mem>>)
      %dma_wait3A = arith.constant 0 : i32
      %dma_wait3A_118 = arith.constant 0 : i32
      %dma_wait3A_119 = tpu.memref_slice %arg8[%dma_wait3A, %dma_wait3A_118] : memref<64x128xf32, #tpu.memory_space<vmem>> -> memref<40x128xf32, #tpu.memory_space<vmem>>
      %dma_wait3A_120 = arith.constant 0 : i32
      %dma_wait3A_121 = tpu.memref_slice %arg12[%add3A_66, %dma_wait3A_120] : memref<10240x128xf32, #tpu.memory_space<vmem_shared>> -> memref<40x128xf32, #tpu.memory_space<vmem_shared>>
      %dma_wait3A_122 = arith.constant 0 : i32
      %dma_wait3A_123 = arith.constant 0 : i32
      %dma_wait3A_124 = tpu.memref_slice %arg8[%dma_wait3A_122, %dma_wait3A_123] : memref<64x128xf32, #tpu.memory_space<vmem>> -> memref<40x128xf32, #tpu.memory_space<vmem>>
      %dma_wait3A_125 = arith.constant 0 : i32
      %dma_wait3A_126 = tpu.memref_slice %arg12[%add3A_66, %dma_wait3A_125] : memref<10240x128xf32, #tpu.memory_space<vmem_shared>> -> memref<40x128xf32, #tpu.memory_space<vmem_shared>>
      tpu.wait_dma2 semaphore(%run_scoped3A : memref<!tpu.dma_semaphore, #tpu.memory_space<semaphore_mem>>) src(%dma_wait3A_126 : memref<40x128xf32, #tpu.memory_space<vmem_shared>>) dst(%dma_wait3A_124 : memref<40x128xf32, #tpu.memory_space<vmem>>)
      tpu.yield
    }) : () -> ()
    %add3A_67 = arith.constant 200 : i32
    %add3A_68 = arith.addi %mul3A_6, %add3A_67 : i32
    "tpu.region"() ({
      %run_scoped3A = tpu.sem_alloc : memref<!tpu.dma_semaphore, #tpu.memory_space<semaphore_mem>>
      %dma_start3A = arith.constant 0 : i32
      %dma_start3A_109 = arith.constant 0 : i32
      %dma_start3A_110 = tpu.memref_slice %arg8[%dma_start3A, %dma_start3A_109] : memref<64x128xf32, #tpu.memory_space<vmem>> -> memref<40x128xf32, #tpu.memory_space<vmem>>
      %dma_start3A_111 = arith.constant 0 : i32
      %dma_start3A_112 = tpu.memref_slice %arg5[%arg0, %add3A_68, %dma_start3A_111] : memref<2x10240x128xf32, #tpu.memory_space<hbm>> -> memref<1x40x128xf32, #tpu.memory_space<hbm>>
      %dma_start3A_113 = tpu.memref_squeeze %dma_start3A_112 : memref<1x40x128xf32, #tpu.memory_space<hbm>> -> memref<40x128xf32, #tpu.memory_space<hbm>>
      %dma_start3A_114 = arith.constant 0 : i32
      %dma_start3A_115 = tpu.memref_slice %arg5[%arg0, %add3A_68, %dma_start3A_114] : memref<2x10240x128xf32, #tpu.memory_space<hbm>> -> memref<1x40x128xf32, #tpu.memory_space<hbm>>
      %dma_start3A_116 = tpu.memref_squeeze %dma_start3A_115 : memref<1x40x128xf32, #tpu.memory_space<hbm>> -> memref<40x128xf32, #tpu.memory_space<hbm>>
      %dma_start3A_117 = arith.constant 0 : i32
      %dma_start3A_118 = arith.constant 0 : i32
      %dma_start3A_119 = tpu.memref_slice %arg8[%dma_start3A_117, %dma_start3A_118] : memref<64x128xf32, #tpu.memory_space<vmem>> -> memref<40x128xf32, #tpu.memory_space<vmem>>
      tpu.enqueue_dma source(%dma_start3A_119 : memref<40x128xf32, #tpu.memory_space<vmem>>) target(%dma_start3A_116 : memref<40x128xf32, #tpu.memory_space<hbm>>) target_semaphore(%run_scoped3A : memref<!tpu.dma_semaphore, #tpu.memory_space<semaphore_mem>>)
      %dma_wait3A = arith.constant 0 : i32
      %dma_wait3A_120 = arith.constant 0 : i32
      %dma_wait3A_121 = tpu.memref_slice %arg8[%dma_wait3A, %dma_wait3A_120] : memref<64x128xf32, #tpu.memory_space<vmem>> -> memref<40x128xf32, #tpu.memory_space<vmem>>
      %dma_wait3A_122 = arith.constant 0 : i32
      %dma_wait3A_123 = tpu.memref_slice %arg5[%arg0, %add3A_68, %dma_wait3A_122] : memref<2x10240x128xf32, #tpu.memory_space<hbm>> -> memref<1x40x128xf32, #tpu.memory_space<hbm>>
      %dma_wait3A_124 = tpu.memref_squeeze %dma_wait3A_123 : memref<1x40x128xf32, #tpu.memory_space<hbm>> -> memref<40x128xf32, #tpu.memory_space<hbm>>
      %dma_wait3A_125 = arith.constant 0 : i32
      %dma_wait3A_126 = tpu.memref_slice %arg5[%arg0, %add3A_68, %dma_wait3A_125] : memref<2x10240x128xf32, #tpu.memory_space<hbm>> -> memref<1x40x128xf32, #tpu.memory_space<hbm>>
      %dma_wait3A_127 = tpu.memref_squeeze %dma_wait3A_126 : memref<1x40x128xf32, #tpu.memory_space<hbm>> -> memref<40x128xf32, #tpu.memory_space<hbm>>
      %dma_wait3A_128 = arith.constant 0 : i32
      %dma_wait3A_129 = arith.constant 0 : i32
      %dma_wait3A_130 = tpu.memref_slice %arg8[%dma_wait3A_128, %dma_wait3A_129] : memref<64x128xf32, #tpu.memory_space<vmem>> -> memref<40x128xf32, #tpu.memory_space<vmem>>
      tpu.wait_dma2 semaphore(%run_scoped3A : memref<!tpu.dma_semaphore, #tpu.memory_space<semaphore_mem>>) src(%dma_wait3A_130 : memref<40x128xf32, #tpu.memory_space<vmem>>) dst(%dma_wait3A_127 : memref<40x128xf32, #tpu.memory_space<hbm>>)
      tpu.yield
    }) : () -> ()
    %add3A_69 = arith.constant 240 : i32
    %add3A_70 = arith.addi %mul3A_6, %add3A_69 : i32
    "tpu.region"() ({
      %run_scoped3A = tpu.sem_alloc : memref<!tpu.dma_semaphore, #tpu.memory_space<semaphore_mem>>
      %dma_start3A = arith.constant 0 : i32
      %dma_start3A_109 = arith.constant 0 : i32
      %dma_start3A_110 = tpu.memref_slice %arg8[%dma_start3A, %dma_start3A_109] : memref<64x128xf32, #tpu.memory_space<vmem>> -> memref<40x128xf32, #tpu.memory_space<vmem>>
      %dma_start3A_111 = arith.constant 0 : i32
      %dma_start3A_112 = tpu.memref_slice %arg12[%add3A_70, %dma_start3A_111] : memref<10240x128xf32, #tpu.memory_space<vmem_shared>> -> memref<40x128xf32, #tpu.memory_space<vmem_shared>>
      %dma_start3A_113 = arith.constant 0 : i32
      %dma_start3A_114 = arith.constant 0 : i32
      %dma_start3A_115 = tpu.memref_slice %arg8[%dma_start3A_113, %dma_start3A_114] : memref<64x128xf32, #tpu.memory_space<vmem>> -> memref<40x128xf32, #tpu.memory_space<vmem>>
      %dma_start3A_116 = arith.constant 0 : i32
      %dma_start3A_117 = tpu.memref_slice %arg12[%add3A_70, %dma_start3A_116] : memref<10240x128xf32, #tpu.memory_space<vmem_shared>> -> memref<40x128xf32, #tpu.memory_space<vmem_shared>>
      tpu.enqueue_dma source(%dma_start3A_117 : memref<40x128xf32, #tpu.memory_space<vmem_shared>>) target(%dma_start3A_115 : memref<40x128xf32, #tpu.memory_space<vmem>>) target_semaphore(%run_scoped3A : memref<!tpu.dma_semaphore, #tpu.memory_space<semaphore_mem>>)
      %dma_wait3A = arith.constant 0 : i32
      %dma_wait3A_118 = arith.constant 0 : i32
      %dma_wait3A_119 = tpu.memref_slice %arg8[%dma_wait3A, %dma_wait3A_118] : memref<64x128xf32, #tpu.memory_space<vmem>> -> memref<40x128xf32, #tpu.memory_space<vmem>>
      %dma_wait3A_120 = arith.constant 0 : i32
      %dma_wait3A_121 = tpu.memref_slice %arg12[%add3A_70, %dma_wait3A_120] : memref<10240x128xf32, #tpu.memory_space<vmem_shared>> -> memref<40x128xf32, #tpu.memory_space<vmem_shared>>
      %dma_wait3A_122 = arith.constant 0 : i32
      %dma_wait3A_123 = arith.constant 0 : i32
      %dma_wait3A_124 = tpu.memref_slice %arg8[%dma_wait3A_122, %dma_wait3A_123] : memref<64x128xf32, #tpu.memory_space<vmem>> -> memref<40x128xf32, #tpu.memory_space<vmem>>
      %dma_wait3A_125 = arith.constant 0 : i32
      %dma_wait3A_126 = tpu.memref_slice %arg12[%add3A_70, %dma_wait3A_125] : memref<10240x128xf32, #tpu.memory_space<vmem_shared>> -> memref<40x128xf32, #tpu.memory_space<vmem_shared>>
      tpu.wait_dma2 semaphore(%run_scoped3A : memref<!tpu.dma_semaphore, #tpu.memory_space<semaphore_mem>>) src(%dma_wait3A_126 : memref<40x128xf32, #tpu.memory_space<vmem_shared>>) dst(%dma_wait3A_124 : memref<40x128xf32, #tpu.memory_space<vmem>>)
      tpu.yield
    }) : () -> ()
    %add3A_71 = arith.constant 240 : i32
    %add3A_72 = arith.addi %mul3A_6, %add3A_71 : i32
    "tpu.region"() ({
      %run_scoped3A = tpu.sem_alloc : memref<!tpu.dma_semaphore, #tpu.memory_space<semaphore_mem>>
      %dma_start3A = arith.constant 0 : i32
      %dma_start3A_109 = arith.constant 0 : i32
      %dma_start3A_110 = tpu.memref_slice %arg8[%dma_start3A, %dma_start3A_109] : memref<64x128xf32, #tpu.memory_space<vmem>> -> memref<40x128xf32, #tpu.memory_space<vmem>>
      %dma_start3A_111 = arith.constant 0 : i32
      %dma_start3A_112 = tpu.memref_slice %arg5[%arg0, %add3A_72, %dma_start3A_111] : memref<2x10240x128xf32, #tpu.memory_space<hbm>> -> memref<1x40x128xf32, #tpu.memory_space<hbm>>
      %dma_start3A_113 = tpu.memref_squeeze %dma_start3A_112 : memref<1x40x128xf32, #tpu.memory_space<hbm>> -> memref<40x128xf32, #tpu.memory_space<hbm>>
      %dma_start3A_114 = arith.constant 0 : i32
      %dma_start3A_115 = tpu.memref_slice %arg5[%arg0, %add3A_72, %dma_start3A_114] : memref<2x10240x128xf32, #tpu.memory_space<hbm>> -> memref<1x40x128xf32, #tpu.memory_space<hbm>>
      %dma_start3A_116 = tpu.memref_squeeze %dma_start3A_115 : memref<1x40x128xf32, #tpu.memory_space<hbm>> -> memref<40x128xf32, #tpu.memory_space<hbm>>
      %dma_start3A_117 = arith.constant 0 : i32
      %dma_start3A_118 = arith.constant 0 : i32
      %dma_start3A_119 = tpu.memref_slice %arg8[%dma_start3A_117, %dma_start3A_118] : memref<64x128xf32, #tpu.memory_space<vmem>> -> memref<40x128xf32, #tpu.memory_space<vmem>>
      tpu.enqueue_dma source(%dma_start3A_119 : memref<40x128xf32, #tpu.memory_space<vmem>>) target(%dma_start3A_116 : memref<40x128xf32, #tpu.memory_space<hbm>>) target_semaphore(%run_scoped3A : memref<!tpu.dma_semaphore, #tpu.memory_space<semaphore_mem>>)
      %dma_wait3A = arith.constant 0 : i32
      %dma_wait3A_120 = arith.constant 0 : i32
      %dma_wait3A_121 = tpu.memref_slice %arg8[%dma_wait3A, %dma_wait3A_120] : memref<64x128xf32, #tpu.memory_space<vmem>> -> memref<40x128xf32, #tpu.memory_space<vmem>>
      %dma_wait3A_122 = arith.constant 0 : i32
      %dma_wait3A_123 = tpu.memref_slice %arg5[%arg0, %add3A_72, %dma_wait3A_122] : memref<2x10240x128xf32, #tpu.memory_space<hbm>> -> memref<1x40x128xf32, #tpu.memory_space<hbm>>
      %dma_wait3A_124 = tpu.memref_squeeze %dma_wait3A_123 : memref<1x40x128xf32, #tpu.memory_space<hbm>> -> memref<40x128xf32, #tpu.memory_space<hbm>>
      %dma_wait3A_125 = arith.constant 0 : i32
      %dma_wait3A_126 = tpu.memref_slice %arg5[%arg0, %add3A_72, %dma_wait3A_125] : memref<2x10240x128xf32, #tpu.memory_space<hbm>> -> memref<1x40x128xf32, #tpu.memory_space<hbm>>
      %dma_wait3A_127 = tpu.memref_squeeze %dma_wait3A_126 : memref<1x40x128xf32, #tpu.memory_space<hbm>> -> memref<40x128xf32, #tpu.memory_space<hbm>>
      %dma_wait3A_128 = arith.constant 0 : i32
      %dma_wait3A_129 = arith.constant 0 : i32
      %dma_wait3A_130 = tpu.memref_slice %arg8[%dma_wait3A_128, %dma_wait3A_129] : memref<64x128xf32, #tpu.memory_space<vmem>> -> memref<40x128xf32, #tpu.memory_space<vmem>>
      tpu.wait_dma2 semaphore(%run_scoped3A : memref<!tpu.dma_semaphore, #tpu.memory_space<semaphore_mem>>) src(%dma_wait3A_130 : memref<40x128xf32, #tpu.memory_space<vmem>>) dst(%dma_wait3A_127 : memref<40x128xf32, #tpu.memory_space<hbm>>)
      tpu.yield
    }) : () -> ()
    %add3A_73 = arith.constant 280 : i32
    %add3A_74 = arith.addi %mul3A_6, %add3A_73 : i32
    "tpu.region"() ({
      %run_scoped3A = tpu.sem_alloc : memref<!tpu.dma_semaphore, #tpu.memory_space<semaphore_mem>>
      %dma_start3A = arith.constant 0 : i32
      %dma_start3A_109 = arith.constant 0 : i32
      %dma_start3A_110 = tpu.memref_slice %arg8[%dma_start3A, %dma_start3A_109] : memref<64x128xf32, #tpu.memory_space<vmem>> -> memref<40x128xf32, #tpu.memory_space<vmem>>
      %dma_start3A_111 = arith.constant 0 : i32
      %dma_start3A_112 = tpu.memref_slice %arg12[%add3A_74, %dma_start3A_111] : memref<10240x128xf32, #tpu.memory_space<vmem_shared>> -> memref<40x128xf32, #tpu.memory_space<vmem_shared>>
      %dma_start3A_113 = arith.constant 0 : i32
      %dma_start3A_114 = arith.constant 0 : i32
      %dma_start3A_115 = tpu.memref_slice %arg8[%dma_start3A_113, %dma_start3A_114] : memref<64x128xf32, #tpu.memory_space<vmem>> -> memref<40x128xf32, #tpu.memory_space<vmem>>
      %dma_start3A_116 = arith.constant 0 : i32
      %dma_start3A_117 = tpu.memref_slice %arg12[%add3A_74, %dma_start3A_116] : memref<10240x128xf32, #tpu.memory_space<vmem_shared>> -> memref<40x128xf32, #tpu.memory_space<vmem_shared>>
      tpu.enqueue_dma source(%dma_start3A_117 : memref<40x128xf32, #tpu.memory_space<vmem_shared>>) target(%dma_start3A_115 : memref<40x128xf32, #tpu.memory_space<vmem>>) target_semaphore(%run_scoped3A : memref<!tpu.dma_semaphore, #tpu.memory_space<semaphore_mem>>)
      %dma_wait3A = arith.constant 0 : i32
      %dma_wait3A_118 = arith.constant 0 : i32
      %dma_wait3A_119 = tpu.memref_slice %arg8[%dma_wait3A, %dma_wait3A_118] : memref<64x128xf32, #tpu.memory_space<vmem>> -> memref<40x128xf32, #tpu.memory_space<vmem>>
      %dma_wait3A_120 = arith.constant 0 : i32
      %dma_wait3A_121 = tpu.memref_slice %arg12[%add3A_74, %dma_wait3A_120] : memref<10240x128xf32, #tpu.memory_space<vmem_shared>> -> memref<40x128xf32, #tpu.memory_space<vmem_shared>>
      %dma_wait3A_122 = arith.constant 0 : i32
      %dma_wait3A_123 = arith.constant 0 : i32
      %dma_wait3A_124 = tpu.memref_slice %arg8[%dma_wait3A_122, %dma_wait3A_123] : memref<64x128xf32, #tpu.memory_space<vmem>> -> memref<40x128xf32, #tpu.memory_space<vmem>>
      %dma_wait3A_125 = arith.constant 0 : i32
      %dma_wait3A_126 = tpu.memref_slice %arg12[%add3A_74, %dma_wait3A_125] : memref<10240x128xf32, #tpu.memory_space<vmem_shared>> -> memref<40x128xf32, #tpu.memory_space<vmem_shared>>
      tpu.wait_dma2 semaphore(%run_scoped3A : memref<!tpu.dma_semaphore, #tpu.memory_space<semaphore_mem>>) src(%dma_wait3A_126 : memref<40x128xf32, #tpu.memory_space<vmem_shared>>) dst(%dma_wait3A_124 : memref<40x128xf32, #tpu.memory_space<vmem>>)
      tpu.yield
    }) : () -> ()
    %add3A_75 = arith.constant 280 : i32
    %add3A_76 = arith.addi %mul3A_6, %add3A_75 : i32
    "tpu.region"() ({
      %run_scoped3A = tpu.sem_alloc : memref<!tpu.dma_semaphore, #tpu.memory_space<semaphore_mem>>
      %dma_start3A = arith.constant 0 : i32
      %dma_start3A_109 = arith.constant 0 : i32
      %dma_start3A_110 = tpu.memref_slice %arg8[%dma_start3A, %dma_start3A_109] : memref<64x128xf32, #tpu.memory_space<vmem>> -> memref<40x128xf32, #tpu.memory_space<vmem>>
      %dma_start3A_111 = arith.constant 0 : i32
      %dma_start3A_112 = tpu.memref_slice %arg5[%arg0, %add3A_76, %dma_start3A_111] : memref<2x10240x128xf32, #tpu.memory_space<hbm>> -> memref<1x40x128xf32, #tpu.memory_space<hbm>>
      %dma_start3A_113 = tpu.memref_squeeze %dma_start3A_112 : memref<1x40x128xf32, #tpu.memory_space<hbm>> -> memref<40x128xf32, #tpu.memory_space<hbm>>
      %dma_start3A_114 = arith.constant 0 : i32
      %dma_start3A_115 = tpu.memref_slice %arg5[%arg0, %add3A_76, %dma_start3A_114] : memref<2x10240x128xf32, #tpu.memory_space<hbm>> -> memref<1x40x128xf32, #tpu.memory_space<hbm>>
      %dma_start3A_116 = tpu.memref_squeeze %dma_start3A_115 : memref<1x40x128xf32, #tpu.memory_space<hbm>> -> memref<40x128xf32, #tpu.memory_space<hbm>>
      %dma_start3A_117 = arith.constant 0 : i32
      %dma_start3A_118 = arith.constant 0 : i32
      %dma_start3A_119 = tpu.memref_slice %arg8[%dma_start3A_117, %dma_start3A_118] : memref<64x128xf32, #tpu.memory_space<vmem>> -> memref<40x128xf32, #tpu.memory_space<vmem>>
      tpu.enqueue_dma source(%dma_start3A_119 : memref<40x128xf32, #tpu.memory_space<vmem>>) target(%dma_start3A_116 : memref<40x128xf32, #tpu.memory_space<hbm>>) target_semaphore(%run_scoped3A : memref<!tpu.dma_semaphore, #tpu.memory_space<semaphore_mem>>)
      %dma_wait3A = arith.constant 0 : i32
      %dma_wait3A_120 = arith.constant 0 : i32
      %dma_wait3A_121 = tpu.memref_slice %arg8[%dma_wait3A, %dma_wait3A_120] : memref<64x128xf32, #tpu.memory_space<vmem>> -> memref<40x128xf32, #tpu.memory_space<vmem>>
      %dma_wait3A_122 = arith.constant 0 : i32
      %dma_wait3A_123 = tpu.memref_slice %arg5[%arg0, %add3A_76, %dma_wait3A_122] : memref<2x10240x128xf32, #tpu.memory_space<hbm>> -> memref<1x40x128xf32, #tpu.memory_space<hbm>>
      %dma_wait3A_124 = tpu.memref_squeeze %dma_wait3A_123 : memref<1x40x128xf32, #tpu.memory_space<hbm>> -> memref<40x128xf32, #tpu.memory_space<hbm>>
      %dma_wait3A_125 = arith.constant 0 : i32
      %dma_wait3A_126 = tpu.memref_slice %arg5[%arg0, %add3A_76, %dma_wait3A_125] : memref<2x10240x128xf32, #tpu.memory_space<hbm>> -> memref<1x40x128xf32, #tpu.memory_space<hbm>>
      %dma_wait3A_127 = tpu.memref_squeeze %dma_wait3A_126 : memref<1x40x128xf32, #tpu.memory_space<hbm>> -> memref<40x128xf32, #tpu.memory_space<hbm>>
      %dma_wait3A_128 = arith.constant 0 : i32
      %dma_wait3A_129 = arith.constant 0 : i32
      %dma_wait3A_130 = tpu.memref_slice %arg8[%dma_wait3A_128, %dma_wait3A_129] : memref<64x128xf32, #tpu.memory_space<vmem>> -> memref<40x128xf32, #tpu.memory_space<vmem>>
      tpu.wait_dma2 semaphore(%run_scoped3A : memref<!tpu.dma_semaphore, #tpu.memory_space<semaphore_mem>>) src(%dma_wait3A_130 : memref<40x128xf32, #tpu.memory_space<vmem>>) dst(%dma_wait3A_127 : memref<40x128xf32, #tpu.memory_space<hbm>>)
      tpu.yield
    }) : () -> ()
    %add3A_77 = arith.constant 320 : i32
    %add3A_78 = arith.addi %mul3A_6, %add3A_77 : i32
    "tpu.region"() ({
      %run_scoped3A = tpu.sem_alloc : memref<!tpu.dma_semaphore, #tpu.memory_space<semaphore_mem>>
      %dma_start3A = arith.constant 0 : i32
      %dma_start3A_109 = arith.constant 0 : i32
      %dma_start3A_110 = tpu.memref_slice %arg8[%dma_start3A, %dma_start3A_109] : memref<64x128xf32, #tpu.memory_space<vmem>> -> memref<40x128xf32, #tpu.memory_space<vmem>>
      %dma_start3A_111 = arith.constant 0 : i32
      %dma_start3A_112 = tpu.memref_slice %arg12[%add3A_78, %dma_start3A_111] : memref<10240x128xf32, #tpu.memory_space<vmem_shared>> -> memref<40x128xf32, #tpu.memory_space<vmem_shared>>
      %dma_start3A_113 = arith.constant 0 : i32
      %dma_start3A_114 = arith.constant 0 : i32
      %dma_start3A_115 = tpu.memref_slice %arg8[%dma_start3A_113, %dma_start3A_114] : memref<64x128xf32, #tpu.memory_space<vmem>> -> memref<40x128xf32, #tpu.memory_space<vmem>>
      %dma_start3A_116 = arith.constant 0 : i32
      %dma_start3A_117 = tpu.memref_slice %arg12[%add3A_78, %dma_start3A_116] : memref<10240x128xf32, #tpu.memory_space<vmem_shared>> -> memref<40x128xf32, #tpu.memory_space<vmem_shared>>
      tpu.enqueue_dma source(%dma_start3A_117 : memref<40x128xf32, #tpu.memory_space<vmem_shared>>) target(%dma_start3A_115 : memref<40x128xf32, #tpu.memory_space<vmem>>) target_semaphore(%run_scoped3A : memref<!tpu.dma_semaphore, #tpu.memory_space<semaphore_mem>>)
      %dma_wait3A = arith.constant 0 : i32
      %dma_wait3A_118 = arith.constant 0 : i32
      %dma_wait3A_119 = tpu.memref_slice %arg8[%dma_wait3A, %dma_wait3A_118] : memref<64x128xf32, #tpu.memory_space<vmem>> -> memref<40x128xf32, #tpu.memory_space<vmem>>
      %dma_wait3A_120 = arith.constant 0 : i32
      %dma_wait3A_121 = tpu.memref_slice %arg12[%add3A_78, %dma_wait3A_120] : memref<10240x128xf32, #tpu.memory_space<vmem_shared>> -> memref<40x128xf32, #tpu.memory_space<vmem_shared>>
      %dma_wait3A_122 = arith.constant 0 : i32
      %dma_wait3A_123 = arith.constant 0 : i32
      %dma_wait3A_124 = tpu.memref_slice %arg8[%dma_wait3A_122, %dma_wait3A_123] : memref<64x128xf32, #tpu.memory_space<vmem>> -> memref<40x128xf32, #tpu.memory_space<vmem>>
      %dma_wait3A_125 = arith.constant 0 : i32
      %dma_wait3A_126 = tpu.memref_slice %arg12[%add3A_78, %dma_wait3A_125] : memref<10240x128xf32, #tpu.memory_space<vmem_shared>> -> memref<40x128xf32, #tpu.memory_space<vmem_shared>>
      tpu.wait_dma2 semaphore(%run_scoped3A : memref<!tpu.dma_semaphore, #tpu.memory_space<semaphore_mem>>) src(%dma_wait3A_126 : memref<40x128xf32, #tpu.memory_space<vmem_shared>>) dst(%dma_wait3A_124 : memref<40x128xf32, #tpu.memory_space<vmem>>)
      tpu.yield
    }) : () -> ()
    %add3A_79 = arith.constant 320 : i32
    %add3A_80 = arith.addi %mul3A_6, %add3A_79 : i32
    "tpu.region"() ({
      %run_scoped3A = tpu.sem_alloc : memref<!tpu.dma_semaphore, #tpu.memory_space<semaphore_mem>>
      %dma_start3A = arith.constant 0 : i32
      %dma_start3A_109 = arith.constant 0 : i32
      %dma_start3A_110 = tpu.memref_slice %arg8[%dma_start3A, %dma_start3A_109] : memref<64x128xf32, #tpu.memory_space<vmem>> -> memref<40x128xf32, #tpu.memory_space<vmem>>
      %dma_start3A_111 = arith.constant 0 : i32
      %dma_start3A_112 = tpu.memref_slice %arg5[%arg0, %add3A_80, %dma_start3A_111] : memref<2x10240x128xf32, #tpu.memory_space<hbm>> -> memref<1x40x128xf32, #tpu.memory_space<hbm>>
      %dma_start3A_113 = tpu.memref_squeeze %dma_start3A_112 : memref<1x40x128xf32, #tpu.memory_space<hbm>> -> memref<40x128xf32, #tpu.memory_space<hbm>>
      %dma_start3A_114 = arith.constant 0 : i32
      %dma_start3A_115 = tpu.memref_slice %arg5[%arg0, %add3A_80, %dma_start3A_114] : memref<2x10240x128xf32, #tpu.memory_space<hbm>> -> memref<1x40x128xf32, #tpu.memory_space<hbm>>
      %dma_start3A_116 = tpu.memref_squeeze %dma_start3A_115 : memref<1x40x128xf32, #tpu.memory_space<hbm>> -> memref<40x128xf32, #tpu.memory_space<hbm>>
      %dma_start3A_117 = arith.constant 0 : i32
      %dma_start3A_118 = arith.constant 0 : i32
      %dma_start3A_119 = tpu.memref_slice %arg8[%dma_start3A_117, %dma_start3A_118] : memref<64x128xf32, #tpu.memory_space<vmem>> -> memref<40x128xf32, #tpu.memory_space<vmem>>
      tpu.enqueue_dma source(%dma_start3A_119 : memref<40x128xf32, #tpu.memory_space<vmem>>) target(%dma_start3A_116 : memref<40x128xf32, #tpu.memory_space<hbm>>) target_semaphore(%run_scoped3A : memref<!tpu.dma_semaphore, #tpu.memory_space<semaphore_mem>>)
      %dma_wait3A = arith.constant 0 : i32
      %dma_wait3A_120 = arith.constant 0 : i32
      %dma_wait3A_121 = tpu.memref_slice %arg8[%dma_wait3A, %dma_wait3A_120] : memref<64x128xf32, #tpu.memory_space<vmem>> -> memref<40x128xf32, #tpu.memory_space<vmem>>
      %dma_wait3A_122 = arith.constant 0 : i32
      %dma_wait3A_123 = tpu.memref_slice %arg5[%arg0, %add3A_80, %dma_wait3A_122] : memref<2x10240x128xf32, #tpu.memory_space<hbm>> -> memref<1x40x128xf32, #tpu.memory_space<hbm>>
      %dma_wait3A_124 = tpu.memref_squeeze %dma_wait3A_123 : memref<1x40x128xf32, #tpu.memory_space<hbm>> -> memref<40x128xf32, #tpu.memory_space<hbm>>
      %dma_wait3A_125 = arith.constant 0 : i32
      %dma_wait3A_126 = tpu.memref_slice %arg5[%arg0, %add3A_80, %dma_wait3A_125] : memref<2x10240x128xf32, #tpu.memory_space<hbm>> -> memref<1x40x128xf32, #tpu.memory_space<hbm>>
      %dma_wait3A_127 = tpu.memref_squeeze %dma_wait3A_126 : memref<1x40x128xf32, #tpu.memory_space<hbm>> -> memref<40x128xf32, #tpu.memory_space<hbm>>
      %dma_wait3A_128 = arith.constant 0 : i32
      %dma_wait3A_129 = arith.constant 0 : i32
      %dma_wait3A_130 = tpu.memref_slice %arg8[%dma_wait3A_128, %dma_wait3A_129] : memref<64x128xf32, #tpu.memory_space<vmem>> -> memref<40x128xf32, #tpu.memory_space<vmem>>
      tpu.wait_dma2 semaphore(%run_scoped3A : memref<!tpu.dma_semaphore, #tpu.memory_space<semaphore_mem>>) src(%dma_wait3A_130 : memref<40x128xf32, #tpu.memory_space<vmem>>) dst(%dma_wait3A_127 : memref<40x128xf32, #tpu.memory_space<hbm>>)
      tpu.yield
    }) : () -> ()
    %add3A_81 = arith.constant 360 : i32
    %add3A_82 = arith.addi %mul3A_6, %add3A_81 : i32
    "tpu.region"() ({
      %run_scoped3A = tpu.sem_alloc : memref<!tpu.dma_semaphore, #tpu.memory_space<semaphore_mem>>
      %dma_start3A = arith.constant 0 : i32
      %dma_start3A_109 = arith.constant 0 : i32
      %dma_start3A_110 = tpu.memref_slice %arg8[%dma_start3A, %dma_start3A_109] : memref<64x128xf32, #tpu.memory_space<vmem>> -> memref<40x128xf32, #tpu.memory_space<vmem>>
      %dma_start3A_111 = arith.constant 0 : i32
      %dma_start3A_112 = tpu.memref_slice %arg12[%add3A_82, %dma_start3A_111] : memref<10240x128xf32, #tpu.memory_space<vmem_shared>> -> memref<40x128xf32, #tpu.memory_space<vmem_shared>>
      %dma_start3A_113 = arith.constant 0 : i32
      %dma_start3A_114 = arith.constant 0 : i32
      %dma_start3A_115 = tpu.memref_slice %arg8[%dma_start3A_113, %dma_start3A_114] : memref<64x128xf32, #tpu.memory_space<vmem>> -> memref<40x128xf32, #tpu.memory_space<vmem>>
      %dma_start3A_116 = arith.constant 0 : i32
      %dma_start3A_117 = tpu.memref_slice %arg12[%add3A_82, %dma_start3A_116] : memref<10240x128xf32, #tpu.memory_space<vmem_shared>> -> memref<40x128xf32, #tpu.memory_space<vmem_shared>>
      tpu.enqueue_dma source(%dma_start3A_117 : memref<40x128xf32, #tpu.memory_space<vmem_shared>>) target(%dma_start3A_115 : memref<40x128xf32, #tpu.memory_space<vmem>>) target_semaphore(%run_scoped3A : memref<!tpu.dma_semaphore, #tpu.memory_space<semaphore_mem>>)
      %dma_wait3A = arith.constant 0 : i32
      %dma_wait3A_118 = arith.constant 0 : i32
      %dma_wait3A_119 = tpu.memref_slice %arg8[%dma_wait3A, %dma_wait3A_118] : memref<64x128xf32, #tpu.memory_space<vmem>> -> memref<40x128xf32, #tpu.memory_space<vmem>>
      %dma_wait3A_120 = arith.constant 0 : i32
      %dma_wait3A_121 = tpu.memref_slice %arg12[%add3A_82, %dma_wait3A_120] : memref<10240x128xf32, #tpu.memory_space<vmem_shared>> -> memref<40x128xf32, #tpu.memory_space<vmem_shared>>
      %dma_wait3A_122 = arith.constant 0 : i32
      %dma_wait3A_123 = arith.constant 0 : i32
      %dma_wait3A_124 = tpu.memref_slice %arg8[%dma_wait3A_122, %dma_wait3A_123] : memref<64x128xf32, #tpu.memory_space<vmem>> -> memref<40x128xf32, #tpu.memory_space<vmem>>
      %dma_wait3A_125 = arith.constant 0 : i32
      %dma_wait3A_126 = tpu.memref_slice %arg12[%add3A_82, %dma_wait3A_125] : memref<10240x128xf32, #tpu.memory_space<vmem_shared>> -> memref<40x128xf32, #tpu.memory_space<vmem_shared>>
      tpu.wait_dma2 semaphore(%run_scoped3A : memref<!tpu.dma_semaphore, #tpu.memory_space<semaphore_mem>>) src(%dma_wait3A_126 : memref<40x128xf32, #tpu.memory_space<vmem_shared>>) dst(%dma_wait3A_124 : memref<40x128xf32, #tpu.memory_space<vmem>>)
      tpu.yield
    }) : () -> ()
    %add3A_83 = arith.constant 360 : i32
    %add3A_84 = arith.addi %mul3A_6, %add3A_83 : i32
    "tpu.region"() ({
      %run_scoped3A = tpu.sem_alloc : memref<!tpu.dma_semaphore, #tpu.memory_space<semaphore_mem>>
      %dma_start3A = arith.constant 0 : i32
      %dma_start3A_109 = arith.constant 0 : i32
      %dma_start3A_110 = tpu.memref_slice %arg8[%dma_start3A, %dma_start3A_109] : memref<64x128xf32, #tpu.memory_space<vmem>> -> memref<40x128xf32, #tpu.memory_space<vmem>>
      %dma_start3A_111 = arith.constant 0 : i32
      %dma_start3A_112 = tpu.memref_slice %arg5[%arg0, %add3A_84, %dma_start3A_111] : memref<2x10240x128xf32, #tpu.memory_space<hbm>> -> memref<1x40x128xf32, #tpu.memory_space<hbm>>
      %dma_start3A_113 = tpu.memref_squeeze %dma_start3A_112 : memref<1x40x128xf32, #tpu.memory_space<hbm>> -> memref<40x128xf32, #tpu.memory_space<hbm>>
      %dma_start3A_114 = arith.constant 0 : i32
      %dma_start3A_115 = tpu.memref_slice %arg5[%arg0, %add3A_84, %dma_start3A_114] : memref<2x10240x128xf32, #tpu.memory_space<hbm>> -> memref<1x40x128xf32, #tpu.memory_space<hbm>>
      %dma_start3A_116 = tpu.memref_squeeze %dma_start3A_115 : memref<1x40x128xf32, #tpu.memory_space<hbm>> -> memref<40x128xf32, #tpu.memory_space<hbm>>
      %dma_start3A_117 = arith.constant 0 : i32
      %dma_start3A_118 = arith.constant 0 : i32
      %dma_start3A_119 = tpu.memref_slice %arg8[%dma_start3A_117, %dma_start3A_118] : memref<64x128xf32, #tpu.memory_space<vmem>> -> memref<40x128xf32, #tpu.memory_space<vmem>>
      tpu.enqueue_dma source(%dma_start3A_119 : memref<40x128xf32, #tpu.memory_space<vmem>>) target(%dma_start3A_116 : memref<40x128xf32, #tpu.memory_space<hbm>>) target_semaphore(%run_scoped3A : memref<!tpu.dma_semaphore, #tpu.memory_space<semaphore_mem>>)
      %dma_wait3A = arith.constant 0 : i32
      %dma_wait3A_120 = arith.constant 0 : i32
      %dma_wait3A_121 = tpu.memref_slice %arg8[%dma_wait3A, %dma_wait3A_120] : memref<64x128xf32, #tpu.memory_space<vmem>> -> memref<40x128xf32, #tpu.memory_space<vmem>>
      %dma_wait3A_122 = arith.constant 0 : i32
      %dma_wait3A_123 = tpu.memref_slice %arg5[%arg0, %add3A_84, %dma_wait3A_122] : memref<2x10240x128xf32, #tpu.memory_space<hbm>> -> memref<1x40x128xf32, #tpu.memory_space<hbm>>
      %dma_wait3A_124 = tpu.memref_squeeze %dma_wait3A_123 : memref<1x40x128xf32, #tpu.memory_space<hbm>> -> memref<40x128xf32, #tpu.memory_space<hbm>>
      %dma_wait3A_125 = arith.constant 0 : i32
      %dma_wait3A_126 = tpu.memref_slice %arg5[%arg0, %add3A_84, %dma_wait3A_125] : memref<2x10240x128xf32, #tpu.memory_space<hbm>> -> memref<1x40x128xf32, #tpu.memory_space<hbm>>
      %dma_wait3A_127 = tpu.memref_squeeze %dma_wait3A_126 : memref<1x40x128xf32, #tpu.memory_space<hbm>> -> memref<40x128xf32, #tpu.memory_space<hbm>>
      %dma_wait3A_128 = arith.constant 0 : i32
      %dma_wait3A_129 = arith.constant 0 : i32
      %dma_wait3A_130 = tpu.memref_slice %arg8[%dma_wait3A_128, %dma_wait3A_129] : memref<64x128xf32, #tpu.memory_space<vmem>> -> memref<40x128xf32, #tpu.memory_space<vmem>>
      tpu.wait_dma2 semaphore(%run_scoped3A : memref<!tpu.dma_semaphore, #tpu.memory_space<semaphore_mem>>) src(%dma_wait3A_130 : memref<40x128xf32, #tpu.memory_space<vmem>>) dst(%dma_wait3A_127 : memref<40x128xf32, #tpu.memory_space<hbm>>)
      tpu.yield
    }) : () -> ()
    %add3A_85 = arith.constant 400 : i32
    %add3A_86 = arith.addi %mul3A_6, %add3A_85 : i32
    "tpu.region"() ({
      %run_scoped3A = tpu.sem_alloc : memref<!tpu.dma_semaphore, #tpu.memory_space<semaphore_mem>>
      %dma_start3A = arith.constant 0 : i32
      %dma_start3A_109 = arith.constant 0 : i32
      %dma_start3A_110 = tpu.memref_slice %arg8[%dma_start3A, %dma_start3A_109] : memref<64x128xf32, #tpu.memory_space<vmem>> -> memref<40x128xf32, #tpu.memory_space<vmem>>
      %dma_start3A_111 = arith.constant 0 : i32
      %dma_start3A_112 = tpu.memref_slice %arg12[%add3A_86, %dma_start3A_111] : memref<10240x128xf32, #tpu.memory_space<vmem_shared>> -> memref<40x128xf32, #tpu.memory_space<vmem_shared>>
      %dma_start3A_113 = arith.constant 0 : i32
      %dma_start3A_114 = arith.constant 0 : i32
      %dma_start3A_115 = tpu.memref_slice %arg8[%dma_start3A_113, %dma_start3A_114] : memref<64x128xf32, #tpu.memory_space<vmem>> -> memref<40x128xf32, #tpu.memory_space<vmem>>
      %dma_start3A_116 = arith.constant 0 : i32
      %dma_start3A_117 = tpu.memref_slice %arg12[%add3A_86, %dma_start3A_116] : memref<10240x128xf32, #tpu.memory_space<vmem_shared>> -> memref<40x128xf32, #tpu.memory_space<vmem_shared>>
      tpu.enqueue_dma source(%dma_start3A_117 : memref<40x128xf32, #tpu.memory_space<vmem_shared>>) target(%dma_start3A_115 : memref<40x128xf32, #tpu.memory_space<vmem>>) target_semaphore(%run_scoped3A : memref<!tpu.dma_semaphore, #tpu.memory_space<semaphore_mem>>)
      %dma_wait3A = arith.constant 0 : i32
      %dma_wait3A_118 = arith.constant 0 : i32
      %dma_wait3A_119 = tpu.memref_slice %arg8[%dma_wait3A, %dma_wait3A_118] : memref<64x128xf32, #tpu.memory_space<vmem>> -> memref<40x128xf32, #tpu.memory_space<vmem>>
      %dma_wait3A_120 = arith.constant 0 : i32
      %dma_wait3A_121 = tpu.memref_slice %arg12[%add3A_86, %dma_wait3A_120] : memref<10240x128xf32, #tpu.memory_space<vmem_shared>> -> memref<40x128xf32, #tpu.memory_space<vmem_shared>>
      %dma_wait3A_122 = arith.constant 0 : i32
      %dma_wait3A_123 = arith.constant 0 : i32
      %dma_wait3A_124 = tpu.memref_slice %arg8[%dma_wait3A_122, %dma_wait3A_123] : memref<64x128xf32, #tpu.memory_space<vmem>> -> memref<40x128xf32, #tpu.memory_space<vmem>>
      %dma_wait3A_125 = arith.constant 0 : i32
      %dma_wait3A_126 = tpu.memref_slice %arg12[%add3A_86, %dma_wait3A_125] : memref<10240x128xf32, #tpu.memory_space<vmem_shared>> -> memref<40x128xf32, #tpu.memory_space<vmem_shared>>
      tpu.wait_dma2 semaphore(%run_scoped3A : memref<!tpu.dma_semaphore, #tpu.memory_space<semaphore_mem>>) src(%dma_wait3A_126 : memref<40x128xf32, #tpu.memory_space<vmem_shared>>) dst(%dma_wait3A_124 : memref<40x128xf32, #tpu.memory_space<vmem>>)
      tpu.yield
    }) : () -> ()
    %add3A_87 = arith.constant 400 : i32
    %add3A_88 = arith.addi %mul3A_6, %add3A_87 : i32
    "tpu.region"() ({
      %run_scoped3A = tpu.sem_alloc : memref<!tpu.dma_semaphore, #tpu.memory_space<semaphore_mem>>
      %dma_start3A = arith.constant 0 : i32
      %dma_start3A_109 = arith.constant 0 : i32
      %dma_start3A_110 = tpu.memref_slice %arg8[%dma_start3A, %dma_start3A_109] : memref<64x128xf32, #tpu.memory_space<vmem>> -> memref<40x128xf32, #tpu.memory_space<vmem>>
      %dma_start3A_111 = arith.constant 0 : i32
      %dma_start3A_112 = tpu.memref_slice %arg5[%arg0, %add3A_88, %dma_start3A_111] : memref<2x10240x128xf32, #tpu.memory_space<hbm>> -> memref<1x40x128xf32, #tpu.memory_space<hbm>>
      %dma_start3A_113 = tpu.memref_squeeze %dma_start3A_112 : memref<1x40x128xf32, #tpu.memory_space<hbm>> -> memref<40x128xf32, #tpu.memory_space<hbm>>
      %dma_start3A_114 = arith.constant 0 : i32
      %dma_start3A_115 = tpu.memref_slice %arg5[%arg0, %add3A_88, %dma_start3A_114] : memref<2x10240x128xf32, #tpu.memory_space<hbm>> -> memref<1x40x128xf32, #tpu.memory_space<hbm>>
      %dma_start3A_116 = tpu.memref_squeeze %dma_start3A_115 : memref<1x40x128xf32, #tpu.memory_space<hbm>> -> memref<40x128xf32, #tpu.memory_space<hbm>>
      %dma_start3A_117 = arith.constant 0 : i32
      %dma_start3A_118 = arith.constant 0 : i32
      %dma_start3A_119 = tpu.memref_slice %arg8[%dma_start3A_117, %dma_start3A_118] : memref<64x128xf32, #tpu.memory_space<vmem>> -> memref<40x128xf32, #tpu.memory_space<vmem>>
      tpu.enqueue_dma source(%dma_start3A_119 : memref<40x128xf32, #tpu.memory_space<vmem>>) target(%dma_start3A_116 : memref<40x128xf32, #tpu.memory_space<hbm>>) target_semaphore(%run_scoped3A : memref<!tpu.dma_semaphore, #tpu.memory_space<semaphore_mem>>)
      %dma_wait3A = arith.constant 0 : i32
      %dma_wait3A_120 = arith.constant 0 : i32
      %dma_wait3A_121 = tpu.memref_slice %arg8[%dma_wait3A, %dma_wait3A_120] : memref<64x128xf32, #tpu.memory_space<vmem>> -> memref<40x128xf32, #tpu.memory_space<vmem>>
      %dma_wait3A_122 = arith.constant 0 : i32
      %dma_wait3A_123 = tpu.memref_slice %arg5[%arg0, %add3A_88, %dma_wait3A_122] : memref<2x10240x128xf32, #tpu.memory_space<hbm>> -> memref<1x40x128xf32, #tpu.memory_space<hbm>>
      %dma_wait3A_124 = tpu.memref_squeeze %dma_wait3A_123 : memref<1x40x128xf32, #tpu.memory_space<hbm>> -> memref<40x128xf32, #tpu.memory_space<hbm>>
      %dma_wait3A_125 = arith.constant 0 : i32
      %dma_wait3A_126 = tpu.memref_slice %arg5[%arg0, %add3A_88, %dma_wait3A_125] : memref<2x10240x128xf32, #tpu.memory_space<hbm>> -> memref<1x40x128xf32, #tpu.memory_space<hbm>>
      %dma_wait3A_127 = tpu.memref_squeeze %dma_wait3A_126 : memref<1x40x128xf32, #tpu.memory_space<hbm>> -> memref<40x128xf32, #tpu.memory_space<hbm>>
      %dma_wait3A_128 = arith.constant 0 : i32
      %dma_wait3A_129 = arith.constant 0 : i32
      %dma_wait3A_130 = tpu.memref_slice %arg8[%dma_wait3A_128, %dma_wait3A_129] : memref<64x128xf32, #tpu.memory_space<vmem>> -> memref<40x128xf32, #tpu.memory_space<vmem>>
      tpu.wait_dma2 semaphore(%run_scoped3A : memref<!tpu.dma_semaphore, #tpu.memory_space<semaphore_mem>>) src(%dma_wait3A_130 : memref<40x128xf32, #tpu.memory_space<vmem>>) dst(%dma_wait3A_127 : memref<40x128xf32, #tpu.memory_space<hbm>>)
      tpu.yield
    }) : () -> ()
    %add3A_89 = arith.constant 440 : i32
    %add3A_90 = arith.addi %mul3A_6, %add3A_89 : i32
    "tpu.region"() ({
      %run_scoped3A = tpu.sem_alloc : memref<!tpu.dma_semaphore, #tpu.memory_space<semaphore_mem>>
      %dma_start3A = arith.constant 0 : i32
      %dma_start3A_109 = arith.constant 0 : i32
      %dma_start3A_110 = tpu.memref_slice %arg8[%dma_start3A, %dma_start3A_109] : memref<64x128xf32, #tpu.memory_space<vmem>> -> memref<40x128xf32, #tpu.memory_space<vmem>>
      %dma_start3A_111 = arith.constant 0 : i32
      %dma_start3A_112 = tpu.memref_slice %arg12[%add3A_90, %dma_start3A_111] : memref<10240x128xf32, #tpu.memory_space<vmem_shared>> -> memref<40x128xf32, #tpu.memory_space<vmem_shared>>
      %dma_start3A_113 = arith.constant 0 : i32
      %dma_start3A_114 = arith.constant 0 : i32
      %dma_start3A_115 = tpu.memref_slice %arg8[%dma_start3A_113, %dma_start3A_114] : memref<64x128xf32, #tpu.memory_space<vmem>> -> memref<40x128xf32, #tpu.memory_space<vmem>>
      %dma_start3A_116 = arith.constant 0 : i32
      %dma_start3A_117 = tpu.memref_slice %arg12[%add3A_90, %dma_start3A_116] : memref<10240x128xf32, #tpu.memory_space<vmem_shared>> -> memref<40x128xf32, #tpu.memory_space<vmem_shared>>
      tpu.enqueue_dma source(%dma_start3A_117 : memref<40x128xf32, #tpu.memory_space<vmem_shared>>) target(%dma_start3A_115 : memref<40x128xf32, #tpu.memory_space<vmem>>) target_semaphore(%run_scoped3A : memref<!tpu.dma_semaphore, #tpu.memory_space<semaphore_mem>>)
      %dma_wait3A = arith.constant 0 : i32
      %dma_wait3A_118 = arith.constant 0 : i32
      %dma_wait3A_119 = tpu.memref_slice %arg8[%dma_wait3A, %dma_wait3A_118] : memref<64x128xf32, #tpu.memory_space<vmem>> -> memref<40x128xf32, #tpu.memory_space<vmem>>
      %dma_wait3A_120 = arith.constant 0 : i32
      %dma_wait3A_121 = tpu.memref_slice %arg12[%add3A_90, %dma_wait3A_120] : memref<10240x128xf32, #tpu.memory_space<vmem_shared>> -> memref<40x128xf32, #tpu.memory_space<vmem_shared>>
      %dma_wait3A_122 = arith.constant 0 : i32
      %dma_wait3A_123 = arith.constant 0 : i32
      %dma_wait3A_124 = tpu.memref_slice %arg8[%dma_wait3A_122, %dma_wait3A_123] : memref<64x128xf32, #tpu.memory_space<vmem>> -> memref<40x128xf32, #tpu.memory_space<vmem>>
      %dma_wait3A_125 = arith.constant 0 : i32
      %dma_wait3A_126 = tpu.memref_slice %arg12[%add3A_90, %dma_wait3A_125] : memref<10240x128xf32, #tpu.memory_space<vmem_shared>> -> memref<40x128xf32, #tpu.memory_space<vmem_shared>>
      tpu.wait_dma2 semaphore(%run_scoped3A : memref<!tpu.dma_semaphore, #tpu.memory_space<semaphore_mem>>) src(%dma_wait3A_126 : memref<40x128xf32, #tpu.memory_space<vmem_shared>>) dst(%dma_wait3A_124 : memref<40x128xf32, #tpu.memory_space<vmem>>)
      tpu.yield
    }) : () -> ()
    %add3A_91 = arith.constant 440 : i32
    %add3A_92 = arith.addi %mul3A_6, %add3A_91 : i32
    "tpu.region"() ({
      %run_scoped3A = tpu.sem_alloc : memref<!tpu.dma_semaphore, #tpu.memory_space<semaphore_mem>>
      %dma_start3A = arith.constant 0 : i32
      %dma_start3A_109 = arith.constant 0 : i32
      %dma_start3A_110 = tpu.memref_slice %arg8[%dma_start3A, %dma_start3A_109] : memref<64x128xf32, #tpu.memory_space<vmem>> -> memref<40x128xf32, #tpu.memory_space<vmem>>
      %dma_start3A_111 = arith.constant 0 : i32
      %dma_start3A_112 = tpu.memref_slice %arg5[%arg0, %add3A_92, %dma_start3A_111] : memref<2x10240x128xf32, #tpu.memory_space<hbm>> -> memref<1x40x128xf32, #tpu.memory_space<hbm>>
      %dma_start3A_113 = tpu.memref_squeeze %dma_start3A_112 : memref<1x40x128xf32, #tpu.memory_space<hbm>> -> memref<40x128xf32, #tpu.memory_space<hbm>>
      %dma_start3A_114 = arith.constant 0 : i32
      %dma_start3A_115 = tpu.memref_slice %arg5[%arg0, %add3A_92, %dma_start3A_114] : memref<2x10240x128xf32, #tpu.memory_space<hbm>> -> memref<1x40x128xf32, #tpu.memory_space<hbm>>
      %dma_start3A_116 = tpu.memref_squeeze %dma_start3A_115 : memref<1x40x128xf32, #tpu.memory_space<hbm>> -> memref<40x128xf32, #tpu.memory_space<hbm>>
      %dma_start3A_117 = arith.constant 0 : i32
      %dma_start3A_118 = arith.constant 0 : i32
      %dma_start3A_119 = tpu.memref_slice %arg8[%dma_start3A_117, %dma_start3A_118] : memref<64x128xf32, #tpu.memory_space<vmem>> -> memref<40x128xf32, #tpu.memory_space<vmem>>
      tpu.enqueue_dma source(%dma_start3A_119 : memref<40x128xf32, #tpu.memory_space<vmem>>) target(%dma_start3A_116 : memref<40x128xf32, #tpu.memory_space<hbm>>) target_semaphore(%run_scoped3A : memref<!tpu.dma_semaphore, #tpu.memory_space<semaphore_mem>>)
      %dma_wait3A = arith.constant 0 : i32
      %dma_wait3A_120 = arith.constant 0 : i32
      %dma_wait3A_121 = tpu.memref_slice %arg8[%dma_wait3A, %dma_wait3A_120] : memref<64x128xf32, #tpu.memory_space<vmem>> -> memref<40x128xf32, #tpu.memory_space<vmem>>
      %dma_wait3A_122 = arith.constant 0 : i32
      %dma_wait3A_123 = tpu.memref_slice %arg5[%arg0, %add3A_92, %dma_wait3A_122] : memref<2x10240x128xf32, #tpu.memory_space<hbm>> -> memref<1x40x128xf32, #tpu.memory_space<hbm>>
      %dma_wait3A_124 = tpu.memref_squeeze %dma_wait3A_123 : memref<1x40x128xf32, #tpu.memory_space<hbm>> -> memref<40x128xf32, #tpu.memory_space<hbm>>
      %dma_wait3A_125 = arith.constant 0 : i32
      %dma_wait3A_126 = tpu.memref_slice %arg5[%arg0, %add3A_92, %dma_wait3A_125] : memref<2x10240x128xf32, #tpu.memory_space<hbm>> -> memref<1x40x128xf32, #tpu.memory_space<hbm>>
      %dma_wait3A_127 = tpu.memref_squeeze %dma_wait3A_126 : memref<1x40x128xf32, #tpu.memory_space<hbm>> -> memref<40x128xf32, #tpu.memory_space<hbm>>
      %dma_wait3A_128 = arith.constant 0 : i32
      %dma_wait3A_129 = arith.constant 0 : i32
      %dma_wait3A_130 = tpu.memref_slice %arg8[%dma_wait3A_128, %dma_wait3A_129] : memref<64x128xf32, #tpu.memory_space<vmem>> -> memref<40x128xf32, #tpu.memory_space<vmem>>
      tpu.wait_dma2 semaphore(%run_scoped3A : memref<!tpu.dma_semaphore, #tpu.memory_space<semaphore_mem>>) src(%dma_wait3A_130 : memref<40x128xf32, #tpu.memory_space<vmem>>) dst(%dma_wait3A_127 : memref<40x128xf32, #tpu.memory_space<hbm>>)
      tpu.yield
    }) : () -> ()
    %add3A_93 = arith.constant 480 : i32
    %add3A_94 = arith.addi %mul3A_6, %add3A_93 : i32
    "tpu.region"() ({
      %run_scoped3A = tpu.sem_alloc : memref<!tpu.dma_semaphore, #tpu.memory_space<semaphore_mem>>
      %dma_start3A = arith.constant 0 : i32
      %dma_start3A_109 = arith.constant 0 : i32
      %dma_start3A_110 = tpu.memref_slice %arg8[%dma_start3A, %dma_start3A_109] : memref<64x128xf32, #tpu.memory_space<vmem>> -> memref<40x128xf32, #tpu.memory_space<vmem>>
      %dma_start3A_111 = arith.constant 0 : i32
      %dma_start3A_112 = tpu.memref_slice %arg12[%add3A_94, %dma_start3A_111] : memref<10240x128xf32, #tpu.memory_space<vmem_shared>> -> memref<40x128xf32, #tpu.memory_space<vmem_shared>>
      %dma_start3A_113 = arith.constant 0 : i32
      %dma_start3A_114 = arith.constant 0 : i32
      %dma_start3A_115 = tpu.memref_slice %arg8[%dma_start3A_113, %dma_start3A_114] : memref<64x128xf32, #tpu.memory_space<vmem>> -> memref<40x128xf32, #tpu.memory_space<vmem>>
      %dma_start3A_116 = arith.constant 0 : i32
      %dma_start3A_117 = tpu.memref_slice %arg12[%add3A_94, %dma_start3A_116] : memref<10240x128xf32, #tpu.memory_space<vmem_shared>> -> memref<40x128xf32, #tpu.memory_space<vmem_shared>>
      tpu.enqueue_dma source(%dma_start3A_117 : memref<40x128xf32, #tpu.memory_space<vmem_shared>>) target(%dma_start3A_115 : memref<40x128xf32, #tpu.memory_space<vmem>>) target_semaphore(%run_scoped3A : memref<!tpu.dma_semaphore, #tpu.memory_space<semaphore_mem>>)
      %dma_wait3A = arith.constant 0 : i32
      %dma_wait3A_118 = arith.constant 0 : i32
      %dma_wait3A_119 = tpu.memref_slice %arg8[%dma_wait3A, %dma_wait3A_118] : memref<64x128xf32, #tpu.memory_space<vmem>> -> memref<40x128xf32, #tpu.memory_space<vmem>>
      %dma_wait3A_120 = arith.constant 0 : i32
      %dma_wait3A_121 = tpu.memref_slice %arg12[%add3A_94, %dma_wait3A_120] : memref<10240x128xf32, #tpu.memory_space<vmem_shared>> -> memref<40x128xf32, #tpu.memory_space<vmem_shared>>
      %dma_wait3A_122 = arith.constant 0 : i32
      %dma_wait3A_123 = arith.constant 0 : i32
      %dma_wait3A_124 = tpu.memref_slice %arg8[%dma_wait3A_122, %dma_wait3A_123] : memref<64x128xf32, #tpu.memory_space<vmem>> -> memref<40x128xf32, #tpu.memory_space<vmem>>
      %dma_wait3A_125 = arith.constant 0 : i32
      %dma_wait3A_126 = tpu.memref_slice %arg12[%add3A_94, %dma_wait3A_125] : memref<10240x128xf32, #tpu.memory_space<vmem_shared>> -> memref<40x128xf32, #tpu.memory_space<vmem_shared>>
      tpu.wait_dma2 semaphore(%run_scoped3A : memref<!tpu.dma_semaphore, #tpu.memory_space<semaphore_mem>>) src(%dma_wait3A_126 : memref<40x128xf32, #tpu.memory_space<vmem_shared>>) dst(%dma_wait3A_124 : memref<40x128xf32, #tpu.memory_space<vmem>>)
      tpu.yield
    }) : () -> ()
    %add3A_95 = arith.constant 480 : i32
    %add3A_96 = arith.addi %mul3A_6, %add3A_95 : i32
    "tpu.region"() ({
      %run_scoped3A = tpu.sem_alloc : memref<!tpu.dma_semaphore, #tpu.memory_space<semaphore_mem>>
      %dma_start3A = arith.constant 0 : i32
      %dma_start3A_109 = arith.constant 0 : i32
      %dma_start3A_110 = tpu.memref_slice %arg8[%dma_start3A, %dma_start3A_109] : memref<64x128xf32, #tpu.memory_space<vmem>> -> memref<40x128xf32, #tpu.memory_space<vmem>>
      %dma_start3A_111 = arith.constant 0 : i32
      %dma_start3A_112 = tpu.memref_slice %arg5[%arg0, %add3A_96, %dma_start3A_111] : memref<2x10240x128xf32, #tpu.memory_space<hbm>> -> memref<1x40x128xf32, #tpu.memory_space<hbm>>
      %dma_start3A_113 = tpu.memref_squeeze %dma_start3A_112 : memref<1x40x128xf32, #tpu.memory_space<hbm>> -> memref<40x128xf32, #tpu.memory_space<hbm>>
      %dma_start3A_114 = arith.constant 0 : i32
      %dma_start3A_115 = tpu.memref_slice %arg5[%arg0, %add3A_96, %dma_start3A_114] : memref<2x10240x128xf32, #tpu.memory_space<hbm>> -> memref<1x40x128xf32, #tpu.memory_space<hbm>>
      %dma_start3A_116 = tpu.memref_squeeze %dma_start3A_115 : memref<1x40x128xf32, #tpu.memory_space<hbm>> -> memref<40x128xf32, #tpu.memory_space<hbm>>
      %dma_start3A_117 = arith.constant 0 : i32
      %dma_start3A_118 = arith.constant 0 : i32
      %dma_start3A_119 = tpu.memref_slice %arg8[%dma_start3A_117, %dma_start3A_118] : memref<64x128xf32, #tpu.memory_space<vmem>> -> memref<40x128xf32, #tpu.memory_space<vmem>>
      tpu.enqueue_dma source(%dma_start3A_119 : memref<40x128xf32, #tpu.memory_space<vmem>>) target(%dma_start3A_116 : memref<40x128xf32, #tpu.memory_space<hbm>>) target_semaphore(%run_scoped3A : memref<!tpu.dma_semaphore, #tpu.memory_space<semaphore_mem>>)
      %dma_wait3A = arith.constant 0 : i32
      %dma_wait3A_120 = arith.constant 0 : i32
      %dma_wait3A_121 = tpu.memref_slice %arg8[%dma_wait3A, %dma_wait3A_120] : memref<64x128xf32, #tpu.memory_space<vmem>> -> memref<40x128xf32, #tpu.memory_space<vmem>>
      %dma_wait3A_122 = arith.constant 0 : i32
      %dma_wait3A_123 = tpu.memref_slice %arg5[%arg0, %add3A_96, %dma_wait3A_122] : memref<2x10240x128xf32, #tpu.memory_space<hbm>> -> memref<1x40x128xf32, #tpu.memory_space<hbm>>
      %dma_wait3A_124 = tpu.memref_squeeze %dma_wait3A_123 : memref<1x40x128xf32, #tpu.memory_space<hbm>> -> memref<40x128xf32, #tpu.memory_space<hbm>>
      %dma_wait3A_125 = arith.constant 0 : i32
      %dma_wait3A_126 = tpu.memref_slice %arg5[%arg0, %add3A_96, %dma_wait3A_125] : memref<2x10240x128xf32, #tpu.memory_space<hbm>> -> memref<1x40x128xf32, #tpu.memory_space<hbm>>
      %dma_wait3A_127 = tpu.memref_squeeze %dma_wait3A_126 : memref<1x40x128xf32, #tpu.memory_space<hbm>> -> memref<40x128xf32, #tpu.memory_space<hbm>>
      %dma_wait3A_128 = arith.constant 0 : i32
      %dma_wait3A_129 = arith.constant 0 : i32
      %dma_wait3A_130 = tpu.memref_slice %arg8[%dma_wait3A_128, %dma_wait3A_129] : memref<64x128xf32, #tpu.memory_space<vmem>> -> memref<40x128xf32, #tpu.memory_space<vmem>>
      tpu.wait_dma2 semaphore(%run_scoped3A : memref<!tpu.dma_semaphore, #tpu.memory_space<semaphore_mem>>) src(%dma_wait3A_130 : memref<40x128xf32, #tpu.memory_space<vmem>>) dst(%dma_wait3A_127 : memref<40x128xf32, #tpu.memory_space<hbm>>)
      tpu.yield
    }) : () -> ()
    %add3A_97 = arith.constant 520 : i32
    %add3A_98 = arith.addi %mul3A_6, %add3A_97 : i32
    "tpu.region"() ({
      %run_scoped3A = tpu.sem_alloc : memref<!tpu.dma_semaphore, #tpu.memory_space<semaphore_mem>>
      %dma_start3A = arith.constant 0 : i32
      %dma_start3A_109 = arith.constant 0 : i32
      %dma_start3A_110 = tpu.memref_slice %arg8[%dma_start3A, %dma_start3A_109] : memref<64x128xf32, #tpu.memory_space<vmem>> -> memref<40x128xf32, #tpu.memory_space<vmem>>
      %dma_start3A_111 = arith.constant 0 : i32
      %dma_start3A_112 = tpu.memref_slice %arg12[%add3A_98, %dma_start3A_111] : memref<10240x128xf32, #tpu.memory_space<vmem_shared>> -> memref<40x128xf32, #tpu.memory_space<vmem_shared>>
      %dma_start3A_113 = arith.constant 0 : i32
      %dma_start3A_114 = arith.constant 0 : i32
      %dma_start3A_115 = tpu.memref_slice %arg8[%dma_start3A_113, %dma_start3A_114] : memref<64x128xf32, #tpu.memory_space<vmem>> -> memref<40x128xf32, #tpu.memory_space<vmem>>
      %dma_start3A_116 = arith.constant 0 : i32
      %dma_start3A_117 = tpu.memref_slice %arg12[%add3A_98, %dma_start3A_116] : memref<10240x128xf32, #tpu.memory_space<vmem_shared>> -> memref<40x128xf32, #tpu.memory_space<vmem_shared>>
      tpu.enqueue_dma source(%dma_start3A_117 : memref<40x128xf32, #tpu.memory_space<vmem_shared>>) target(%dma_start3A_115 : memref<40x128xf32, #tpu.memory_space<vmem>>) target_semaphore(%run_scoped3A : memref<!tpu.dma_semaphore, #tpu.memory_space<semaphore_mem>>)
      %dma_wait3A = arith.constant 0 : i32
      %dma_wait3A_118 = arith.constant 0 : i32
      %dma_wait3A_119 = tpu.memref_slice %arg8[%dma_wait3A, %dma_wait3A_118] : memref<64x128xf32, #tpu.memory_space<vmem>> -> memref<40x128xf32, #tpu.memory_space<vmem>>
      %dma_wait3A_120 = arith.constant 0 : i32
      %dma_wait3A_121 = tpu.memref_slice %arg12[%add3A_98, %dma_wait3A_120] : memref<10240x128xf32, #tpu.memory_space<vmem_shared>> -> memref<40x128xf32, #tpu.memory_space<vmem_shared>>
      %dma_wait3A_122 = arith.constant 0 : i32
      %dma_wait3A_123 = arith.constant 0 : i32
      %dma_wait3A_124 = tpu.memref_slice %arg8[%dma_wait3A_122, %dma_wait3A_123] : memref<64x128xf32, #tpu.memory_space<vmem>> -> memref<40x128xf32, #tpu.memory_space<vmem>>
      %dma_wait3A_125 = arith.constant 0 : i32
      %dma_wait3A_126 = tpu.memref_slice %arg12[%add3A_98, %dma_wait3A_125] : memref<10240x128xf32, #tpu.memory_space<vmem_shared>> -> memref<40x128xf32, #tpu.memory_space<vmem_shared>>
      tpu.wait_dma2 semaphore(%run_scoped3A : memref<!tpu.dma_semaphore, #tpu.memory_space<semaphore_mem>>) src(%dma_wait3A_126 : memref<40x128xf32, #tpu.memory_space<vmem_shared>>) dst(%dma_wait3A_124 : memref<40x128xf32, #tpu.memory_space<vmem>>)
      tpu.yield
    }) : () -> ()
    %add3A_99 = arith.constant 520 : i32
    %add3A_100 = arith.addi %mul3A_6, %add3A_99 : i32
    "tpu.region"() ({
      %run_scoped3A = tpu.sem_alloc : memref<!tpu.dma_semaphore, #tpu.memory_space<semaphore_mem>>
      %dma_start3A = arith.constant 0 : i32
      %dma_start3A_109 = arith.constant 0 : i32
      %dma_start3A_110 = tpu.memref_slice %arg8[%dma_start3A, %dma_start3A_109] : memref<64x128xf32, #tpu.memory_space<vmem>> -> memref<40x128xf32, #tpu.memory_space<vmem>>
      %dma_start3A_111 = arith.constant 0 : i32
      %dma_start3A_112 = tpu.memref_slice %arg5[%arg0, %add3A_100, %dma_start3A_111] : memref<2x10240x128xf32, #tpu.memory_space<hbm>> -> memref<1x40x128xf32, #tpu.memory_space<hbm>>
      %dma_start3A_113 = tpu.memref_squeeze %dma_start3A_112 : memref<1x40x128xf32, #tpu.memory_space<hbm>> -> memref<40x128xf32, #tpu.memory_space<hbm>>
      %dma_start3A_114 = arith.constant 0 : i32
      %dma_start3A_115 = tpu.memref_slice %arg5[%arg0, %add3A_100, %dma_start3A_114] : memref<2x10240x128xf32, #tpu.memory_space<hbm>> -> memref<1x40x128xf32, #tpu.memory_space<hbm>>
      %dma_start3A_116 = tpu.memref_squeeze %dma_start3A_115 : memref<1x40x128xf32, #tpu.memory_space<hbm>> -> memref<40x128xf32, #tpu.memory_space<hbm>>
      %dma_start3A_117 = arith.constant 0 : i32
      %dma_start3A_118 = arith.constant 0 : i32
      %dma_start3A_119 = tpu.memref_slice %arg8[%dma_start3A_117, %dma_start3A_118] : memref<64x128xf32, #tpu.memory_space<vmem>> -> memref<40x128xf32, #tpu.memory_space<vmem>>
      tpu.enqueue_dma source(%dma_start3A_119 : memref<40x128xf32, #tpu.memory_space<vmem>>) target(%dma_start3A_116 : memref<40x128xf32, #tpu.memory_space<hbm>>) target_semaphore(%run_scoped3A : memref<!tpu.dma_semaphore, #tpu.memory_space<semaphore_mem>>)
      %dma_wait3A = arith.constant 0 : i32
      %dma_wait3A_120 = arith.constant 0 : i32
      %dma_wait3A_121 = tpu.memref_slice %arg8[%dma_wait3A, %dma_wait3A_120] : memref<64x128xf32, #tpu.memory_space<vmem>> -> memref<40x128xf32, #tpu.memory_space<vmem>>
      %dma_wait3A_122 = arith.constant 0 : i32
      %dma_wait3A_123 = tpu.memref_slice %arg5[%arg0, %add3A_100, %dma_wait3A_122] : memref<2x10240x128xf32, #tpu.memory_space<hbm>> -> memref<1x40x128xf32, #tpu.memory_space<hbm>>
      %dma_wait3A_124 = tpu.memref_squeeze %dma_wait3A_123 : memref<1x40x128xf32, #tpu.memory_space<hbm>> -> memref<40x128xf32, #tpu.memory_space<hbm>>
      %dma_wait3A_125 = arith.constant 0 : i32
      %dma_wait3A_126 = tpu.memref_slice %arg5[%arg0, %add3A_100, %dma_wait3A_125] : memref<2x10240x128xf32, #tpu.memory_space<hbm>> -> memref<1x40x128xf32, #tpu.memory_space<hbm>>
      %dma_wait3A_127 = tpu.memref_squeeze %dma_wait3A_126 : memref<1x40x128xf32, #tpu.memory_space<hbm>> -> memref<40x128xf32, #tpu.memory_space<hbm>>
      %dma_wait3A_128 = arith.constant 0 : i32
      %dma_wait3A_129 = arith.constant 0 : i32
      %dma_wait3A_130 = tpu.memref_slice %arg8[%dma_wait3A_128, %dma_wait3A_129] : memref<64x128xf32, #tpu.memory_space<vmem>> -> memref<40x128xf32, #tpu.memory_space<vmem>>
      tpu.wait_dma2 semaphore(%run_scoped3A : memref<!tpu.dma_semaphore, #tpu.memory_space<semaphore_mem>>) src(%dma_wait3A_130 : memref<40x128xf32, #tpu.memory_space<vmem>>) dst(%dma_wait3A_127 : memref<40x128xf32, #tpu.memory_space<hbm>>)
      tpu.yield
    }) : () -> ()
    %add3A_101 = arith.constant 560 : i32
    %add3A_102 = arith.addi %mul3A_6, %add3A_101 : i32
    "tpu.region"() ({
      %run_scoped3A = tpu.sem_alloc : memref<!tpu.dma_semaphore, #tpu.memory_space<semaphore_mem>>
      %dma_start3A = arith.constant 0 : i32
      %dma_start3A_109 = arith.constant 0 : i32
      %dma_start3A_110 = tpu.memref_slice %arg8[%dma_start3A, %dma_start3A_109] : memref<64x128xf32, #tpu.memory_space<vmem>> -> memref<40x128xf32, #tpu.memory_space<vmem>>
      %dma_start3A_111 = arith.constant 0 : i32
      %dma_start3A_112 = tpu.memref_slice %arg12[%add3A_102, %dma_start3A_111] : memref<10240x128xf32, #tpu.memory_space<vmem_shared>> -> memref<40x128xf32, #tpu.memory_space<vmem_shared>>
      %dma_start3A_113 = arith.constant 0 : i32
      %dma_start3A_114 = arith.constant 0 : i32
      %dma_start3A_115 = tpu.memref_slice %arg8[%dma_start3A_113, %dma_start3A_114] : memref<64x128xf32, #tpu.memory_space<vmem>> -> memref<40x128xf32, #tpu.memory_space<vmem>>
      %dma_start3A_116 = arith.constant 0 : i32
      %dma_start3A_117 = tpu.memref_slice %arg12[%add3A_102, %dma_start3A_116] : memref<10240x128xf32, #tpu.memory_space<vmem_shared>> -> memref<40x128xf32, #tpu.memory_space<vmem_shared>>
      tpu.enqueue_dma source(%dma_start3A_117 : memref<40x128xf32, #tpu.memory_space<vmem_shared>>) target(%dma_start3A_115 : memref<40x128xf32, #tpu.memory_space<vmem>>) target_semaphore(%run_scoped3A : memref<!tpu.dma_semaphore, #tpu.memory_space<semaphore_mem>>)
      %dma_wait3A = arith.constant 0 : i32
      %dma_wait3A_118 = arith.constant 0 : i32
      %dma_wait3A_119 = tpu.memref_slice %arg8[%dma_wait3A, %dma_wait3A_118] : memref<64x128xf32, #tpu.memory_space<vmem>> -> memref<40x128xf32, #tpu.memory_space<vmem>>
      %dma_wait3A_120 = arith.constant 0 : i32
      %dma_wait3A_121 = tpu.memref_slice %arg12[%add3A_102, %dma_wait3A_120] : memref<10240x128xf32, #tpu.memory_space<vmem_shared>> -> memref<40x128xf32, #tpu.memory_space<vmem_shared>>
      %dma_wait3A_122 = arith.constant 0 : i32
      %dma_wait3A_123 = arith.constant 0 : i32
      %dma_wait3A_124 = tpu.memref_slice %arg8[%dma_wait3A_122, %dma_wait3A_123] : memref<64x128xf32, #tpu.memory_space<vmem>> -> memref<40x128xf32, #tpu.memory_space<vmem>>
      %dma_wait3A_125 = arith.constant 0 : i32
      %dma_wait3A_126 = tpu.memref_slice %arg12[%add3A_102, %dma_wait3A_125] : memref<10240x128xf32, #tpu.memory_space<vmem_shared>> -> memref<40x128xf32, #tpu.memory_space<vmem_shared>>
      tpu.wait_dma2 semaphore(%run_scoped3A : memref<!tpu.dma_semaphore, #tpu.memory_space<semaphore_mem>>) src(%dma_wait3A_126 : memref<40x128xf32, #tpu.memory_space<vmem_shared>>) dst(%dma_wait3A_124 : memref<40x128xf32, #tpu.memory_space<vmem>>)
      tpu.yield
    }) : () -> ()
    %add3A_103 = arith.constant 560 : i32
    %add3A_104 = arith.addi %mul3A_6, %add3A_103 : i32
    "tpu.region"() ({
      %run_scoped3A = tpu.sem_alloc : memref<!tpu.dma_semaphore, #tpu.memory_space<semaphore_mem>>
      %dma_start3A = arith.constant 0 : i32
      %dma_start3A_109 = arith.constant 0 : i32
      %dma_start3A_110 = tpu.memref_slice %arg8[%dma_start3A, %dma_start3A_109] : memref<64x128xf32, #tpu.memory_space<vmem>> -> memref<40x128xf32, #tpu.memory_space<vmem>>
      %dma_start3A_111 = arith.constant 0 : i32
      %dma_start3A_112 = tpu.memref_slice %arg5[%arg0, %add3A_104, %dma_start3A_111] : memref<2x10240x128xf32, #tpu.memory_space<hbm>> -> memref<1x40x128xf32, #tpu.memory_space<hbm>>
      %dma_start3A_113 = tpu.memref_squeeze %dma_start3A_112 : memref<1x40x128xf32, #tpu.memory_space<hbm>> -> memref<40x128xf32, #tpu.memory_space<hbm>>
      %dma_start3A_114 = arith.constant 0 : i32
      %dma_start3A_115 = tpu.memref_slice %arg5[%arg0, %add3A_104, %dma_start3A_114] : memref<2x10240x128xf32, #tpu.memory_space<hbm>> -> memref<1x40x128xf32, #tpu.memory_space<hbm>>
      %dma_start3A_116 = tpu.memref_squeeze %dma_start3A_115 : memref<1x40x128xf32, #tpu.memory_space<hbm>> -> memref<40x128xf32, #tpu.memory_space<hbm>>
      %dma_start3A_117 = arith.constant 0 : i32
      %dma_start3A_118 = arith.constant 0 : i32
      %dma_start3A_119 = tpu.memref_slice %arg8[%dma_start3A_117, %dma_start3A_118] : memref<64x128xf32, #tpu.memory_space<vmem>> -> memref<40x128xf32, #tpu.memory_space<vmem>>
      tpu.enqueue_dma source(%dma_start3A_119 : memref<40x128xf32, #tpu.memory_space<vmem>>) target(%dma_start3A_116 : memref<40x128xf32, #tpu.memory_space<hbm>>) target_semaphore(%run_scoped3A : memref<!tpu.dma_semaphore, #tpu.memory_space<semaphore_mem>>)
      %dma_wait3A = arith.constant 0 : i32
      %dma_wait3A_120 = arith.constant 0 : i32
      %dma_wait3A_121 = tpu.memref_slice %arg8[%dma_wait3A, %dma_wait3A_120] : memref<64x128xf32, #tpu.memory_space<vmem>> -> memref<40x128xf32, #tpu.memory_space<vmem>>
      %dma_wait3A_122 = arith.constant 0 : i32
      %dma_wait3A_123 = tpu.memref_slice %arg5[%arg0, %add3A_104, %dma_wait3A_122] : memref<2x10240x128xf32, #tpu.memory_space<hbm>> -> memref<1x40x128xf32, #tpu.memory_space<hbm>>
      %dma_wait3A_124 = tpu.memref_squeeze %dma_wait3A_123 : memref<1x40x128xf32, #tpu.memory_space<hbm>> -> memref<40x128xf32, #tpu.memory_space<hbm>>
      %dma_wait3A_125 = arith.constant 0 : i32
      %dma_wait3A_126 = tpu.memref_slice %arg5[%arg0, %add3A_104, %dma_wait3A_125] : memref<2x10240x128xf32, #tpu.memory_space<hbm>> -> memref<1x40x128xf32, #tpu.memory_space<hbm>>
      %dma_wait3A_127 = tpu.memref_squeeze %dma_wait3A_126 : memref<1x40x128xf32, #tpu.memory_space<hbm>> -> memref<40x128xf32, #tpu.memory_space<hbm>>
      %dma_wait3A_128 = arith.constant 0 : i32
      %dma_wait3A_129 = arith.constant 0 : i32
      %dma_wait3A_130 = tpu.memref_slice %arg8[%dma_wait3A_128, %dma_wait3A_129] : memref<64x128xf32, #tpu.memory_space<vmem>> -> memref<40x128xf32, #tpu.memory_space<vmem>>
      tpu.wait_dma2 semaphore(%run_scoped3A : memref<!tpu.dma_semaphore, #tpu.memory_space<semaphore_mem>>) src(%dma_wait3A_130 : memref<40x128xf32, #tpu.memory_space<vmem>>) dst(%dma_wait3A_127 : memref<40x128xf32, #tpu.memory_space<hbm>>)
      tpu.yield
    }) : () -> ()
    %add3A_105 = arith.constant 600 : i32
    %add3A_106 = arith.addi %mul3A_6, %add3A_105 : i32
    "tpu.region"() ({
      %run_scoped3A = tpu.sem_alloc : memref<!tpu.dma_semaphore, #tpu.memory_space<semaphore_mem>>
      %dma_start3A = arith.constant 0 : i32
      %dma_start3A_109 = arith.constant 0 : i32
      %dma_start3A_110 = tpu.memref_slice %arg8[%dma_start3A, %dma_start3A_109] : memref<64x128xf32, #tpu.memory_space<vmem>> -> memref<40x128xf32, #tpu.memory_space<vmem>>
      %dma_start3A_111 = arith.constant 0 : i32
      %dma_start3A_112 = tpu.memref_slice %arg12[%add3A_106, %dma_start3A_111] : memref<10240x128xf32, #tpu.memory_space<vmem_shared>> -> memref<40x128xf32, #tpu.memory_space<vmem_shared>>
      %dma_start3A_113 = arith.constant 0 : i32
      %dma_start3A_114 = arith.constant 0 : i32
      %dma_start3A_115 = tpu.memref_slice %arg8[%dma_start3A_113, %dma_start3A_114] : memref<64x128xf32, #tpu.memory_space<vmem>> -> memref<40x128xf32, #tpu.memory_space<vmem>>
      %dma_start3A_116 = arith.constant 0 : i32
      %dma_start3A_117 = tpu.memref_slice %arg12[%add3A_106, %dma_start3A_116] : memref<10240x128xf32, #tpu.memory_space<vmem_shared>> -> memref<40x128xf32, #tpu.memory_space<vmem_shared>>
      tpu.enqueue_dma source(%dma_start3A_117 : memref<40x128xf32, #tpu.memory_space<vmem_shared>>) target(%dma_start3A_115 : memref<40x128xf32, #tpu.memory_space<vmem>>) target_semaphore(%run_scoped3A : memref<!tpu.dma_semaphore, #tpu.memory_space<semaphore_mem>>)
      %dma_wait3A = arith.constant 0 : i32
      %dma_wait3A_118 = arith.constant 0 : i32
      %dma_wait3A_119 = tpu.memref_slice %arg8[%dma_wait3A, %dma_wait3A_118] : memref<64x128xf32, #tpu.memory_space<vmem>> -> memref<40x128xf32, #tpu.memory_space<vmem>>
      %dma_wait3A_120 = arith.constant 0 : i32
      %dma_wait3A_121 = tpu.memref_slice %arg12[%add3A_106, %dma_wait3A_120] : memref<10240x128xf32, #tpu.memory_space<vmem_shared>> -> memref<40x128xf32, #tpu.memory_space<vmem_shared>>
      %dma_wait3A_122 = arith.constant 0 : i32
      %dma_wait3A_123 = arith.constant 0 : i32
      %dma_wait3A_124 = tpu.memref_slice %arg8[%dma_wait3A_122, %dma_wait3A_123] : memref<64x128xf32, #tpu.memory_space<vmem>> -> memref<40x128xf32, #tpu.memory_space<vmem>>
      %dma_wait3A_125 = arith.constant 0 : i32
      %dma_wait3A_126 = tpu.memref_slice %arg12[%add3A_106, %dma_wait3A_125] : memref<10240x128xf32, #tpu.memory_space<vmem_shared>> -> memref<40x128xf32, #tpu.memory_space<vmem_shared>>
      tpu.wait_dma2 semaphore(%run_scoped3A : memref<!tpu.dma_semaphore, #tpu.memory_space<semaphore_mem>>) src(%dma_wait3A_126 : memref<40x128xf32, #tpu.memory_space<vmem_shared>>) dst(%dma_wait3A_124 : memref<40x128xf32, #tpu.memory_space<vmem>>)
      tpu.yield
    }) : () -> ()
    %add3A_107 = arith.constant 600 : i32
    %add3A_108 = arith.addi %mul3A_6, %add3A_107 : i32
    "tpu.region"() ({
      %run_scoped3A = tpu.sem_alloc : memref<!tpu.dma_semaphore, #tpu.memory_space<semaphore_mem>>
      %dma_start3A = arith.constant 0 : i32
      %dma_start3A_109 = arith.constant 0 : i32
      %dma_start3A_110 = tpu.memref_slice %arg8[%dma_start3A, %dma_start3A_109] : memref<64x128xf32, #tpu.memory_space<vmem>> -> memref<40x128xf32, #tpu.memory_space<vmem>>
      %dma_start3A_111 = arith.constant 0 : i32
      %dma_start3A_112 = tpu.memref_slice %arg5[%arg0, %add3A_108, %dma_start3A_111] : memref<2x10240x128xf32, #tpu.memory_space<hbm>> -> memref<1x40x128xf32, #tpu.memory_space<hbm>>
      %dma_start3A_113 = tpu.memref_squeeze %dma_start3A_112 : memref<1x40x128xf32, #tpu.memory_space<hbm>> -> memref<40x128xf32, #tpu.memory_space<hbm>>
      %dma_start3A_114 = arith.constant 0 : i32
      %dma_start3A_115 = tpu.memref_slice %arg5[%arg0, %add3A_108, %dma_start3A_114] : memref<2x10240x128xf32, #tpu.memory_space<hbm>> -> memref<1x40x128xf32, #tpu.memory_space<hbm>>
      %dma_start3A_116 = tpu.memref_squeeze %dma_start3A_115 : memref<1x40x128xf32, #tpu.memory_space<hbm>> -> memref<40x128xf32, #tpu.memory_space<hbm>>
      %dma_start3A_117 = arith.constant 0 : i32
      %dma_start3A_118 = arith.constant 0 : i32
      %dma_start3A_119 = tpu.memref_slice %arg8[%dma_start3A_117, %dma_start3A_118] : memref<64x128xf32, #tpu.memory_space<vmem>> -> memref<40x128xf32, #tpu.memory_space<vmem>>
      tpu.enqueue_dma source(%dma_start3A_119 : memref<40x128xf32, #tpu.memory_space<vmem>>) target(%dma_start3A_116 : memref<40x128xf32, #tpu.memory_space<hbm>>) target_semaphore(%run_scoped3A : memref<!tpu.dma_semaphore, #tpu.memory_space<semaphore_mem>>)
      %dma_wait3A = arith.constant 0 : i32
      %dma_wait3A_120 = arith.constant 0 : i32
      %dma_wait3A_121 = tpu.memref_slice %arg8[%dma_wait3A, %dma_wait3A_120] : memref<64x128xf32, #tpu.memory_space<vmem>> -> memref<40x128xf32, #tpu.memory_space<vmem>>
      %dma_wait3A_122 = arith.constant 0 : i32
      %dma_wait3A_123 = tpu.memref_slice %arg5[%arg0, %add3A_108, %dma_wait3A_122] : memref<2x10240x128xf32, #tpu.memory_space<hbm>> -> memref<1x40x128xf32, #tpu.memory_space<hbm>>
      %dma_wait3A_124 = tpu.memref_squeeze %dma_wait3A_123 : memref<1x40x128xf32, #tpu.memory_space<hbm>> -> memref<40x128xf32, #tpu.memory_space<hbm>>
      %dma_wait3A_125 = arith.constant 0 : i32
      %dma_wait3A_126 = tpu.memref_slice %arg5[%arg0, %add3A_108, %dma_wait3A_125] : memref<2x10240x128xf32, #tpu.memory_space<hbm>> -> memref<1x40x128xf32, #tpu.memory_space<hbm>>
      %dma_wait3A_127 = tpu.memref_squeeze %dma_wait3A_126 : memref<1x40x128xf32, #tpu.memory_space<hbm>> -> memref<40x128xf32, #tpu.memory_space<hbm>>
      %dma_wait3A_128 = arith.constant 0 : i32
      %dma_wait3A_129 = arith.constant 0 : i32
      %dma_wait3A_130 = tpu.memref_slice %arg8[%dma_wait3A_128, %dma_wait3A_129] : memref<64x128xf32, #tpu.memory_space<vmem>> -> memref<40x128xf32, #tpu.memory_space<vmem>>
      tpu.wait_dma2 semaphore(%run_scoped3A : memref<!tpu.dma_semaphore, #tpu.memory_space<semaphore_mem>>) src(%dma_wait3A_130 : memref<40x128xf32, #tpu.memory_space<vmem>>) dst(%dma_wait3A_127 : memref<40x128xf32, #tpu.memory_space<hbm>>)
      tpu.yield
    }) : () -> ()
    return
  }
}

module attributes {stable_mosaic.version = 14 : i64} {
  func.func @_pre_body(%arg0: i32, %arg1: memref<2000x128xf32, #tpu.memory_space<vmem>>, %arg2: memref<2000x128xf32, #tpu.memory_space<vmem>>, %arg3: memref<128x128xf32, #tpu.memory_space<vmem>>, %arg4: memref<1x128xf32, #tpu.memory_space<vmem>>, %arg5: memref<2000x128xf32, #tpu.memory_space<vmem>>) attributes {dimension_semantics = [#tpu.dimension_semantics<arbitrary>], iteration_bounds = array<i64: 5>, scalar_prefetch = 0 : i64, scratch_operands = 0 : i64, tpu.core_type = #tpu.core_type<tc>, window_params = [{transform_indices = @transform_0, window_bounds = array<i64: 2000, 128>}, {transform_indices = @transform_1, window_bounds = array<i64: 2000, 128>}, {pipeline_mode = #tpu.pipeline_mode<synchronous>, transform_indices = @transform_2, window_bounds = array<i64: 128, 128>}, {pipeline_mode = #tpu.pipeline_mode<synchronous>, transform_indices = @transform_3, window_bounds = array<i64: 1, 128>}, {transform_indices = @transform_4, window_bounds = array<i64: 2000, 128>}]} {
    %get3A = arith.constant 0 : index
    %get3A_0 = arith.constant 0 : index
    %get3A_1 = vector.load %arg1[%get3A, %get3A_0] : memref<2000x128xf32, #tpu.memory_space<vmem>>, vector<2000x128xf32>
    %get3A_2 = arith.constant 0 : index
    %get3A_3 = arith.constant 0 : index
    %get3A_4 = vector.load %arg3[%get3A_2, %get3A_3] : memref<128x128xf32, #tpu.memory_space<vmem>>, vector<128x128xf32>
    %dot_general3A = arith.constant dense<0.000000e+00> : vector<2000x128xf32>
    %dot_general3A_5 = tpu.matmul %get3A_1, %get3A_4, %dot_general3A {dimension_numbers = #tpu.dot_dimension_numbers<[1], [0], [0], [1], [0, 0, 1, 1], [], []>, transpose_lhs_hint = false} : vector<2000x128xf32>, vector<128x128xf32>, vector<2000x128xf32> -> vector<2000x128xf32>
    %get3A_6 = arith.constant 0 : index
    %get3A_7 = arith.constant 0 : index
    %get3A_8 = vector.load %arg4[%get3A_6, %get3A_7] : memref<1x128xf32, #tpu.memory_space<vmem>>, vector<1x128xf32>
    %add3A = vector.broadcast %get3A_8 : vector<1x128xf32> to vector<2000x128xf32>
    %add3A_9 = arith.addf %dot_general3A_5, %add3A : vector<2000x128xf32>
    %logistic3A = arith.negf %add3A_9 : vector<2000x128xf32>
    %logistic3A_10 = math.exp %logistic3A : vector<2000x128xf32>
    %logistic3A_11 = arith.constant 1.000000e+00 : f32
    %logistic3A_12 = vector.broadcast %logistic3A_11 : f32 to vector<2000x128xf32>
    %logistic3A_13 = arith.addf %logistic3A_12, %logistic3A_10 : vector<2000x128xf32>
    %logistic3A_14 = arith.divf %logistic3A_12, %logistic3A_13 : vector<2000x128xf32>
    %get3A_15 = arith.constant 0 : index
    %get3A_16 = arith.constant 0 : index
    %get3A_17 = vector.load %arg2[%get3A_15, %get3A_16] : memref<2000x128xf32, #tpu.memory_space<vmem>>, vector<2000x128xf32>
    %mul3A = arith.mulf %logistic3A_14, %get3A_17 : vector<2000x128xf32>
    %swap3A = arith.constant 0 : index
    %swap3A_18 = arith.constant 0 : index
    %swap3A_19 = vector.load %arg5[%swap3A, %swap3A_18] : memref<2000x128xf32, #tpu.memory_space<vmem>>, vector<2000x128xf32>
    tpu.vector_store %arg5[%swap3A, %swap3A_18], %mul3A {strides = array<i32>} : memref<2000x128xf32, #tpu.memory_space<vmem>>, vector<2000x128xf32>,
    return
  }
  func.func @transform_0(%arg0: i32) -> (i32, i32) {
    %c0_i32 = arith.constant 0 : i32
    %c0_i32_0 = arith.constant 0 : i32
    return %arg0, %c0_i32 : i32, i32
  }
  func.func @transform_1(%arg0: i32) -> (i32, i32) {
    %c0_i32 = arith.constant 0 : i32
    %c0_i32_0 = arith.constant 0 : i32
    return %arg0, %c0_i32 : i32, i32
  }
  func.func @transform_2(%arg0: i32) -> (i32, i32) {
    %c0_i32 = arith.constant 0 : i32
    %c0_i32_0 = arith.constant 0 : i32
    %c0_i32_1 = arith.constant 0 : i32
    return %c0_i32, %c0_i32_0 : i32, i32
  }
  func.func @transform_3(%arg0: i32) -> (i32, i32) {
    %c0_i32 = arith.constant 0 : i32
    %c0_i32_0 = arith.constant 0 : i32
    %c0_i32_1 = arith.constant 0 : i32
    return %c0_i32, %c0_i32_0 : i32, i32
  }
  func.func @transform_4(%arg0: i32) -> (i32, i32) {
    %c0_i32 = arith.constant 0 : i32
    %c0_i32_0 = arith.constant 0 : i32
    return %arg0, %c0_i32 : i32, i32
  }
}

module attributes {stable_mosaic.version = 14 : i64} {
  func.func @_post_body(%arg0: i32, %arg1: memref<2x2000x128xf32, #tpu.memory_space<vmem>>, %arg2: memref<128x384xf32, #tpu.memory_space<vmem>>, %arg3: memref<1x384xf32, #tpu.memory_space<vmem>>, %arg4: memref<2000x128xf32, #tpu.memory_space<vmem>>, %arg5: memref<2000x128xf32, #tpu.memory_space<vmem>>) attributes {dimension_semantics = [#tpu.dimension_semantics<arbitrary>], iteration_bounds = array<i64: 5>, scalar_prefetch = 0 : i64, scratch_operands = 0 : i64, tpu.core_type = #tpu.core_type<tc>, window_params = [{transform_indices = @transform_0, window_bounds = array<i64: 2, 2000, 128>}, {pipeline_mode = #tpu.pipeline_mode<synchronous>, transform_indices = @transform_1, window_bounds = array<i64: 128, 384>}, {pipeline_mode = #tpu.pipeline_mode<synchronous>, transform_indices = @transform_2, window_bounds = array<i64: 1, 384>}, {transform_indices = @transform_3, window_bounds = array<i64: 2000, 128>}, {transform_indices = @transform_4, window_bounds = array<i64: 2000, 128>}]} {
    %get3A = arith.constant 0 : index
    %get3A_0 = arith.constant 0 : index
    %get3A_1 = arith.constant 0 : index
    %get3A_2 = vector.load %arg1[%get3A, %get3A_0, %get3A_1] : memref<2x2000x128xf32, #tpu.memory_space<vmem>>, vector<1x2000x128xf32>
    %get3A_3 = vector.shape_cast %get3A_2 : vector<1x2000x128xf32> to vector<2000x128xf32>
    %get3A_4 = arith.constant 1 : index
    %get3A_5 = arith.constant 0 : index
    %get3A_6 = arith.constant 0 : index
    %get3A_7 = vector.load %arg1[%get3A_4, %get3A_5, %get3A_6] : memref<2x2000x128xf32, #tpu.memory_space<vmem>>, vector<1x2000x128xf32>
    %get3A_8 = vector.shape_cast %get3A_7 : vector<1x2000x128xf32> to vector<2000x128xf32>
    %get3A_9 = arith.constant 0 : index
    %get3A_10 = arith.constant 0 : index
    %get3A_11 = vector.load %arg2[%get3A_9, %get3A_10] : memref<128x384xf32, #tpu.memory_space<vmem>>, vector<128x384xf32>
    %dot_general3A = arith.constant dense<0.000000e+00> : vector<2000x384xf32>
    %dot_general3A_12 = tpu.matmul %get3A_3, %get3A_11, %dot_general3A {dimension_numbers = #tpu.dot_dimension_numbers<[1], [0], [0], [1], [0, 0, 1, 1], [], []>, transpose_lhs_hint = false} : vector<2000x128xf32>, vector<128x384xf32>, vector<2000x384xf32> -> vector<2000x384xf32>
    %get3A_13 = arith.constant 0 : index
    %get3A_14 = arith.constant 0 : index
    %get3A_15 = vector.load %arg3[%get3A_13, %get3A_14] : memref<1x384xf32, #tpu.memory_space<vmem>>, vector<1x384xf32>
    %add3A = vector.broadcast %get3A_15 : vector<1x384xf32> to vector<2000x384xf32>
    %add3A_16 = arith.addf %dot_general3A_12, %add3A : vector<2000x384xf32>
    %slice3A = vector.extract_strided_slice %add3A_16 {offsets = [0, 0], sizes = [2000, 128], strides = [1, 1]} : vector<2000x384xf32> to vector<2000x128xf32>
    %logistic3A = arith.negf %slice3A : vector<2000x128xf32>
    %logistic3A_17 = math.exp %logistic3A : vector<2000x128xf32>
    %logistic3A_18 = arith.constant 1.000000e+00 : f32
    %logistic3A_19 = vector.broadcast %logistic3A_18 : f32 to vector<2000x128xf32>
    %logistic3A_20 = arith.addf %logistic3A_19, %logistic3A_17 : vector<2000x128xf32>
    %logistic3A_21 = arith.divf %logistic3A_19, %logistic3A_20 : vector<2000x128xf32>
    %slice3A_22 = vector.extract_strided_slice %add3A_16 {offsets = [0, 128], sizes = [2000, 128], strides = [1, 1]} : vector<2000x384xf32> to vector<2000x128xf32>
    %logistic3A_23 = arith.negf %slice3A_22 : vector<2000x128xf32>
    %logistic3A_24 = math.exp %logistic3A_23 : vector<2000x128xf32>
    %logistic3A_25 = arith.constant 1.000000e+00 : f32
    %logistic3A_26 = vector.broadcast %logistic3A_25 : f32 to vector<2000x128xf32>
    %logistic3A_27 = arith.addf %logistic3A_26, %logistic3A_24 : vector<2000x128xf32>
    %logistic3A_28 = arith.divf %logistic3A_26, %logistic3A_27 : vector<2000x128xf32>
    %slice3A_29 = vector.extract_strided_slice %add3A_16 {offsets = [0, 256], sizes = [2000, 128], strides = [1, 1]} : vector<2000x384xf32> to vector<2000x128xf32>
    %tanh3A = math.tanh %slice3A_29 : vector<2000x128xf32>
    %mul3A = arith.mulf %logistic3A_21, %tanh3A : vector<2000x128xf32>
    %add3A_30 = arith.addf %mul3A, %get3A_8 : vector<2000x128xf32>
    %tanh3A_31 = math.tanh %add3A_30 : vector<2000x128xf32>
    %mul3A_32 = arith.mulf %logistic3A_28, %tanh3A_31 : vector<2000x128xf32>
    %swap3A = arith.constant 0 : index
    %swap3A_33 = arith.constant 0 : index
    %swap3A_34 = vector.load %arg4[%swap3A, %swap3A_33] : memref<2000x128xf32, #tpu.memory_space<vmem>>, vector<2000x128xf32>
    tpu.vector_store %arg4[%swap3A, %swap3A_33], %mul3A_32 {strides = array<i32>} : memref<2000x128xf32, #tpu.memory_space<vmem>>, vector<2000x128xf32>,
    %swap3A_35 = arith.constant 0 : index
    %swap3A_36 = arith.constant 0 : index
    %swap3A_37 = vector.load %arg5[%swap3A_35, %swap3A_36] : memref<2000x128xf32, #tpu.memory_space<vmem>>, vector<2000x128xf32>
    tpu.vector_store %arg5[%swap3A_35, %swap3A_36], %add3A_30 {strides = array<i32>} : memref<2000x128xf32, #tpu.memory_space<vmem>>, vector<2000x128xf32>,
    return
  }
  func.func @transform_0(%arg0: i32) -> (i32, i32, i32) {
    %c0_i32 = arith.constant 0 : i32
    %c0_i32_0 = arith.constant 0 : i32
    %c0_i32_1 = arith.constant 0 : i32
    return %c0_i32, %arg0, %c0_i32_0 : i32, i32, i32
  }
  func.func @transform_1(%arg0: i32) -> (i32, i32) {
    %c0_i32 = arith.constant 0 : i32
    %c0_i32_0 = arith.constant 0 : i32
    %c0_i32_1 = arith.constant 0 : i32
    return %c0_i32, %c0_i32_0 : i32, i32
  }
  func.func @transform_2(%arg0: i32) -> (i32, i32) {
    %c0_i32 = arith.constant 0 : i32
    %c0_i32_0 = arith.constant 0 : i32
    %c0_i32_1 = arith.constant 0 : i32
    return %c0_i32, %c0_i32_0 : i32, i32
  }
  func.func @transform_3(%arg0: i32) -> (i32, i32) {
    %c0_i32 = arith.constant 0 : i32
    %c0_i32_0 = arith.constant 0 : i32
    return %arg0, %c0_i32 : i32, i32
  }
  func.func @transform_4(%arg0: i32) -> (i32, i32) {
    %c0_i32 = arith.constant 0 : i32
    %c0_i32_0 = arith.constant 0 : i32
    return %arg0, %c0_i32 : i32, i32
  }
}

</mosaic_0001>

<sc_bundles>
// kernel: kernel.5.cloned.1.call-start
scs
__scs_entry_jumppad:
0x0: {  	(pc) =	sbr.rel $0x88, $3  }
0x1: {  	(tag) =	ssettag $0x0;
	lr =	simm.s32 $0x1  }
0x2: {  	[smem:$0x3F9A] =	sst lr;
	_ =	strace $0xD0000000  }
0x3: {  	_ = 	snop  }
0x4: {  	_ = 	snop  }
0x5: {  	_ = 	snop  }
0x6: {  	_ = 	snop  }
0x7: {  	_ = 	snop  }
__scs_overlays_trampoline_lowered:
0x8: {  	[smem:$0x3FA9] =	sst s0  }
0x9: {  	[smem:$0x3FAA] =	sst s1  }
0xa: {  	[smem:$0x3FAB] =	sst s2  }
0xb: {  	[smem:$0x3FAC] =	sst s3  }
0xc: {  	[smem:$0x3FAD] =	sst s4  }
0xd: {  	[smem:$0x3FAE] =	sst s5  }
0xe: {  	[smem:$0x3FAF] =	sst s6  }
0xf: {  	[smem:$0x3FB0] =	sst s7  }
0x10: {  	[smem:$0x3FB1] =	sst s8  }
0x11: {  	[smem:$0x3FB2] =	sst s9;
	s0 =	simm.s32 @!p0 $0x0  }
0x12: {  	s1 =	sld [smem:$0x3F98];
	s0 =	simm.s32 @p0 $0x1  }
0x13: {  	[smem:$0x3FB3] =	sst s0;
	s0 =	simm.s32 @!p1 $0x0  }
0x14: {  	s2 =	sld [smem:$0x3F97];
	s0 =	simm.s32 @p1 $0x1  }
0x15: {  	[smem:$0x3FB4] =	sst s0;
	s0 =	simm.s32 @!p2 $0x0  }
0x16: {  	s3 =	sld [smem:$0x3FDB];
	s0 =	simm.s32 @p2 $0x1  }
0x17: {  	s4 =	simm.s32 $0x1BF5;
	[smem:$0x3FB6] =	sst s0  }
0x18: {  	s0 =	sld [smem:$0x3F99];
	_ =	swait.ge [sflag:s4], $0x0  }
0x19: {  	s7 =	sld [smem:$0x3F9A]  }
0x1a: {  	s8 =	sadd.s32 $0xFFFFE003, lr  }
0x1b: {  	s9 =	sadd.s32 $0xFFFFFEF7, lr;
	s5 =	simm.s32 $0xFFFFFFFF;
	p2 =	slt.u32 s8, $0xFFFFF086  }
0x1c: {  	p1 =	slt.u32 s9, $0xF7A;
	s5 =	simm.s32 @!p2 $0x0  }
0x1d: {  	s5 =	simm.s32 @p1 $0x1;
	p0 =	seq.s32 s7, s2  }
0x1e: {  	s7 =	smul.u32 @!p0 $0xF7A, s2;
	p2 =	seq.s32 @!p0 s5, $0x0  }
0x1f: {  	s9 =	smul.u32 $0xF7A, s1;
	s8 =	simm.s32 @!p0 $0x1BF5;
	p2 =	por !p2, p0  }
0x20: {  	[sflag:s8] =	ssyncset.s32 @!p0 $0xFFFFF086;
	s6 =	sadd.s32 @!p0 s3, s7;
	s7 =	simm.s32 @!p0 $0x108  }
0x21: {  	s3 =	sadd.s32 s3, s9;
	s6 =	sadd.s32 @!p0 $0x88, s6;
	s7 =	simm.s32 @p2 $0x1082  }
0x22: {  	[simem:s7], [sflag:s8] =	dma.local @!p0 [hbm:s6], $0xF7A  }
0x23: {  	s9 =	sor.u32 $0xD0000000, s2;
	s6 =	simm.s32 $0x108;
	_ =	swait.ge @!p0 [sflag:s8], $0x0  }
0x24: {  	s3 =	sadd.s32 $0x88, s3;
	s6 =	simm.s32 @!p1 $0x1082;
	[sflag:s4] =	ssyncset.s32 $0xFFFFF086  }
0x25: {  	[simem:s6], [sflag:s4] =	dma.local [hbm:s3], $0xF7A  }
0x26: {  	[smem:$0x3F9A] =	sst s1;
	(tag) =	ssettag s2;
	_ =	strace s9  }
0x27: {  	s1 =	sld [smem:$0x3FAA]  }
0x28: {  	s2 =	sld [smem:$0x3FAB]  }
0x29: {  	s4 =	sld [smem:$0x3FAD]  }
0x2a: {  	p0 =	seq.s32 s5, $0x0;
	s5 =	sld [smem:$0x3FAE]  }
0x2b: {  	s6 =	sld [smem:$0x3FAF]  }
0x2c: {  	s7 =	sld [smem:$0x3FB0]  }
0x2d: {  	s3 =	simm.s32 $0x108;
	s8 =	sld [smem:$0x3FB1]  }
0x2e: {  	s3 =	simm.s32 @!p0 $0x1082;
	s9 =	sld [smem:$0x3FB2]  }
0x2f: {  	lr =	sadd.s32 s0, s3;
	s0 =	sld [smem:$0x3FA9]  }
0x30: {  	s3 =	sld [smem:$0x3FAC]  }
0x31: {  	[smem:$0x3FB5] =	sst s10  }
0x32: {  	s10 =	sld [smem:$0x3FB3];
	_ =	sdelay $0x3  }
0x33: {  	p0 =	seq.s32 s10, $0x1;
	s10 =	sld [smem:$0x3FB5];
	_ =	sdelay $0x3  }
0x34: {  	[smem:$0x3FB5] =	sst s10  }
0x35: {  	s10 =	sld [smem:$0x3FB4];
	_ =	sdelay $0x3  }
0x36: {  	p1 =	seq.s32 s10, $0x1;
	s10 =	sld [smem:$0x3FB5];
	_ =	sdelay $0x3  }
0x37: {  	[smem:$0x3FB5] =	sst s10  }
0x38: {  	s10 =	sld [smem:$0x3FB6]  }
0x39: {  	_ = 	snop;
	(pc) =	sbr.ind lr, $3  }
0x3a: {  	_ = 	snop  }
0x3b: {  	_ = 	snop  }
0x3c: {  	p2 =	seq.s32 s10, $0x1;
	s10 =	sld [smem:$0x3FB5]  }
0x3d: {  	_ =	shalt  }
0x3e: {  	_ =	shalt  }
0x3f: {  	_ =	shalt  }
0x40: {  	_ =	shalt  }
0x41: {  	_ =	shalt  }
0x42: {  	_ =	shalt  }
0x43: {  	_ =	shalt  }
0x44: {  	_ =	shalt  }
0x45: {  	_ =	shalt  }
0x46: {  	_ =	shalt  }
0x47: {  	_ =	shalt  }
0x48: {  	_ =	shalt  }
0x49: {  	_ =	shalt  }
0x4a: {  	_ =	shalt  }
0x4b: {  	_ =	shalt  }
0x4c: {  	_ =	shalt  }
0x4d: {  	_ =	shalt  }
0x4e: {  	_ =	shalt  }
0x4f: {  	_ =	shalt  }
0x50: {  	_ =	shalt  }
0x51: {  	_ =	shalt  }
0x52: {  	_ =	shalt  }
0x53: {  	_ =	shalt  }
0x54: {  	_ =	shalt  }
0x55: {  	_ =	shalt  }
0x56: {  	_ =	shalt  }
0x57: {  	_ =	shalt  }
0x58: {  	_ =	shalt  }
0x59: {  	_ =	shalt  }
0x5a: {  	_ =	shalt  }
0x5b: {  	_ =	shalt  }
0x5c: {  	_ =	shalt  }
0x5d: {  	_ =	shalt  }
0x5e: {  	_ =	shalt  }
0x5f: {  	_ =	shalt  }
0x60: {  	_ =	shalt  }
0x61: {  	_ =	shalt  }
0x62: {  	_ =	shalt  }
0x63: {  	_ =	shalt  }
0x64: {  	_ =	shalt  }
0x65: {  	_ =	shalt  }
0x66: {  	_ =	shalt  }
0x67: {  	_ =	shalt  }
0x68: {  	_ =	shalt  }
0x69: {  	_ =	shalt  }
0x6a: {  	_ =	shalt  }
0x6b: {  	_ =	shalt  }
0x6c: {  	_ =	shalt  }
0x6d: {  	_ =	shalt  }
0x6e: {  	_ =	shalt  }
0x6f: {  	_ =	shalt  }
0x70: {  	_ =	shalt  }
0x71: {  	_ =	shalt  }
0x72: {  	_ =	shalt  }
0x73: {  	_ =	shalt  }
0x74: {  	_ =	shalt  }
0x75: {  	_ =	shalt  }
0x76: {  	_ =	shalt  }
0x77: {  	_ =	shalt  }
0x78: {  	_ =	shalt  }
0x79: {  	_ =	shalt  }
0x7a: {  	_ =	shalt  }
0x7b: {  	_ =	shalt  }
0x7c: {  	_ =	shalt  }
0x7d: {  	_ =	shalt  }
0x7e: {  	_ =	shalt  }
0x7f: {  	_ =	shalt  }
0x80: {  	_ =	shalt  }
0x81: {  	_ =	shalt  }
0x82: {  	_ =	shalt  }
0x83: {  	_ =	shalt  }
0x84: {  	_ =	shalt  }
0x85: {  	_ =	shalt  }
0x86: {  	_ =	shalt  }
0x87: {  	_ =	shalt  }
.Lfunc_end0:
.L_simem_size_0:
called_computation_lowered:
.L_overlay_start_0:
0x88: {  	s2 =	sld [smem:$0x3FD9]  }
0x89: {  	s3 =	sld [smem:$0x3FFE];
	_ =	sdelay $0x1  }
0x8a: {  	s1 =	srdreg.scid  }
0x8b: {  	s0 =	sand.u32 $0x1, s1  }
0x8c: {  	s14 =	sshll.u32 s0, $0xA;
	s2 =	sadd.s32 s3, s2  }
0x8d: {  	s2 =	sadd.s32 s2, s14  }
0x8e: {  	[smem:$0x3FC1] =	sst s2  }
0x8f: {  	_ = 	snop  }
0x90: {  	s2 =	sld [smem:$0x3FD0];
	_ =	sdelay $0x2  }
0x91: {  	s15 =	simm.s32 $0xA;
	s4 =	simm.s32 $0x10  }
0x92: {  	[smem:s4], [sflag:s15] =	dma.local [hbm:s2], $0x1  }
0x93: {  	_ =	swait.eq [sflag:s15], $0x1  }
0x94: {  	[sflag:s15] =	ssyncset.done $0x0  }
0x95: {  	[sflag:s15] =	ssyncadd.s32 $0xFFFFFFFF  }
0x96: {  	s16 =	sld [smem:$0x11];
	(tm) =	ssettm $0x1  }
0x97: {  	s17 =	sld [smem:$0x3FFB];
	_ =	sdelay $0x3  }
0x98: {  	_ =	strace s17  }
0x99: {  	s3 =	sld [smem:$0x3FFC];
	_ =	sdelay $0x3  }
0x9a: {  	_ =	strace s3  }
0x9b: {  	s3 =	sld [smem:$0x3FFD];
	_ =	sdelay $0x3  }
0x9c: {  	_ =	strace s3  }
0x9d: {  	_ =	strace $0x8FFFFFFF  }
0x9e: {  	s18 =	sld [smem:$0x3FDB];
	_ =	sdelay $0x1  }
0x9f: {  	s19 =	simm.s32 $_scs_section_size  }
0xa0: {  	s5 =	simm.s32 $_size__tile_overlayer_lowered;
	s6 =	simm.s32 $_tile_overlayer_lowered  }
0xa1: {  	s22 =	simm.s32 $0x1BFF;
	s21 =	sshll.u32 s6, $0x1;
	s3 =	sadd.s32 s19, s18  }
0xa2: {  	s7 =	simm.s32 $0x0;
	s20 =	sshll.u32 s5, $0x1;
	s5 =	sadd.s32 s21, s3  }
0xa3: {  	[timem:s7], [sflag:s22] =	dma.local [hbm:s5], s20  }
0xa4: {  	_ =	swait.ge [sflag:s22], s20  }
0xa5: {  	s4 =	ssub.s32 $0x0, s20;
	[sflag:s22] =	ssyncset.done $0x0  }
0xa6: {  	[sflag:s22] =	ssyncadd.s32 s4;
	_ =	sdelay $0x1  }
0xa7: {  	s23 =	simm.s32 $0x1B8B  }
0xa8: {  	_ =	swait.ge [sflag:s23], $0x1  }
0xa9: {  	[sflag:s23] =	ssyncset.done $0x0  }
0xaa: {  	s25 =	simm.s32 $0x1B8E;
	s24 =	sld [smem:$0x3FFE];
	[sflag:s23] =	ssyncadd.s32 $0xFFFFFFFF  }
0xab: {  	s26 =	simm.s32 $execute0_lowered;
	[smem:$0x3FD2] =	sst s25  }
0xac: {  	s5 =	sshll.u32 s26, $0x1;
	_ =	strace $0x80000046;
	[dreg:$0x1] =	wrdreg $0xFFFFFFFF  }
0xad: {  	s28 =	simm.s32 $_size_execute0_lowered;
	s3 =	sadd.s32 s3, s5;
	[dreg:$0x0] =	wrdreg $0x0  }
0xae: {  	s5 =	sshll.u32 s28, $0x1;
	[dreg:$0x2] =	wrdreg s3  }
0xaf: {  	[dreg:$0x3] =	wrdreg s5  }
0xb0: {  	[dreg:$0x4] =	wrdreg $0xC0  }
0xb1: {  	_ =	task [dreg:s7], $0x5FFFF  }
0xb2: {  	[dreg:$0x1] =	wrdreg $0xFFFFFFFF  }
0xb3: {  	[dreg:$0x0] =	wrdreg $0x60  }
0xb4: {  	[dreg:$0x2] =	wrdreg s24  }
0xb5: {  	[dreg:$0x3] =	wrdreg s16  }
0xb6: {  	[dreg:$0x4] =	wrdreg $0xA0000  }
0xb7: {  	[dreg:$0x5] =	wrdreg $0x9  }
0xb8: {  	_ =	task.clear_ibuf [dreg:s7], $0x6FFFF;
	_ =	strace $0x90000046  }
0xb9: {  	s29 =	simm.s32 $0x9;
	_ =	strace $0x80000048  }
0xba: {  	_ =	swait.ge [sflag:s29], $0x1  }
0xbb: {  	[sflag:s29] =	ssyncadd.s32 $0xFFFFFFFF  }
0xbc: {  	_ =	strace $0x90000048  }
0xbd: {  	_ =	sfence  }
0xbe: {  	s30 =	sld [smem:$0x0];
	_ =	sdelay $0x2  }
0xbf: {  	s31 =	sshll.u32 s1, $0xD;
	s1 =	sshrl.u32 s1, $0x2  }
0xc0: {  	s3 =	sand.u32 $0x4000, s31;
	s1 =	sadd.s32 s1, s30  }
0xc1: {  	s0 =	sor.u32 s3, s0;
	s1 =	sshll.u32 s1, $0x11  }
0xc2: {  	s0 =	sor.u32 s1, s0  }
0xc3: {  	s0 =	sadd.s32 $0x8F2B, s0  }
0xc4: {  	[sflag:s0] =	ssyncadd.remote.s32 $0x1  }
0xc5: {  	_ =	sfence.sel $0xFFFF  }
0xc6: {  	[dreg:$0x0] =	wrdreg $0xFFFFFFFF;
	(pc) =	sbr.abs _section_cstart, $3  }
0xc7: {  	[dreg:$0x1] =	wrdreg $0xFFFFFFFF  }
0xc8: {  	_ =	task.clear_ibuf [dreg:s7], $0x2FFFF;
	_ =	strace $0x9FFFFFFF  }
0xc9: {  	(tm) =	ssettm $0x7FFFFFFF  }
tec
execute0_lowered:
.L_overlay_start_1:
0x0: {  	(tag) =	ssettag $0x1  }
0x1: {  	s0 =	srdreg.scid  }
0x2: {  	s2 =	rddreg [dreg:$0x0];
	s24 =	stileid.u32;
	s4 =	simm.s32 $0x0  }
0x3: {  	s29 =	simm.s32 $0x5;
	s0 =	sand.u32 $0x1, s0;
	s17 =	smul.u32 $0x14000, s24  }
0x4: {  	s31 =	simm.s32 $0x3;
	[smem:$0x7FF] =	sst s4;
	s18 =	smul.u32 $0x140000, s0  }
0x5: {  	s19 =	sadd.s32 $0x77200, s2;
	s1 =	ssub.s32 $0x2, s0;
	s0 =	smul.u32 $0xA0000, s0  }
0x6: {  	s3 =	sshrl.u32 s1, $0x1;
	s4 =	sor.u32 $0x1400, s17;
	s5 =	sor.u32 $0x2800, s17  }
0x7: {  	s6 =	sor.u32 $0x3C00, s17;
	s7 =	sadd.s32 $0x5000, s17;
	s8 =	sadd.s32 $0x6400, s17  }
0x8: {  	s9 =	sadd.s32 $0x7800, s17;
	s10 =	sadd.s32 $0x8C00, s17;
	s11 =	sadd.s32 $0xA000, s17  }
0x9: {  	s15 =	sadd.s32 $0xB400, s17;
	s16 =	sadd.s32 $0xC800, s17;
	s12 =	sadd.s32 $0xDC00, s17  }
0xa: {  	s13 =	sadd.s32 $0xF000, s17;
	s14 =	sadd.s32 $0x11800, s17;
	s1 =	ssub.s32 s1, s3  }
0xb: {  	s3 =	sadd.s32 $0x10400, s17;
	s20 =	sadd.s32 s17, s18;
	s21 =	sadd.s32 s18, s4  }
0xc: {  	s17 =	sadd.s32 $0x12C00, s17;
	s25 =	sadd.s32 s18, s5;
	s26 =	sadd.s32 s18, s6  }
0xd: {  	s22 =	sadd.s32 s18, s7;
	s20 =	sshrl.u32 s20, $0x3;
	s23 =	sshrl.u32 s21, $0x3  }
0xe: {  	s21 =	sshrl.u32 s26, $0x3;
	s22 =	sshrl.u32 s22, $0x3;
	s20 =	sadd.s32 s19, s20  }
0xf: {  	s26 =	sadd.s32 s18, s10;
	s21 =	sadd.s32 s19, s21;
	[dreg:$0x4] =	wrdreg s20  }
0x10: {  	s20 =	sadd.s32 s19, s23;
	[dreg:$0x7] =	wrdreg s21;
	s23 =	sadd.s32 s18, s8  }
0x11: {  	[dreg:$0x5] =	wrdreg s20;
	s20 =	sshrl.u32 s25, $0x3;
	s25 =	sadd.s32 s18, s9  }
0x12: {  	s20 =	sadd.s32 s19, s20;
	s21 =	sshrl.u32 s25, $0x3;
	s25 =	sadd.s32 s18, s15  }
0x13: {  	[dreg:$0x6] =	wrdreg s20;
	s20 =	sadd.s32 s19, s22;
	s21 =	sadd.s32 s19, s21  }
0x14: {  	s22 =	sshrl.u32 s26, $0x3;
	s26 =	sadd.s32 s18, s16;
	[dreg:$0x8] =	wrdreg s20  }
0x15: {  	s20 =	sshrl.u32 s23, $0x3;
	[dreg:$0xa] =	wrdreg s21;
	s23 =	sadd.s32 s18, s11  }
0x16: {  	s21 =	sshrl.u32 s25, $0x3;
	s25 =	sadd.s32 s18, s13;
	s20 =	sadd.s32 s19, s20  }
0x17: {  	s21 =	sadd.s32 s19, s21;
	[dreg:$0x9] =	wrdreg s20;
	s20 =	sadd.s32 s19, s22  }
0x18: {  	[dreg:$0xd] =	wrdreg s21;
	s22 =	sshrl.u32 s26, $0x3;
	s21 =	sshrl.u32 s25, $0x3  }
0x19: {  	[dreg:$0xb] =	wrdreg s20;
	s20 =	sshrl.u32 s23, $0x3;
	s21 =	sadd.s32 s19, s21  }
0x1a: {  	s26 =	sadd.s32 s18, s3;
	s20 =	sadd.s32 s19, s20;
	[dreg:$0x10] =	wrdreg s21  }
0x1b: {  	s25 =	sadd.s32 s18, s17;
	[dreg:$0xc] =	wrdreg s20;
	s20 =	sadd.s32 s19, s22  }
0x1c: {  	s23 =	sadd.s32 s18, s12;
	s21 =	sshrl.u32 s25, $0x3;
	[dreg:$0xe] =	wrdreg s20  }
0x1d: {  	s20 =	sshrl.u32 s23, $0x3;
	s23 =	sadd.s32 s18, s14;
	s18 =	rddreg [dreg:$0x2]  }
0x1e: {  	s22 =	sshrl.u32 s26, $0x3;
	s20 =	sadd.s32 s19, s20;
	s28 =	sadd.s32 s4, s18  }
0x1f: {  	s30 =	sadd.s32 s5, s18;
	[dreg:$0xf] =	wrdreg s20;
	s20 =	sadd.s32 s19, s22  }
0x20: {  	s6 =	sadd.s32 s6, s18;
	[dreg:$0x11] =	wrdreg s20;
	s20 =	sshrl.u32 s23, $0x3  }
0x21: {  	s7 =	sadd.s32 s7, s18;
	s8 =	sadd.s32 s8, s18;
	s20 =	sadd.s32 s19, s20  }
0x22: {  	s9 =	sadd.s32 s9, s18;
	s19 =	sadd.s32 s19, s21;
	[dreg:$0x12] =	wrdreg s20  }
0x23: {  	s10 =	sadd.s32 s10, s18;
	s11 =	sadd.s32 s11, s18;
	[dreg:$0x13] =	wrdreg s19  }
0x24: {  	s15 =	sadd.s32 s15, s18;
	_ =	strace $0x80000047;
	[dreg:$0x17] =	wrdreg s6  }
0x25: {  	s16 =	sadd.s32 s16, s18;
	s5 =	smul.u32 $0xA000, s24;
	[dreg:$0x18] =	wrdreg s7  }
0x26: {  	s25 =	sadd.s32 s14, s18;
	s17 =	sadd.s32 s17, s18;
	[dreg:$0x19] =	wrdreg s8  }
0x27: {  	s14 =	simm.s32 $0x40;
	s4 =	simm.s32 $0x1180;
	[dreg:$0x1a] =	wrdreg s9  }
0x28: {  	s22 =	sadd.s32 $0x4F200, s2;
	s23 =	smul.u32 $0x50000, s24;
	[dreg:$0x1b] =	wrdreg s10  }
0x29: {  	s24 =	sadd.s32 s3, s18;
	s3 =	simm.s32 $0x4;
	[dreg:$0x1c] =	wrdreg s11  }
0x2a: {  	s21 =	sadd.s32 $0x1000, s2;
	s19 =	sadd.s32 s12, s18;
	[dreg:$0x1d] =	wrdreg s15  }
0x2b: {  	s26 =	sshrl.u32 s23, $0x2;
	s23 =	sadd.s32 s13, s18;
	[dreg:$0x1f] =	wrdreg s19  }
0x2c: {  	s2 =	simm.s32 $0x280;
	s12 =	simm.s32 $0x9;
	[smem:$0x7F9] =	sst s23  }
0x2d: {  	s13 =	simm.s32 $0x1000;
	s20 =	sadd.s32 s26, s18;
	[smem:$0x7FA] =	sst s25  }
0x2e: {  	s9 =	sadd.s32 s0, s5;
	s26 =	smax.u32 s1, $0x1;
	[dreg:$0x15] =	wrdreg s28  }
0x2f: {  	s11 =	simm.s32 $0x2000;
	s19 =	simm.s32 $0x4000;
	[dreg:$0x16] =	wrdreg s30  }
.Ltmp0:
0x30: {  	s10 =	simm.s32 $0x6000;
	[dreg:$0x1e] =	wrdreg s16;
	(pc) =	sbr.rel .LBB2_1-.Ltmp0, $4  }
0x31: {  	s23 =	simm.s32 $0x1;
	s25 =	simm.s32 $0x8000;
	[smem:$0x7FC] =	sst s24  }
0x32: {  	s0 =	simm.s32 $0x6;
	s6 =	simm.s32 $0x7;
	[smem:$0x7FD] =	sst s17  }
0x33: {  	s7 =	simm.s32 $0x300;
	s8 =	simm.s32 $0x8;
	[smem:$0x7FB] =	sst s26  }
0x34: {  	v0 =	vimm.f32 $0.0e+00;
	s15 =	simm.s32 $0x0;
	s26 =	simm.s32 $0x2;
	[dreg:$0x14] =	wrdreg s20  }
.LBB2_8:
0x35: {  	[bflag:$0x0] =	sbarrier.arrive $0xFFFF  }
0x36: {  	s20 =	rddreg [dreg:$0x14]  }
0x37: {  	[tilespmem:s11], [sflag:$0x9] =	stream.linear.gather [spmem:s20], $0x1400, $0x38;
	[tilespmem:$0x1E000] =	vst v63  }
0x38: {  	_ =	swait.ge [sflag:s12], $0x1400  }
0x39: {  	[sflag:s12] =	ssyncset.done $0x0  }
0x3a: {  	s1 =	simm.s32 $0x0;
	s15 =	rddreg [dreg:$0x4];
	[sflag:s12] =	ssyncadd.s32 $0xFFFFEC00  }
0x3b: {  	[hbm4b:s15+s1] =	stream.linear.scatter [tilespmem:s11], [sflag:$0x9], $0x1400, $0x38;
	[tilespmem:$0x1E000] =	vst v63  }
0x3c: {  	_ =	swait.ge [sflag:s12], $0x1400  }
0x3d: {  	[sflag:s12] =	ssyncset.done $0x0  }
0x3e: {  	s28 =	rddreg [dreg:$0x15];
	[sflag:s12] =	ssyncadd.s32 $0xFFFFEC00  }
0x3f: {  	[tilespmem:s11], [sflag:$0x9] =	stream.linear.gather [spmem:s28], $0x1400, $0x38;
	[tilespmem:$0x1E000] =	vst v63  }
0x40: {  	_ =	swait.ge [sflag:s12], $0x1400  }
0x41: {  	[sflag:s12] =	ssyncset.done $0x0  }
0x42: {  	s17 =	rddreg [dreg:$0x5];
	[sflag:s12] =	ssyncadd.s32 $0xFFFFEC00  }
0x43: {  	[hbm4b:s17+s1] =	stream.linear.scatter [tilespmem:s11], [sflag:$0x9], $0x1400, $0x38;
	[tilespmem:$0x1E000] =	vst v63  }
0x44: {  	_ =	swait.ge [sflag:s12], $0x1400  }
0x45: {  	[sflag:s12] =	ssyncset.done $0x0  }
0x46: {  	s30 =	rddreg [dreg:$0x16];
	[sflag:s12] =	ssyncadd.s32 $0xFFFFEC00  }
0x47: {  	[tilespmem:s11], [sflag:$0x9] =	stream.linear.gather [spmem:s30], $0x1400, $0x38;
	[tilespmem:$0x1E000] =	vst v63  }
0x48: {  	_ =	swait.ge [sflag:s12], $0x1400  }
0x49: {  	[sflag:s12] =	ssyncset.done $0x0  }
0x4a: {  	s24 =	rddreg [dreg:$0x6];
	[sflag:s12] =	ssyncadd.s32 $0xFFFFEC00  }
0x4b: {  	[hbm4b:s24+s1] =	stream.linear.scatter [tilespmem:s11], [sflag:$0x9], $0x1400, $0x38;
	[tilespmem:$0x1E000] =	vst v63  }
0x4c: {  	_ =	swait.ge [sflag:s12], $0x1400  }
0x4d: {  	[sflag:s12] =	ssyncset.done $0x0  }
0x4e: {  	s16 =	rddreg [dreg:$0x17];
	[sflag:s12] =	ssyncadd.s32 $0xFFFFEC00  }
0x4f: {  	[tilespmem:s11], [sflag:$0x9] =	stream.linear.gather [spmem:s16], $0x1400, $0x38;
	[tilespmem:$0x1E000] =	vst v63  }
0x50: {  	_ =	swait.ge [sflag:s12], $0x1400  }
0x51: {  	[sflag:s12] =	ssyncset.done $0x0  }
0x52: {  	s17 =	rddreg [dreg:$0x7];
	[sflag:s12] =	ssyncadd.s32 $0xFFFFEC00  }
0x53: {  	[hbm4b:s17+s1] =	stream.linear.scatter [tilespmem:s11], [sflag:$0x9], $0x1400, $0x38;
	[tilespmem:$0x1E000] =	vst v63  }
0x54: {  	_ =	swait.ge [sflag:s12], $0x1400  }
0x55: {  	[sflag:s12] =	ssyncset.done $0x0  }
0x56: {  	s24 =	rddreg [dreg:$0x18];
	[sflag:s12] =	ssyncadd.s32 $0xFFFFEC00  }
0x57: {  	[tilespmem:s11], [sflag:$0x9] =	stream.linear.gather [spmem:s24], $0x1400, $0x38;
	[tilespmem:$0x1E000] =	vst v63  }
0x58: {  	_ =	swait.ge [sflag:s12], $0x1400  }
0x59: {  	[sflag:s12] =	ssyncset.done $0x0  }
0x5a: {  	s16 =	rddreg [dreg:$0x8];
	[sflag:s12] =	ssyncadd.s32 $0xFFFFEC00  }
0x5b: {  	[hbm4b:s16+s1] =	stream.linear.scatter [tilespmem:s11], [sflag:$0x9], $0x1400, $0x38;
	[tilespmem:$0x1E000] =	vst v63  }
0x5c: {  	_ =	swait.ge [sflag:s12], $0x1400  }
0x5d: {  	[sflag:s12] =	ssyncset.done $0x0  }
0x5e: {  	s17 =	rddreg [dreg:$0x19];
	[sflag:s12] =	ssyncadd.s32 $0xFFFFEC00  }
0x5f: {  	[tilespmem:s11], [sflag:$0x9] =	stream.linear.gather [spmem:s17], $0x1400, $0x38;
	[tilespmem:$0x1E000] =	vst v63  }
0x60: {  	_ =	swait.ge [sflag:s12], $0x1400  }
0x61: {  	[sflag:s12] =	ssyncset.done $0x0  }
0x62: {  	s24 =	rddreg [dreg:$0x9];
	[sflag:s12] =	ssyncadd.s32 $0xFFFFEC00  }
0x63: {  	[hbm4b:s24+s1] =	stream.linear.scatter [tilespmem:s11], [sflag:$0x9], $0x1400, $0x38;
	[tilespmem:$0x1E000] =	vst v63  }
0x64: {  	_ =	swait.ge [sflag:s12], $0x1400  }
0x65: {  	[sflag:s12] =	ssyncset.done $0x0  }
0x66: {  	s16 =	rddreg [dreg:$0x1a];
	[sflag:s12] =	ssyncadd.s32 $0xFFFFEC00  }
0x67: {  	[tilespmem:s11], [sflag:$0x9] =	stream.linear.gather [spmem:s16], $0x1400, $0x38;
	[tilespmem:$0x1E000] =	vst v63  }
0x68: {  	_ =	swait.ge [sflag:s12], $0x1400  }
0x69: {  	[sflag:s12] =	ssyncset.done $0x0  }
0x6a: {  	s17 =	rddreg [dreg:$0xa];
	[sflag:s12] =	ssyncadd.s32 $0xFFFFEC00  }
0x6b: {  	[hbm4b:s17+s1] =	stream.linear.scatter [tilespmem:s11], [sflag:$0x9], $0x1400, $0x38;
	[tilespmem:$0x1E000] =	vst v63  }
0x6c: {  	_ =	swait.ge [sflag:s12], $0x1400  }
0x6d: {  	[sflag:s12] =	ssyncset.done $0x0  }
0x6e: {  	s24 =	rddreg [dreg:$0x1b];
	[sflag:s12] =	ssyncadd.s32 $0xFFFFEC00  }
0x6f: {  	[tilespmem:s11], [sflag:$0x9] =	stream.linear.gather [spmem:s24], $0x1400, $0x38;
	[tilespmem:$0x1E000] =	vst v63  }
0x70: {  	_ =	swait.ge [sflag:s12], $0x1400  }
0x71: {  	[sflag:s12] =	ssyncset.done $0x0  }
0x72: {  	s16 =	rddreg [dreg:$0xb];
	[sflag:s12] =	ssyncadd.s32 $0xFFFFEC00  }
0x73: {  	[hbm4b:s16+s1] =	stream.linear.scatter [tilespmem:s11], [sflag:$0x9], $0x1400, $0x38;
	[tilespmem:$0x1E000] =	vst v63  }
0x74: {  	_ =	swait.ge [sflag:s12], $0x1400  }
0x75: {  	[sflag:s12] =	ssyncset.done $0x0  }
0x76: {  	s17 =	rddreg [dreg:$0x1c];
	[sflag:s12] =	ssyncadd.s32 $0xFFFFEC00  }
0x77: {  	[tilespmem:s11], [sflag:$0x9] =	stream.linear.gather [spmem:s17], $0x1400, $0x38;
	[tilespmem:$0x1E000] =	vst v63  }
0x78: {  	_ =	swait.ge [sflag:s12], $0x1400  }
0x79: {  	[sflag:s12] =	ssyncset.done $0x0  }
0x7a: {  	s24 =	rddreg [dreg:$0xc];
	[sflag:s12] =	ssyncadd.s32 $0xFFFFEC00  }
0x7b: {  	[hbm4b:s24+s1] =	stream.linear.scatter [tilespmem:s11], [sflag:$0x9], $0x1400, $0x38;
	[tilespmem:$0x1E000] =	vst v63  }
0x7c: {  	_ =	swait.ge [sflag:s12], $0x1400  }
0x7d: {  	[sflag:s12] =	ssyncset.done $0x0  }
0x7e: {  	s16 =	rddreg [dreg:$0x1d];
	[sflag:s12] =	ssyncadd.s32 $0xFFFFEC00  }
0x7f: {  	[tilespmem:s11], [sflag:$0x9] =	stream.linear.gather [spmem:s16], $0x1400, $0x38;
	[tilespmem:$0x1E000] =	vst v63  }
0x80: {  	_ =	swait.ge [sflag:s12], $0x1400  }
0x81: {  	[sflag:s12] =	ssyncset.done $0x0  }
0x82: {  	s17 =	rddreg [dreg:$0xd];
	[sflag:s12] =	ssyncadd.s32 $0xFFFFEC00  }
0x83: {  	[hbm4b:s17+s1] =	stream.linear.scatter [tilespmem:s11], [sflag:$0x9], $0x1400, $0x38;
	[tilespmem:$0x1E000] =	vst v63  }
0x84: {  	_ =	swait.ge [sflag:s12], $0x1400  }
0x85: {  	[sflag:s12] =	ssyncset.done $0x0  }
0x86: {  	s16 =	rddreg [dreg:$0x1e];
	[sflag:s12] =	ssyncadd.s32 $0xFFFFEC00  }
0x87: {  	[tilespmem:s11], [sflag:$0x9] =	stream.linear.gather [spmem:s16], $0x1400, $0x38;
	[tilespmem:$0x1E000] =	vst v63  }
0x88: {  	_ =	swait.ge [sflag:s12], $0x1400  }
0x89: {  	[sflag:s12] =	ssyncset.done $0x0  }
0x8a: {  	s24 =	rddreg [dreg:$0xe];
	[sflag:s12] =	ssyncadd.s32 $0xFFFFEC00  }
0x8b: {  	[hbm4b:s24+s1] =	stream.linear.scatter [tilespmem:s11], [sflag:$0x9], $0x1400, $0x38;
	[tilespmem:$0x1E000] =	vst v63  }
0x8c: {  	_ =	swait.ge [sflag:s12], $0x1400  }
0x8d: {  	[sflag:s12] =	ssyncset.done $0x0  }
0x8e: {  	s17 =	rddreg [dreg:$0x1f];
	[sflag:s12] =	ssyncadd.s32 $0xFFFFEC00  }
0x8f: {  	[tilespmem:s11], [sflag:$0x9] =	stream.linear.gather [spmem:s17], $0x1400, $0x38;
	[tilespmem:$0x1E000] =	vst v63  }
0x90: {  	_ =	swait.ge [sflag:s12], $0x1400  }
0x91: {  	[sflag:s12] =	ssyncset.done $0x0  }
0x92: {  	s24 =	rddreg [dreg:$0xf];
	[sflag:s12] =	ssyncadd.s32 $0xFFFFEC00  }
0x93: {  	[hbm4b:s24+s1] =	stream.linear.scatter [tilespmem:s11], [sflag:$0x9], $0x1400, $0x38;
	[tilespmem:$0x1E000] =	vst v63  }
0x94: {  	_ =	swait.ge [sflag:s12], $0x1400  }
0x95: {  	s17 =	sld [smem:$0x7F9]  }
0x96: {  	[sflag:s12] =	ssyncset.done $0x0  }
0x97: {  	[sflag:s12] =	ssyncadd.s32 $0xFFFFEC00  }
0x98: {  	[tilespmem:s11], [sflag:$0x9] =	stream.linear.gather [spmem:s17], $0x1400, $0x38;
	[tilespmem:$0x1E000] =	vst v63  }
0x99: {  	_ =	swait.ge [sflag:s12], $0x1400  }
0x9a: {  	[sflag:s12] =	ssyncset.done $0x0  }
0x9b: {  	s24 =	rddreg [dreg:$0x10];
	[sflag:s12] =	ssyncadd.s32 $0xFFFFEC00  }
0x9c: {  	[hbm4b:s24+s1] =	stream.linear.scatter [tilespmem:s11], [sflag:$0x9], $0x1400, $0x38;
	[tilespmem:$0x1E000] =	vst v63  }
0x9d: {  	_ =	swait.ge [sflag:s12], $0x1400  }
0x9e: {  	s24 =	sld [smem:$0x7FC]  }
0x9f: {  	[sflag:s12] =	ssyncset.done $0x0  }
0xa0: {  	[sflag:s12] =	ssyncadd.s32 $0xFFFFEC00  }
0xa1: {  	[tilespmem:s11], [sflag:$0x9] =	stream.linear.gather [spmem:s24], $0x1400, $0x38;
	[tilespmem:$0x1E000] =	vst v63  }
0xa2: {  	_ =	swait.ge [sflag:s12], $0x1400  }
0xa3: {  	[sflag:s12] =	ssyncset.done $0x0  }
0xa4: {  	s17 =	rddreg [dreg:$0x11];
	[sflag:s12] =	ssyncadd.s32 $0xFFFFEC00  }
0xa5: {  	[hbm4b:s17+s1] =	stream.linear.scatter [tilespmem:s11], [sflag:$0x9], $0x1400, $0x38;
	[tilespmem:$0x1E000] =	vst v63  }
0xa6: {  	_ =	swait.ge [sflag:s12], $0x1400  }
0xa7: {  	s17 =	sld [smem:$0x7FA]  }
0xa8: {  	[sflag:s12] =	ssyncset.done $0x0  }
0xa9: {  	[sflag:s12] =	ssyncadd.s32 $0xFFFFEC00  }
0xaa: {  	[tilespmem:s11], [sflag:$0x9] =	stream.linear.gather [spmem:s17], $0x1400, $0x38;
	[tilespmem:$0x1E000] =	vst v63  }
0xab: {  	_ =	swait.ge [sflag:s12], $0x1400  }
0xac: {  	[sflag:s12] =	ssyncset.done $0x0  }
0xad: {  	s17 =	rddreg [dreg:$0x12];
	[sflag:s12] =	ssyncadd.s32 $0xFFFFEC00  }
0xae: {  	[hbm4b:s17+s1] =	stream.linear.scatter [tilespmem:s11], [sflag:$0x9], $0x1400, $0x38;
	[tilespmem:$0x1E000] =	vst v63  }
0xaf: {  	_ =	swait.ge [sflag:s12], $0x1400  }
0xb0: {  	s17 =	sld [smem:$0x7FD]  }
0xb1: {  	[sflag:s12] =	ssyncset.done $0x0  }
0xb2: {  	[sflag:s12] =	ssyncadd.s32 $0xFFFFEC00  }
0xb3: {  	[tilespmem:s11], [sflag:$0x9] =	stream.linear.gather [spmem:s17], $0x1400, $0x38;
	[tilespmem:$0x1E000] =	vst v63  }
0xb4: {  	_ =	swait.ge [sflag:s12], $0x1400  }
0xb5: {  	[sflag:s12] =	ssyncset.done $0x0  }
0xb6: {  	s15 =	rddreg [dreg:$0x13];
	[sflag:s12] =	ssyncadd.s32 $0xFFFFEC00  }
0xb7: {  	[hbm4b:s15+s1] =	stream.linear.scatter [tilespmem:s11], [sflag:$0x9], $0x1400, $0x38;
	[tilespmem:$0x1E000] =	vst v63  }
0xb8: {  	_ =	swait.ge [sflag:s12], $0x1400  }
0xb9: {  	s1 =	sld [smem:$0x7F8];
	_ =	sdelay $0x2  }
0xba: {  	s15 =	sadd.s32 $0x1, s1;
	s1 =	sld [smem:$0x7FB];
	_ =	sdelay $0x2  }
0xbb: {  	p0 =	sne.s32 s15, s1  }
.Ltmp1:
0xbc: {  	_ = 	snop;
	(pc) =	sbr.rel @!p0 .LBB2_9-.Ltmp1, $3  }
0xbd: {  	_ =	sdelay $0x1  }
0xbe: {  	[sflag:s12] =	ssyncset.done $0x0  }
0xbf: {  	[sflag:s12] =	ssyncadd.s32 $0xFFFFEC00  }
.LBB2_1:
0xc0: {  	[smem:$0x7F8] =	sst s15;
	s1 =	simm.s32 $0x0;
	s15 =	simm.s32 $0x200  }
.LBB2_2:
0xc1: {  	p0 =	sne.s32 s15, $0x4E00;
	[tilespmem:s1+$0x2070] =	vst v0  }
0xc2: {  	[tilespmem:s1+$0x2000] =	vst v0  }
0xc3: {  	[tilespmem:s1+$0x2010] =	vst v0  }
.Ltmp2:
0xc4: {  	[tilespmem:s1+$0x2020] =	vst v0;
	(pc) =	sbr.rel @p0 .LBB2_2-.Ltmp2, $4  }
0xc5: {  	[tilespmem:s1+$0x2030] =	vst v0  }
0xc6: {  	[tilespmem:s1+$0x2040] =	vst v0  }
0xc7: {  	[tilespmem:s1+$0x2050] =	vst v0  }
0xc8: {  	[tilespmem:s1+$0x2060] =	vst v0;
	s1 =	sshra.s32 s15, $0x2;
	s15 =	sadd.s32 $0x200, s15  }
0xc9: {  	[tilespmem:s1+$0x2070] =	vst v0  }
0xca: {  	[tilespmem:s1+$0x2000] =	vst v0  }
0xcb: {  	[tilespmem:s1+$0x2010] =	vst v0  }
0xcc: {  	[tilespmem:s1+$0x2020] =	vst v0  }
0xcd: {  	[tilespmem:s1+$0x2030] =	vst v0  }
0xce: {  	[tilespmem:s1+$0x2040] =	vst v0  }
0xcf: {  	[tilespmem:s1+$0x2050] =	vst v0  }
0xd0: {  	[tilespmem:s1+$0x2060] =	vst v0  }
0xd1: {  	[spmem:s20] =	stream.linear.scatter [tilespmem:s11], [sflag:$0x9], $0x1400, $0x38;
	[tilespmem:$0x1E000] =	vst v63  }
0xd2: {  	_ =	swait.ge [sflag:s12], $0x1400  }
0xd3: {  	[sflag:s12] =	ssyncset.done $0x0  }
0xd4: {  	[sflag:s12] =	ssyncadd.s32 $0xFFFFEC00  }
0xd5: {  	[spmem:s28] =	stream.linear.scatter [tilespmem:s11], [sflag:$0x9], $0x1400, $0x38;
	[tilespmem:$0x1E000] =	vst v63  }
0xd6: {  	_ =	swait.ge [sflag:s12], $0x1400  }
0xd7: {  	[sflag:s12] =	ssyncset.done $0x0  }
0xd8: {  	[sflag:s12] =	ssyncadd.s32 $0xFFFFEC00  }
0xd9: {  	[spmem:s30] =	stream.linear.scatter [tilespmem:s11], [sflag:$0x9], $0x1400, $0x38;
	[tilespmem:$0x1E000] =	vst v63  }
0xda: {  	_ =	swait.ge [sflag:s12], $0x1400  }
0xdb: {  	[sflag:s12] =	ssyncset.done $0x0  }
0xdc: {  	s28 =	rddreg [dreg:$0x17];
	[sflag:s12] =	ssyncadd.s32 $0xFFFFEC00  }
0xdd: {  	[spmem:s28] =	stream.linear.scatter [tilespmem:s11], [sflag:$0x9], $0x1400, $0x38;
	[tilespmem:$0x1E000] =	vst v63  }
0xde: {  	_ =	swait.ge [sflag:s12], $0x1400  }
0xdf: {  	[sflag:s12] =	ssyncset.done $0x0  }
0xe0: {  	s30 =	rddreg [dreg:$0x18];
	[sflag:s12] =	ssyncadd.s32 $0xFFFFEC00  }
0xe1: {  	[spmem:s30] =	stream.linear.scatter [tilespmem:s11], [sflag:$0x9], $0x1400, $0x38;
	[tilespmem:$0x1E000] =	vst v63  }
0xe2: {  	_ =	swait.ge [sflag:s12], $0x1400  }
0xe3: {  	[sflag:s12] =	ssyncset.done $0x0  }
0xe4: {  	s15 =	rddreg [dreg:$0x19];
	[sflag:s12] =	ssyncadd.s32 $0xFFFFEC00  }
0xe5: {  	[spmem:s15] =	stream.linear.scatter [tilespmem:s11], [sflag:$0x9], $0x1400, $0x38;
	[tilespmem:$0x1E000] =	vst v63  }
0xe6: {  	_ =	swait.ge [sflag:s12], $0x1400  }
0xe7: {  	[sflag:s12] =	ssyncset.done $0x0  }
0xe8: {  	s20 =	rddreg [dreg:$0x1a];
	[sflag:s12] =	ssyncadd.s32 $0xFFFFEC00  }
0xe9: {  	[spmem:s20] =	stream.linear.scatter [tilespmem:s11], [sflag:$0x9], $0x1400, $0x38;
	[tilespmem:$0x1E000] =	vst v63  }
0xea: {  	_ =	swait.ge [sflag:s12], $0x1400  }
0xeb: {  	[sflag:s12] =	ssyncset.done $0x0  }
0xec: {  	s28 =	rddreg [dreg:$0x1b];
	[sflag:s12] =	ssyncadd.s32 $0xFFFFEC00  }
0xed: {  	[spmem:s28] =	stream.linear.scatter [tilespmem:s11], [sflag:$0x9], $0x1400, $0x38;
	[tilespmem:$0x1E000] =	vst v63  }
0xee: {  	_ =	swait.ge [sflag:s12], $0x1400  }
0xef: {  	[sflag:s12] =	ssyncset.done $0x0  }
0xf0: {  	s30 =	rddreg [dreg:$0x1c];
	[sflag:s12] =	ssyncadd.s32 $0xFFFFEC00  }
0xf1: {  	[spmem:s30] =	stream.linear.scatter [tilespmem:s11], [sflag:$0x9], $0x1400, $0x38;
	[tilespmem:$0x1E000] =	vst v63  }
0xf2: {  	_ =	swait.ge [sflag:s12], $0x1400  }
0xf3: {  	[sflag:s12] =	ssyncset.done $0x0  }
0xf4: {  	s15 =	rddreg [dreg:$0x1d];
	[sflag:s12] =	ssyncadd.s32 $0xFFFFEC00  }
0xf5: {  	[spmem:s15] =	stream.linear.scatter [tilespmem:s11], [sflag:$0x9], $0x1400, $0x38;
	[tilespmem:$0x1E000] =	vst v63  }
0xf6: {  	_ =	swait.ge [sflag:s12], $0x1400  }
0xf7: {  	[sflag:s12] =	ssyncset.done $0x0  }
0xf8: {  	[sflag:s12] =	ssyncadd.s32 $0xFFFFEC00  }
0xf9: {  	[spmem:s16] =	stream.linear.scatter [tilespmem:s11], [sflag:$0x9], $0x1400, $0x38;
	[tilespmem:$0x1E000] =	vst v63  }
0xfa: {  	_ =	swait.ge [sflag:s12], $0x1400  }
0xfb: {  	[sflag:s12] =	ssyncset.done $0x0  }
0xfc: {  	s20 =	rddreg [dreg:$0x1f];
	[sflag:s12] =	ssyncadd.s32 $0xFFFFEC00  }
0xfd: {  	[spmem:s20] =	stream.linear.scatter [tilespmem:s11], [sflag:$0x9], $0x1400, $0x38;
	[tilespmem:$0x1E000] =	vst v63  }
0xfe: {  	_ =	swait.ge [sflag:s12], $0x1400  }
0xff: {  	s28 =	sld [smem:$0x7F9]  }
0x100: {  	[sflag:s12] =	ssyncset.done $0x0  }
0x101: {  	[sflag:s12] =	ssyncadd.s32 $0xFFFFEC00  }
0x102: {  	[spmem:s28] =	stream.linear.scatter [tilespmem:s11], [sflag:$0x9], $0x1400, $0x38;
	[tilespmem:$0x1E000] =	vst v63  }
0x103: {  	_ =	swait.ge [sflag:s12], $0x1400  }
0x104: {  	[sflag:s12] =	ssyncset.done $0x0  }
0x105: {  	[sflag:s12] =	ssyncadd.s32 $0xFFFFEC00  }
0x106: {  	[spmem:s24] =	stream.linear.scatter [tilespmem:s11], [sflag:$0x9], $0x1400, $0x38;
	[tilespmem:$0x1E000] =	vst v63  }
0x107: {  	_ =	swait.ge [sflag:s12], $0x1400  }
0x108: {  	s30 =	sld [smem:$0x7FA]  }
0x109: {  	[sflag:s12] =	ssyncset.done $0x0  }
0x10a: {  	[sflag:s12] =	ssyncadd.s32 $0xFFFFEC00  }
0x10b: {  	[spmem:s30] =	stream.linear.scatter [tilespmem:s11], [sflag:$0x9], $0x1400, $0x38;
	[tilespmem:$0x1E000] =	vst v63  }
0x10c: {  	_ =	swait.ge [sflag:s12], $0x1400  }
0x10d: {  	[sflag:s12] =	ssyncset.done $0x0  }
0x10e: {  	[sflag:s12] =	ssyncadd.s32 $0xFFFFEC00  }
0x10f: {  	[spmem:s17] =	stream.linear.scatter [tilespmem:s11], [sflag:$0x9], $0x1400, $0x38;
	[tilespmem:$0x1E000] =	vst v63  }
.Ltmp3:
0x110: {  	_ =	swait.ge [sflag:s12], $0x1400;
	(pc) =	sbr.rel .LBB2_4-.Ltmp3, $4  }
0x111: {  	[sflag:s12] =	ssyncset.done $0x0  }
0x112: {  	[sflag:s12] =	ssyncadd.s32 $0xFFFFEC00  }
0x113: {  	[bflag:$0x0] =	sbarrier.arrive $0xFFFF  }
0x114: {  	s1 =	simm.s32 $0x0;
	s17 =	simm.s32 $0x0  }
.LBB2_7:
0x115: {  	_ =	swait.ge [sflag:s29], $0x2000  }
0x116: {  	[sflag:s29] =	ssyncset.done $0x0  }
0x117: {  	[sflag:s29] =	ssyncadd.s32 $0xFFFFE000  }
0x118: {  	_ =	swait.ge [sflag:s0], $0x2000  }
0x119: {  	[sflag:s0] =	ssyncset.done $0x0  }
0x11a: {  	s17 =	sadd.s32 $0x1, s17;
	[sflag:s0] =	ssyncadd.s32 $0xFFFFE000  }
0x11b: {  	p0 =	sne.s32 s17, $0xA;
	_ =	swait.ge [sflag:s6], $0x2000  }
.Ltmp4:
0x11c: {  	[sflag:s6] =	ssyncset.done $0x0;
	(pc) =	sbr.rel @!p0 .LBB2_8-.Ltmp4, $4  }
0x11d: {  	[sflag:s6] =	ssyncadd.s32 $0xFFFFE000  }
0x11e: {  	_ =	swait.ge [sflag:s8], $0x2000  }
0x11f: {  	[sflag:s8] =	ssyncset.done $0x0  }
0x120: {  	[sflag:s8] =	ssyncadd.s32 $0xFFFFE000  }
.LBB2_4:
0x121: {  	s15 =	sshll.u32 s17, $0xC  }
0x122: {  	s20 =	sadd.s32 s9, s15  }
0x123: {  	s20 =	sshrl.u32 s20, $0x3  }
0x124: {  	s20 =	sadd.s32 s22, s20  }
0x125: {  	[tilespmem:s1], [sflag:$0x9] =	stream.linear.gather [hbm4b:s20+s1], $0x1000, $0x38;
	[tilespmem:$0x1E000] =	vst v63  }
0x126: {  	_ =	swait.ge [sflag:s12], $0x1000  }
0x127: {  	[sflag:s12] =	ssyncset.done $0x0  }
0x128: {  	s15 =	sadd.s32 s5, s15;
	[sflag:s12] =	ssyncadd.s32 $0xFFFFF000  }
0x129: {  	s15 =	sshrl.u32 s15, $0x3;
	s16 =	rddreg [dreg:$0x1]  }
0x12a: {  	s15 =	sadd.s32 s16, s15  }
0x12b: {  	[tilespmem:s13], [sflag:$0x9] =	stream.linear.gather [hbm4b:s15+s1], $0x1000, $0x38;
	[tilespmem:$0x1E000] =	vst v63  }
0x12c: {  	_ =	swait.ge [sflag:s12], $0x1000  }
0x12d: {  	[sflag:s12] =	ssyncset.done $0x0  }
0x12e: {  	[sflag:s12] =	ssyncadd.s32 $0xFFFFF000  }
0x12f: {  	[tilespmem:s11], [sflag:$0x1] =	stream.indirect.gather [hbm4b:s21+s14], $0x80, s1, s14, $0xb8;
	[tilespmem:$0x1E000] =	vst v63  }
0x130: {  	s30 =	simm.s32 $0x80  }
0x131: {  	[tilespmem:s19], [sflag:$0x2] =	stream.indirect.gather [hbm4b:s21+s14], $0x80, s30, s14, $0xb8;
	[tilespmem:$0x1E000] =	vst v63  }
0x132: {  	s16 =	simm.s32 $0x100  }
0x133: {  	[tilespmem:s10], [sflag:$0x3] =	stream.indirect.gather [hbm4b:s21+s14], $0x80, s16, s14, $0xb8;
	[tilespmem:$0x1E000] =	vst v63  }
0x134: {  	_ =	swait.ge [sflag:s23], $0x2000  }
0x135: {  	[sflag:s23] =	ssyncset.done $0x0  }
0x136: {  	[sflag:s23] =	ssyncadd.s32 $0xFFFFE000  }
0x137: {  	[spmem:s18] =	stream.indirect.scatter.add.f32 [tilespmem:s11], [sflag:$0x5], $0x80, s13, s14, $0xb8;
	[tilespmem:$0x1E000] =	vst v63  }
0x138: {  	s20 =	simm.s32 $0x180  }
0x139: {  	[tilespmem:s25], [sflag:$0x4] =	stream.indirect.gather [hbm4b:s21+s14], $0x80, s20, s14, $0xb8;
	[tilespmem:$0x1E000] =	vst v63  }
0x13a: {  	_ =	swait.ge [sflag:s26], $0x2000  }
0x13b: {  	[sflag:s26] =	ssyncset.done $0x0  }
0x13c: {  	s24 =	simm.s32 $0x1080;
	[sflag:s26] =	ssyncadd.s32 $0xFFFFE000  }
0x13d: {  	[spmem:s18] =	stream.indirect.scatter.add.f32 [tilespmem:s19], [sflag:$0x6], $0x80, s24, s14, $0xb8;
	[tilespmem:$0x1E000] =	vst v63  }
0x13e: {  	_ =	swait.ge [sflag:s29], $0x2000  }
0x13f: {  	[sflag:s29] =	ssyncset.done $0x0  }
0x140: {  	s28 =	simm.s32 $0x200;
	[sflag:s29] =	ssyncadd.s32 $0xFFFFE000  }
0x141: {  	[tilespmem:s11], [sflag:$0x1] =	stream.indirect.gather [hbm4b:s21+s14], $0x80, s28, s14, $0xb8;
	[tilespmem:$0x1E000] =	vst v63  }
0x142: {  	_ =	swait.ge [sflag:s31], $0x2000  }
0x143: {  	[sflag:s31] =	ssyncset.done $0x0  }
0x144: {  	s30 =	simm.s32 $0x1100;
	[sflag:s31] =	ssyncadd.s32 $0xFFFFE000  }
0x145: {  	[spmem:s18] =	stream.indirect.scatter.add.f32 [tilespmem:s10], [sflag:$0x7], $0x80, s30, s14, $0xb8;
	[tilespmem:$0x1E000] =	vst v63  }
0x146: {  	_ =	swait.ge [sflag:s0], $0x2000  }
0x147: {  	[sflag:s0] =	ssyncset.done $0x0  }
0x148: {  	[sflag:s0] =	ssyncadd.s32 $0xFFFFE000  }
0x149: {  	[tilespmem:s19], [sflag:$0x2] =	stream.indirect.gather [hbm4b:s21+s14], $0x80, s2, s14, $0xb8;
	[tilespmem:$0x1E000] =	vst v63  }
0x14a: {  	_ =	swait.ge [sflag:s3], $0x2000  }
0x14b: {  	[sflag:s3] =	ssyncset.done $0x0  }
0x14c: {  	[sflag:s3] =	ssyncadd.s32 $0xFFFFE000  }
0x14d: {  	[spmem:s18] =	stream.indirect.scatter.add.f32 [tilespmem:s25], [sflag:$0x8], $0x80, s4, s14, $0xb8;
	[tilespmem:$0x1E000] =	vst v63  }
0x14e: {  	_ =	swait.ge [sflag:s6], $0x2000  }
0x14f: {  	[sflag:s6] =	ssyncset.done $0x0  }
0x150: {  	s15 =	simm.s32 $0x0;
	[sflag:s6] =	ssyncadd.s32 $0xFFFFE000  }
0x151: {  	[tilespmem:s10], [sflag:$0x3] =	stream.indirect.gather [hbm4b:s21+s14], $0x80, s7, s14, $0xb8;
	[tilespmem:$0x1E000] =	vst v63  }
.LBB2_5:
0x152: {  	_ =	swait.ge [sflag:s23], $0x2000  }
0x153: {  	s20 =	sshra.s32 s15, $0x2;
	[sflag:s23] =	ssyncset.done $0x0  }
0x154: {  	s24 =	sadd.s32 $0x1200, s20;
	[sflag:s23] =	ssyncadd.s32 $0xFFFFE000  }
0x155: {  	[spmem:s18] =	stream.indirect.scatter.add.f32 [tilespmem:s11], [sflag:$0x5], $0x80, s24, s14, $0xb8;
	[tilespmem:$0x1E000] =	vst v63  }
0x156: {  	_ =	swait.ge [sflag:s8], $0x2000  }
0x157: {  	[sflag:s8] =	ssyncset.done $0x0  }
0x158: {  	s16 =	sadd.s32 $0x380, s20;
	[sflag:s8] =	ssyncadd.s32 $0xFFFFE000  }
0x159: {  	[tilespmem:s25], [sflag:$0x4] =	stream.indirect.gather [hbm4b:s21+s14], $0x80, s16, s14, $0xb8;
	[tilespmem:$0x1E000] =	vst v63  }
0x15a: {  	_ =	swait.ge [sflag:s26], $0x2000  }
0x15b: {  	p0 =	seq.s32 s15, $0x3000;
	[sflag:s26] =	ssyncset.done $0x0  }
0x15c: {  	s28 =	sadd.s32 $0x1280, s20;
	s24 =	simm.s32 @p0 $0x3;
	[sflag:s26] =	ssyncadd.s32 $0xFFFFE000  }
0x15d: {  	[spmem:s18] =	stream.indirect.scatter.add.f32 [tilespmem:s19], [sflag:$0x6], $0x80, s28, s14, $0xb8;
	[tilespmem:$0x1E000] =	vst v63  }
0x15e: {  	_ =	swait.ge @p0 [sflag:s24], $0x2000  }
0x15f: {  	[sflag:s24] =	ssyncset.done @p0 $0x0  }
0x160: {  	[sflag:s24] =	ssyncadd.s32 @p0 $0xFFFFE000;
	s24 =	sshra.s32 @p0 s15, $0x2  }
0x161: {  	s30 =	simm.s32 @p0 $0x6000;
	s28 =	simm.s32 @p0 $0x40;
	s24 =	sadd.s32 @p0 $0x1300, s24  }
0x162: {  	[spmem:s18] =	stream.indirect.scatter.add.f32 @p0 [tilespmem:s30], [sflag:$0x7], $0x80, s24, s28, $0xb8;
	[tilespmem:$0x1E000] =	vst v63  }
0x163: {  	s24 =	simm.s32 @!p0 $0x5  }
0x164: {  	_ =	swait.ge @!p0 [sflag:s24], $0x2000  }
0x165: {  	[sflag:s24] =	ssyncset.done @!p0 $0x0  }
0x166: {  	[sflag:s24] =	ssyncadd.s32 @!p0 $0xFFFFE000;
	s24 =	sshra.s32 @!p0 s15, $0x2  }
0x167: {  	s16 =	simm.s32 @!p0 $0x2000;
	s30 =	simm.s32 @!p0 $0x40;
	s28 =	sadd.s32 @!p0 $0x400, s24  }
0x168: {  	[tilespmem:s16], [sflag:$0x1] =	stream.indirect.gather @!p0 [hbm4b:s21+s30], $0x80, s28, s30, $0xb8;
	[tilespmem:$0x1E000] =	vst v63  }
0x169: {  	s16 =	simm.s32 @!p0 $0x3  }
0x16a: {  	_ =	swait.ge @!p0 [sflag:s16], $0x2000  }
0x16b: {  	[sflag:s16] =	ssyncset.done @!p0 $0x0  }
0x16c: {  	s28 =	simm.s32 @!p0 $0x6000;
	[sflag:s16] =	ssyncadd.s32 @!p0 $0xFFFFE000;
	s16 =	sadd.s32 @!p0 $0x1300, s24  }
0x16d: {  	[spmem:s18] =	stream.indirect.scatter.add.f32 @!p0 [tilespmem:s28], [sflag:$0x7], $0x80, s16, s30, $0xb8;
	[tilespmem:$0x1E000] =	vst v63  }
0x16e: {  	s16 =	simm.s32 @!p0 $0x6  }
0x16f: {  	_ =	swait.ge @!p0 [sflag:s16], $0x2000  }
0x170: {  	[sflag:s16] =	ssyncset.done @!p0 $0x0  }
0x171: {  	[sflag:s16] =	ssyncadd.s32 @!p0 $0xFFFFE000;
	s16 =	sadd.s32 @!p0 $0x480, s24;
	s24 =	simm.s32 @!p0 $0x4000  }
0x172: {  	[tilespmem:s24], [sflag:$0x2] =	stream.indirect.gather @!p0 [hbm4b:s21+s30], $0x80, s16, s30, $0xb8;
	[tilespmem:$0x1E000] =	vst v63  }
.Ltmp5:
0x173: {  	_ = 	snop;
	(pc) =	sbr.rel @p0 .LBB2_7-.Ltmp5, $4  }
0x174: {  	_ =	swait.ge [sflag:s3], $0x2000  }
0x175: {  	[sflag:s3] =	ssyncset.done $0x0  }
0x176: {  	s30 =	sadd.s32 $0x1380, s20;
	[sflag:s3] =	ssyncadd.s32 $0xFFFFE000  }
0x177: {  	[spmem:s18] =	stream.indirect.scatter.add.f32 [tilespmem:s25], [sflag:$0x8], $0x80, s30, s14, $0xb8;
	[tilespmem:$0x1E000] =	vst v63  }
.Ltmp6:
0x178: {  	(pc) =	sbr.rel .LBB2_5-.Ltmp6, $4  }
0x179: {  	_ =	swait.ge [sflag:s6], $0x2000  }
0x17a: {  	[sflag:s6] =	ssyncset.done $0x0  }
0x17b: {  	s16 =	sadd.s32 $0x500, s20;
	s15 =	sadd.s32 $0x800, s15;
	[sflag:s6] =	ssyncadd.s32 $0xFFFFE000  }
0x17c: {  	[tilespmem:s10], [sflag:$0x3] =	stream.indirect.gather [hbm4b:s21+s14], $0x80, s16, s14, $0xb8;
	[tilespmem:$0x1E000] =	vst v63  }
.LBB2_9:
0x17d: {  	_ =	sfence.sel $0x180000  }
0x17e: {  	[bflag:$0x0] =	sbarrier.arrive $0xFFFF  }
0x17f: {  	_ =	strace $0x90000047  }
0x180: {  	s0 =	stileid.u32;
	[bflag:$0x2] =	sbarrier.arrive $0xFFFF  }
0x181: {  	p0 =	sne.s32 s0, $0x0;
	s0 =	rddreg [dreg:$0x3]  }
0x182: {  	s0 =	sadd.s32 @!p0 $0x100000, s0  }
0x183: {  	[sflag:s0] =	ssyncadd.tile.s32 @!p0 $0x1;
	_ =	shalt  }
.Lfunc_end2:
_tile_overlayer_lowered:
.L_overlay_start_2:
0x184: {  	(tag) =	ssettag $0x2  }
0x185: {  	s0 =	rddreg [dreg:$0x0];
	s2 =	stileid.u32  }
0x186: {  	s1 =	rddreg [dreg:$0x1];
	p0 =	sne.s32 s2, $0x0  }
0x187: {  	s3 =	rddreg [dreg:$0x2];
	[bflag:$0x3] =	sbarrier.arrive $0xFFFF;
	s2 =	simm.s32 @!p0 $0x1C09  }
0x188: {  	[timem:s3], [sflag:s2] =	dma.local @!p0 [hbm:s0], s1  }
0x189: {  	s0 =	simm.s32 @!p0 $0x9  }
0x18a: {  	_ =	swait.ge @!p0 [sflag:s0], s1  }
0x18b: {  	s1 =	ssub.s32 @!p0 $0x0, s1;
	[sflag:s0] =	ssyncset.done @!p0 $0x0  }
0x18c: {  	[sflag:s0] =	ssyncadd.s32 @!p0 s1  }
0x18d: {  	[bflag:$0x3] =	sbarrier.arrive $0xFFFF  }
0x18e: {  	_ =	shalt  }

</sc_bundles>
